<compile_context>
chip_gen: v7x
topology: tpu7x:2x2x1
jax: 0.10.2.dev20260603
libtpu: 0.0.44.dev20260713+nightly
codegen_flags: <defaults>
</compile_context>

<pallas_src>
import functools

import jax
import jax.numpy as jnp
from jax import lax
from jax.experimental import pallas as pl
from jax.experimental.pallas import tpu as pltpu
from jax.experimental.pallas import tpu_sc as plsc

NC = 2
NS = 16
NW = NC * NS
C = 80
NBUF = 4
DUMP = 16


@functools.lru_cache(maxsize=None)
def _make_agg(n, d, k_chunks, n_pad):
    mesh = plsc.VectorSubcoreMesh(
        core_axis_name="c", subcore_axis_name="s",
        num_cores=NC, num_subcores=NS)
    zrows = n_pad // NS
    frows = (n // NS) // 8 * 8
    tail = n - NS * frows

    scratch = (
        [pltpu.VMEM((2, C), jnp.int32) for _ in range(NBUF)]
        + [pltpu.VMEM((C, d), jnp.float32) for _ in range(NBUF)]
        + [pltpu.VMEM_SHARED((n_pad, d), jnp.float32)]
        + [pltpu.SemaphoreType.DMA for _ in range(2 * NBUF)]
    )

    @functools.partial(
        pl.kernel,
        out_type=jax.ShapeDtypeStruct((NC, n, d), jnp.float32),
        mesh=mesh,
        scratch_types=scratch,
    )
    def agg(x_hbm, eidx_hbm, out_hbm, *scr):
        ibufs = scr[:NBUF]
        rbufs = scr[NBUF:2 * NBUF]
        acc_sh = scr[2 * NBUF]
        isems = scr[2 * NBUF + 1:3 * NBUF + 1]
        rsems = scr[3 * NBUF + 1:]
        cid = lax.axis_index("c")
        sid = lax.axis_index("s")
        wid = sid * NC + cid

        buf0 = rbufs[0]
        def zfill(i, carry):
            buf0[i // (d // 16), pl.ds((i % (d // 16)) * 16, 16)] = (
                jnp.zeros((16,), jnp.float32))
            return carry
        lax.fori_loop(0, C * d // 16, zfill, 0, unroll=8)
        for r0 in range(0, zrows, C):
            rr = min(C, zrows - r0)
            pltpu.sync_copy(buf0.at[pl.ds(0, rr)],
                            acc_sh.at[pl.ds(sid * zrows + r0, rr)])
        plsc.subcore_barrier()

        def idx_copy(j, b):
            return pltpu.make_async_copy(
                eidx_hbm.at[wid, j], ibufs[b], isems[b])

        def gather(b):
            return pltpu.make_async_copy(
                x_hbm.at[ibufs[b].at[0]], rbufs[b], rsems[b])

        for b in range(min(NBUF, k_chunks)):
            idx_copy(b, b).start()
        for b in range(min(NBUF - 1, k_chunks)):
            idx_copy(b, b).wait()
            gather(b).start()

        def chunk_group(g, carry):
            for b in range(NBUF):
                j = g * NBUF + b
                gather(b).wait()
                pltpu.sync_copy(rbufs[b], acc_sh.at[ibufs[b].at[1]], add=True)

                @pl.when(j + NBUF < k_chunks)
                def _():
                    idx_copy(j + NBUF, b).start()

                bn = (b + NBUF - 1) % NBUF

                @pl.when(j + NBUF - 1 < k_chunks)
                def _():
                    idx_copy(j + NBUF - 1, bn).wait()
                    gather(bn).start()
            return carry

        lax.fori_loop(0, k_chunks // NBUF, chunk_group, 0, unroll=False)
        for j in range((k_chunks // NBUF) * NBUF, k_chunks):
            b = j % NBUF
            gather(b).wait()
            pltpu.sync_copy(rbufs[b], acc_sh.at[ibufs[b].at[1]], add=True)

        plsc.subcore_barrier()
        pltpu.sync_copy(acc_sh.at[pl.ds(sid * frows, frows)],
                        out_hbm.at[cid, pl.ds(sid * frows, frows)])
        if tail:
            @pl.when(sid == 0)
            def _():
                pltpu.sync_copy(acc_sh.at[pl.ds(NS * frows, tail)],
                                out_hbm.at[cid, pl.ds(NS * frows, tail)])

    return agg


def _mlp_body(x_ref, agg_ref, wa_ref, ba_ref, wb_ref, bb_ref, scale_ref,
              o_ref, *, final_relu):
    h = scale_ref[0] * x_ref[...] + agg_ref[0] + agg_ref[1]
    t = jnp.dot(h, wa_ref[...], preferred_element_type=jnp.float32)
    t = jnp.maximum(t + ba_ref[...], 0.0)
    o = jnp.dot(t, wb_ref[...], preferred_element_type=jnp.float32)
    o = o + bb_ref[...]
    if final_relu:
        o = jnp.maximum(o, 0.0)
    o_ref[...] = o


@functools.lru_cache(maxsize=None)
def _make_mlp(n, d_in, d_hid, d_out, final_relu, bm=2000):
    grid = (n // bm,)
    return pl.pallas_call(
        functools.partial(_mlp_body, final_relu=final_relu),
        grid=grid,
        in_specs=[
            pl.BlockSpec((bm, d_in), lambda i: (i, 0)),
            pl.BlockSpec((NC, bm, d_in), lambda i: (0, i, 0)),
            pl.BlockSpec((d_in, d_hid), lambda i: (0, 0)),
            pl.BlockSpec((1, d_hid), lambda i: (0, 0)),
            pl.BlockSpec((d_hid, d_out), lambda i: (0, 0)),
            pl.BlockSpec((1, d_out), lambda i: (0, 0)),
            pl.BlockSpec(memory_space=pltpu.SMEM),
        ],
        out_specs=pl.BlockSpec((bm, d_out), lambda i: (i, 0)),
        out_shape=jax.ShapeDtypeStruct((n, d_out), jnp.float32),
    )


def kernel(x, edge_index, eps1, w11, b11, w12, b12, eps2, w21, b21, w22, b22):
    n, d = x.shape
    e = edge_index.shape[1]
    assert n % NS == 0

    k_chunks = -(-e // (NW * C))
    k_chunks += (-k_chunks) % NBUF
    e_pad = NW * k_chunks * C
    pad = e_pad - e
    n_pad = n + DUMP

    src = edge_index[0].astype(jnp.int32)
    dst = edge_index[1].astype(jnp.int32)
    if pad:
        ar = jnp.arange(pad, dtype=jnp.int32)
        src = jnp.concatenate([src, (ar * 97) % n])
        dst = jnp.concatenate([dst, n + (ar % DUMP)])
    eidx = jnp.stack(
        [src.reshape(NW, k_chunks, C), dst.reshape(NW, k_chunks, C)], axis=2)

    agg_fn = _make_agg(n, d, k_chunks, n_pad)
    mlp1 = _make_mlp(n, d, w11.shape[1], w12.shape[1], True)
    mlp2 = _make_mlp(n, d, w21.shape[1], w22.shape[1], False)

    p1 = agg_fn(x, eidx)
    h = mlp1(x, p1, w11, b11.reshape(1, -1), w12, b12.reshape(1, -1),
             (1.0 + eps1).reshape(1))
    p2 = agg_fn(h, eidx)
    out = mlp2(h, p2, w21, b21.reshape(1, -1), w22, b22.reshape(1, -1),
               (1.0 + eps2).reshape(1))
    return out

# --- scband reference (transcript-rebuilt; emitter-appended) ---
"""Pipeline reference for scband-gin-78005196030467 (READ-ONLY COPY).

The authoritative reference and input builder live on the scoring server;
editing this copy changes nothing except your own understanding.
"""

import jax, jax.numpy as jnp
import numpy as np

N = 10000
E = 320000
D_IN = 128
D_HID = 128
D_OUT = 128

def setup_inputs(seed: int = 0) -> dict:
    key = jax.random.key(seed)
    ks = jax.random.split(key, 12)
    x = jax.random.normal(ks[0], (N, D_IN), dtype=jnp.float32)
    edge_index = jax.random.randint(ks[1], (2, E), 0, N, dtype=jnp.int64)
    # GINConv 1 MLP: Linear(D_IN, D_HID) -> ReLU -> Linear(D_HID, D_HID)
    w11 = jax.random.normal(ks[2], (D_IN, D_HID), dtype=jnp.float32) * (1.0 / np.sqrt(D_IN))
    b11 = jnp.zeros((D_HID,), dtype=jnp.float32)
    w12 = jax.random.normal(ks[3], (D_HID, D_HID), dtype=jnp.float32) * (1.0 / np.sqrt(D_HID))
    b12 = jnp.zeros((D_HID,), dtype=jnp.float32)
    eps1 = jnp.zeros((), dtype=jnp.float32)  # train_eps=True, init 0
    # GINConv 2 MLP: Linear(D_HID, D_HID) -> ReLU -> Linear(D_HID, D_OUT)
    w21 = jax.random.normal(ks[4], (D_HID, D_HID), dtype=jnp.float32) * (1.0 / np.sqrt(D_HID))
    b21 = jnp.zeros((D_HID,), dtype=jnp.float32)
    w22 = jax.random.normal(ks[5], (D_HID, D_OUT), dtype=jnp.float32) * (1.0 / np.sqrt(D_HID))
    b22 = jnp.zeros((D_OUT,), dtype=jnp.float32)
    eps2 = jnp.zeros((), dtype=jnp.float32)
    return {"x": x, "edge_index": edge_index,
            "eps1": eps1, "w11": w11, "b11": b11, "w12": w12, "b12": b12,
            "eps2": eps2, "w21": w21, "b21": b21, "w22": w22, "b22": b22}

def _gin_conv(x, edge_index, eps, w_a, b_a, w_b, b_b):
    src = edge_index[0]
    dst = edge_index[1]
    # sum-aggregate messages (source features) at destination nodes
    agg = jnp.zeros_like(x).at[dst].add(x[src])
    h = (1.0 + eps) * x + agg
    h = h @ w_a + b_a
    h = jax.nn.relu(h)
    h = h @ w_b + b_b
    return h

def reference(x, edge_index, eps1, w11, b11, w12, b12, eps2, w21, b21, w22, b22):
    h = _gin_conv(x, edge_index, eps1, w11, b11, w12, b12)
    h = jax.nn.relu(h)
    out = _gin_conv(h, edge_index, eps2, w21, b21, w22, b22)
    return out

if __name__ == "__main__":
    import jax
    _d = setup_inputs()
    print(jax.jit(kernel)(*tuple(_d.values())))

</pallas_src>

<mosaic_0001>
#map = affine_map<(d0, d1) -> (0, 0)>
#map1 = affine_map<(d0, d1) -> (0, 0, 0, 0)>
#map2 = affine_map<(d0, d1) -> (0, 0, 0)>
module attributes {stable_mosaic.version = 14 : i64} {
  func.func @agg(%arg0: i32, %arg1: i32, %arg2: memref<10000x128xf32, #tpu.memory_space<hbm>>, %arg3: memref<32x128x2x80xi32, #tpu.memory_space<hbm>>, %arg4: memref<2x10000x128xf32, #tpu.memory_space<hbm>>, %arg5: memref<2x80xi32, #tpu.memory_space<vmem>>, %arg6: memref<2x80xi32, #tpu.memory_space<vmem>>, %arg7: memref<2x80xi32, #tpu.memory_space<vmem>>, %arg8: memref<2x80xi32, #tpu.memory_space<vmem>>, %arg9: memref<80x128xf32, #tpu.memory_space<vmem>>, %arg10: memref<80x128xf32, #tpu.memory_space<vmem>>, %arg11: memref<80x128xf32, #tpu.memory_space<vmem>>, %arg12: memref<80x128xf32, #tpu.memory_space<vmem>>, %arg13: memref<10016x128xf32, #tpu.memory_space<vmem_shared>>, %arg14: memref<!tpu.dma_semaphore, #tpu.memory_space<semaphore_mem>>, %arg15: memref<!tpu.dma_semaphore, #tpu.memory_space<semaphore_mem>>, %arg16: memref<!tpu.dma_semaphore, #tpu.memory_space<semaphore_mem>>, %arg17: memref<!tpu.dma_semaphore, #tpu.memory_space<semaphore_mem>>, %arg18: memref<!tpu.dma_semaphore, #tpu.memory_space<semaphore_mem>>, %arg19: memref<!tpu.dma_semaphore, #tpu.memory_space<semaphore_mem>>, %arg20: memref<!tpu.dma_semaphore, #tpu.memory_space<semaphore_mem>>, %arg21: memref<!tpu.dma_semaphore, #tpu.memory_space<semaphore_mem>>) attributes {dimension_semantics = [#tpu.dimension_semantics<core_parallel>, #tpu.dimension_semantics<subcore_parallel>], iteration_bounds = array<i64: 2, 16>, scalar_prefetch = 0 : i64, scratch_operands = 17 : i64, tpu.core_type = #tpu.core_type<sc_vector_subcore>, window_params = [{transform_indices = #map}, {transform_indices = #map1}, {transform_indices = #map2}]} {
    %mul3A = arith.constant 2 : i32
    %mul3A_0 = arith.muli %arg1, %mul3A : i32
    %add3A = arith.addi %mul3A_0, %arg0 : i32
    %scan3A = arith.constant 0 : i32
    %scan3A_1 = arith.constant 0 : i32
    %scan3A_2 = arith.constant 640 : i32
    %scan3A_3 = arith.addi %scan3A_1, %scan3A_2 : i32
    %scan3A_4 = arith.constant 8 : i32
    scf.for %scan3A_133 = %scan3A_1 to %scan3A_3 step %scan3A_4  : i32 {
      %broadcast_in_dim3A = arith.constant 0.000000e+00 : f32
      %broadcast_in_dim3A_134 = vector.broadcast %broadcast_in_dim3A : f32 to vector<16xf32>
      %jit3A = arith.constant 8 : i32
      %div3A = arith.divsi %scan3A_133, %jit3A : i32
      %sign3A = arith.constant 0 : i32
      %sign3A_135 = arith.cmpi sgt, %scan3A_133, %sign3A : i32
      %sign3A_136 = arith.extui %sign3A_135 : i1 to i32
      %sign3A_137 = arith.constant 0 : i32
      %sign3A_138 = arith.cmpi slt, %scan3A_133, %sign3A_137 : i32
      %sign3A_139 = arith.extui %sign3A_138 : i1 to i32
      %sign3A_140 = arith.subi %sign3A_136, %sign3A_139 : i32
      %sign3A_141 = arith.constant 0 : i32
      %sign3A_142 = arith.cmpi sgt, %jit3A, %sign3A_141 : i32
      %sign3A_143 = arith.extui %sign3A_142 : i1 to i32
      %sign3A_144 = arith.constant 0 : i32
      %sign3A_145 = arith.cmpi slt, %jit3A, %sign3A_144 : i32
      %sign3A_146 = arith.extui %sign3A_145 : i1 to i32
      %sign3A_147 = arith.subi %sign3A_143, %sign3A_146 : i32
      %ne3A = arith.cmpi ne, %sign3A_140, %sign3A_147 : i32
      %rem3A = arith.remsi %scan3A_133, %jit3A : i32
      %ne3A_148 = arith.constant 0 : i32
      %ne3A_149 = arith.cmpi ne, %rem3A, %ne3A_148 : i32
      %and3A = arith.andi %ne3A, %ne3A_149 : i1
      %sub3A = arith.constant 1 : i32
      %sub3A_150 = arith.subi %div3A, %sub3A : i32
      %select_n3A = arith.select %and3A, %sub3A_150, %div3A : i32
      %jit3A_151 = arith.constant 8 : i32
      %eq3A_152 = arith.constant 0 : i32
      %eq3A_153 = arith.cmpi eq, %jit3A_151, %eq3A_152 : i32
      %jit3A_154 = arith.constant 1 : i32
      %select_n3A_155 = arith.select %eq3A_153, %jit3A_154, %jit3A_151 : i32
      %rem3A_156 = arith.remsi %scan3A_133, %select_n3A_155 : i32
      %ne3A_157 = arith.constant 0 : i32
      %ne3A_158 = arith.cmpi ne, %rem3A_156, %ne3A_157 : i32
      %lt3A = arith.constant 0 : i32
      %lt3A_159 = arith.cmpi slt, %rem3A_156, %lt3A : i32
      %lt3A_160 = arith.constant 0 : i32
      %lt3A_161 = arith.cmpi slt, %select_n3A_155, %lt3A_160 : i32
      %ne3A_162 = arith.xori %lt3A_159, %lt3A_161 : i1
      %and3A_163 = arith.andi %ne3A_162, %ne3A_158 : i1
      %add3A_164 = arith.addi %rem3A_156, %select_n3A_155 : i32
      %select_n3A_165 = arith.select %and3A_163, %add3A_164, %rem3A_156 : i32
      %mul3A_166 = arith.constant 16 : i32
      %mul3A_167 = arith.muli %select_n3A_165, %mul3A_166 : i32
      %swap3A = arith.index_cast %select_n3A : i32 to index
      %swap3A_168 = arith.index_cast %mul3A_167 : i32 to index
      %swap3A_169 = tpu.vector_load %arg9[%swap3A, %swap3A_168] {strides = array<i32>} : memref<80x128xf32, #tpu.memory_space<vmem>>, vector<1x16xf32>,
      %swap3A_170 = vector.shape_cast %swap3A_169 : vector<1x16xf32> to vector<16xf32>
      %swap3A_171 = vector.shape_cast %broadcast_in_dim3A_134 : vector<16xf32> to vector<1x16xf32>
      tpu.vector_store %arg9[%swap3A, %swap3A_168], %swap3A_171 {strides = array<i32>} : memref<80x128xf32, #tpu.memory_space<vmem>>, vector<1x16xf32>,
      %scan3A_172 = arith.constant 1 : i32
      %scan3A_173 = arith.addi %scan3A_133, %scan3A_172 : i32
      %broadcast_in_dim3A_174 = arith.constant 0.000000e+00 : f32
      %broadcast_in_dim3A_175 = vector.broadcast %broadcast_in_dim3A_174 : f32 to vector<16xf32>
      %jit3A_176 = arith.constant 8 : i32
      %div3A_177 = arith.divsi %scan3A_173, %jit3A_176 : i32
      %sign3A_178 = arith.constant 0 : i32
      %sign3A_179 = arith.cmpi sgt, %scan3A_173, %sign3A_178 : i32
      %sign3A_180 = arith.extui %sign3A_179 : i1 to i32
      %sign3A_181 = arith.constant 0 : i32
      %sign3A_182 = arith.cmpi slt, %scan3A_173, %sign3A_181 : i32
      %sign3A_183 = arith.extui %sign3A_182 : i1 to i32
      %sign3A_184 = arith.subi %sign3A_180, %sign3A_183 : i32
      %sign3A_185 = arith.constant 0 : i32
      %sign3A_186 = arith.cmpi sgt, %jit3A_176, %sign3A_185 : i32
      %sign3A_187 = arith.extui %sign3A_186 : i1 to i32
      %sign3A_188 = arith.constant 0 : i32
      %sign3A_189 = arith.cmpi slt, %jit3A_176, %sign3A_188 : i32
      %sign3A_190 = arith.extui %sign3A_189 : i1 to i32
      %sign3A_191 = arith.subi %sign3A_187, %sign3A_190 : i32
      %ne3A_192 = arith.cmpi ne, %sign3A_184, %sign3A_191 : i32
      %rem3A_193 = arith.remsi %scan3A_173, %jit3A_176 : i32
      %ne3A_194 = arith.constant 0 : i32
      %ne3A_195 = arith.cmpi ne, %rem3A_193, %ne3A_194 : i32
      %and3A_196 = arith.andi %ne3A_192, %ne3A_195 : i1
      %sub3A_197 = arith.constant 1 : i32
      %sub3A_198 = arith.subi %div3A_177, %sub3A_197 : i32
      %select_n3A_199 = arith.select %and3A_196, %sub3A_198, %div3A_177 : i32
      %jit3A_200 = arith.constant 8 : i32
      %eq3A_201 = arith.constant 0 : i32
      %eq3A_202 = arith.cmpi eq, %jit3A_200, %eq3A_201 : i32
      %jit3A_203 = arith.constant 1 : i32
      %select_n3A_204 = arith.select %eq3A_202, %jit3A_203, %jit3A_200 : i32
      %rem3A_205 = arith.remsi %scan3A_173, %select_n3A_204 : i32
      %ne3A_206 = arith.constant 0 : i32
      %ne3A_207 = arith.cmpi ne, %rem3A_205, %ne3A_206 : i32
      %lt3A_208 = arith.constant 0 : i32
      %lt3A_209 = arith.cmpi slt, %rem3A_205, %lt3A_208 : i32
      %lt3A_210 = arith.constant 0 : i32
      %lt3A_211 = arith.cmpi slt, %select_n3A_204, %lt3A_210 : i32
      %ne3A_212 = arith.xori %lt3A_209, %lt3A_211 : i1
      %and3A_213 = arith.andi %ne3A_212, %ne3A_207 : i1
      %add3A_214 = arith.addi %rem3A_205, %select_n3A_204 : i32
      %select_n3A_215 = arith.select %and3A_213, %add3A_214, %rem3A_205 : i32
      %mul3A_216 = arith.constant 16 : i32
      %mul3A_217 = arith.muli %select_n3A_215, %mul3A_216 : i32
      %swap3A_218 = arith.index_cast %select_n3A_199 : i32 to index
      %swap3A_219 = arith.index_cast %mul3A_217 : i32 to index
      %swap3A_220 = tpu.vector_load %arg9[%swap3A_218, %swap3A_219] {strides = array<i32>} : memref<80x128xf32, #tpu.memory_space<vmem>>, vector<1x16xf32>,
      %swap3A_221 = vector.shape_cast %swap3A_220 : vector<1x16xf32> to vector<16xf32>
      %swap3A_222 = vector.shape_cast %broadcast_in_dim3A_175 : vector<16xf32> to vector<1x16xf32>
      tpu.vector_store %arg9[%swap3A_218, %swap3A_219], %swap3A_222 {strides = array<i32>} : memref<80x128xf32, #tpu.memory_space<vmem>>, vector<1x16xf32>,
      %scan3A_223 = arith.constant 2 : i32
      %scan3A_224 = arith.addi %scan3A_133, %scan3A_223 : i32
      %broadcast_in_dim3A_225 = arith.constant 0.000000e+00 : f32
      %broadcast_in_dim3A_226 = vector.broadcast %broadcast_in_dim3A_225 : f32 to vector<16xf32>
      %jit3A_227 = arith.constant 8 : i32
      %div3A_228 = arith.divsi %scan3A_224, %jit3A_227 : i32
      %sign3A_229 = arith.constant 0 : i32
      %sign3A_230 = arith.cmpi sgt, %scan3A_224, %sign3A_229 : i32
      %sign3A_231 = arith.extui %sign3A_230 : i1 to i32
      %sign3A_232 = arith.constant 0 : i32
      %sign3A_233 = arith.cmpi slt, %scan3A_224, %sign3A_232 : i32
      %sign3A_234 = arith.extui %sign3A_233 : i1 to i32
      %sign3A_235 = arith.subi %sign3A_231, %sign3A_234 : i32
      %sign3A_236 = arith.constant 0 : i32
      %sign3A_237 = arith.cmpi sgt, %jit3A_227, %sign3A_236 : i32
      %sign3A_238 = arith.extui %sign3A_237 : i1 to i32
      %sign3A_239 = arith.constant 0 : i32
      %sign3A_240 = arith.cmpi slt, %jit3A_227, %sign3A_239 : i32
      %sign3A_241 = arith.extui %sign3A_240 : i1 to i32
      %sign3A_242 = arith.subi %sign3A_238, %sign3A_241 : i32
      %ne3A_243 = arith.cmpi ne, %sign3A_235, %sign3A_242 : i32
      %rem3A_244 = arith.remsi %scan3A_224, %jit3A_227 : i32
      %ne3A_245 = arith.constant 0 : i32
      %ne3A_246 = arith.cmpi ne, %rem3A_244, %ne3A_245 : i32
      %and3A_247 = arith.andi %ne3A_243, %ne3A_246 : i1
      %sub3A_248 = arith.constant 1 : i32
      %sub3A_249 = arith.subi %div3A_228, %sub3A_248 : i32
      %select_n3A_250 = arith.select %and3A_247, %sub3A_249, %div3A_228 : i32
      %jit3A_251 = arith.constant 8 : i32
      %eq3A_252 = arith.constant 0 : i32
      %eq3A_253 = arith.cmpi eq, %jit3A_251, %eq3A_252 : i32
      %jit3A_254 = arith.constant 1 : i32
      %select_n3A_255 = arith.select %eq3A_253, %jit3A_254, %jit3A_251 : i32
      %rem3A_256 = arith.remsi %scan3A_224, %select_n3A_255 : i32
      %ne3A_257 = arith.constant 0 : i32
      %ne3A_258 = arith.cmpi ne, %rem3A_256, %ne3A_257 : i32
      %lt3A_259 = arith.constant 0 : i32
      %lt3A_260 = arith.cmpi slt, %rem3A_256, %lt3A_259 : i32
      %lt3A_261 = arith.constant 0 : i32
      %lt3A_262 = arith.cmpi slt, %select_n3A_255, %lt3A_261 : i32
      %ne3A_263 = arith.xori %lt3A_260, %lt3A_262 : i1
      %and3A_264 = arith.andi %ne3A_263, %ne3A_258 : i1
      %add3A_265 = arith.addi %rem3A_256, %select_n3A_255 : i32
      %select_n3A_266 = arith.select %and3A_264, %add3A_265, %rem3A_256 : i32
      %mul3A_267 = arith.constant 16 : i32
      %mul3A_268 = arith.muli %select_n3A_266, %mul3A_267 : i32
      %swap3A_269 = arith.index_cast %select_n3A_250 : i32 to index
      %swap3A_270 = arith.index_cast %mul3A_268 : i32 to index
      %swap3A_271 = tpu.vector_load %arg9[%swap3A_269, %swap3A_270] {strides = array<i32>} : memref<80x128xf32, #tpu.memory_space<vmem>>, vector<1x16xf32>,
      %swap3A_272 = vector.shape_cast %swap3A_271 : vector<1x16xf32> to vector<16xf32>
      %swap3A_273 = vector.shape_cast %broadcast_in_dim3A_226 : vector<16xf32> to vector<1x16xf32>
      tpu.vector_store %arg9[%swap3A_269, %swap3A_270], %swap3A_273 {strides = array<i32>} : memref<80x128xf32, #tpu.memory_space<vmem>>, vector<1x16xf32>,
      %scan3A_274 = arith.constant 3 : i32
      %scan3A_275 = arith.addi %scan3A_133, %scan3A_274 : i32
      %broadcast_in_dim3A_276 = arith.constant 0.000000e+00 : f32
      %broadcast_in_dim3A_277 = vector.broadcast %broadcast_in_dim3A_276 : f32 to vector<16xf32>
      %jit3A_278 = arith.constant 8 : i32
      %div3A_279 = arith.divsi %scan3A_275, %jit3A_278 : i32
      %sign3A_280 = arith.constant 0 : i32
      %sign3A_281 = arith.cmpi sgt, %scan3A_275, %sign3A_280 : i32
      %sign3A_282 = arith.extui %sign3A_281 : i1 to i32
      %sign3A_283 = arith.constant 0 : i32
      %sign3A_284 = arith.cmpi slt, %scan3A_275, %sign3A_283 : i32
      %sign3A_285 = arith.extui %sign3A_284 : i1 to i32
      %sign3A_286 = arith.subi %sign3A_282, %sign3A_285 : i32
      %sign3A_287 = arith.constant 0 : i32
      %sign3A_288 = arith.cmpi sgt, %jit3A_278, %sign3A_287 : i32
      %sign3A_289 = arith.extui %sign3A_288 : i1 to i32
      %sign3A_290 = arith.constant 0 : i32
      %sign3A_291 = arith.cmpi slt, %jit3A_278, %sign3A_290 : i32
      %sign3A_292 = arith.extui %sign3A_291 : i1 to i32
      %sign3A_293 = arith.subi %sign3A_289, %sign3A_292 : i32
      %ne3A_294 = arith.cmpi ne, %sign3A_286, %sign3A_293 : i32
      %rem3A_295 = arith.remsi %scan3A_275, %jit3A_278 : i32
      %ne3A_296 = arith.constant 0 : i32
      %ne3A_297 = arith.cmpi ne, %rem3A_295, %ne3A_296 : i32
      %and3A_298 = arith.andi %ne3A_294, %ne3A_297 : i1
      %sub3A_299 = arith.constant 1 : i32
      %sub3A_300 = arith.subi %div3A_279, %sub3A_299 : i32
      %select_n3A_301 = arith.select %and3A_298, %sub3A_300, %div3A_279 : i32
      %jit3A_302 = arith.constant 8 : i32
      %eq3A_303 = arith.constant 0 : i32
      %eq3A_304 = arith.cmpi eq, %jit3A_302, %eq3A_303 : i32
      %jit3A_305 = arith.constant 1 : i32
      %select_n3A_306 = arith.select %eq3A_304, %jit3A_305, %jit3A_302 : i32
      %rem3A_307 = arith.remsi %scan3A_275, %select_n3A_306 : i32
      %ne3A_308 = arith.constant 0 : i32
      %ne3A_309 = arith.cmpi ne, %rem3A_307, %ne3A_308 : i32
      %lt3A_310 = arith.constant 0 : i32
      %lt3A_311 = arith.cmpi slt, %rem3A_307, %lt3A_310 : i32
      %lt3A_312 = arith.constant 0 : i32
      %lt3A_313 = arith.cmpi slt, %select_n3A_306, %lt3A_312 : i32
      %ne3A_314 = arith.xori %lt3A_311, %lt3A_313 : i1
      %and3A_315 = arith.andi %ne3A_314, %ne3A_309 : i1
      %add3A_316 = arith.addi %rem3A_307, %select_n3A_306 : i32
      %select_n3A_317 = arith.select %and3A_315, %add3A_316, %rem3A_307 : i32
      %mul3A_318 = arith.constant 16 : i32
      %mul3A_319 = arith.muli %select_n3A_317, %mul3A_318 : i32
      %swap3A_320 = arith.index_cast %select_n3A_301 : i32 to index
      %swap3A_321 = arith.index_cast %mul3A_319 : i32 to index
      %swap3A_322 = tpu.vector_load %arg9[%swap3A_320, %swap3A_321] {strides = array<i32>} : memref<80x128xf32, #tpu.memory_space<vmem>>, vector<1x16xf32>,
      %swap3A_323 = vector.shape_cast %swap3A_322 : vector<1x16xf32> to vector<16xf32>
      %swap3A_324 = vector.shape_cast %broadcast_in_dim3A_277 : vector<16xf32> to vector<1x16xf32>
      tpu.vector_store %arg9[%swap3A_320, %swap3A_321], %swap3A_324 {strides = array<i32>} : memref<80x128xf32, #tpu.memory_space<vmem>>, vector<1x16xf32>,
      %scan3A_325 = arith.constant 4 : i32
      %scan3A_326 = arith.addi %scan3A_133, %scan3A_325 : i32
      %broadcast_in_dim3A_327 = arith.constant 0.000000e+00 : f32
      %broadcast_in_dim3A_328 = vector.broadcast %broadcast_in_dim3A_327 : f32 to vector<16xf32>
      %jit3A_329 = arith.constant 8 : i32
      %div3A_330 = arith.divsi %scan3A_326, %jit3A_329 : i32
      %sign3A_331 = arith.constant 0 : i32
      %sign3A_332 = arith.cmpi sgt, %scan3A_326, %sign3A_331 : i32
      %sign3A_333 = arith.extui %sign3A_332 : i1 to i32
      %sign3A_334 = arith.constant 0 : i32
      %sign3A_335 = arith.cmpi slt, %scan3A_326, %sign3A_334 : i32
      %sign3A_336 = arith.extui %sign3A_335 : i1 to i32
      %sign3A_337 = arith.subi %sign3A_333, %sign3A_336 : i32
      %sign3A_338 = arith.constant 0 : i32
      %sign3A_339 = arith.cmpi sgt, %jit3A_329, %sign3A_338 : i32
      %sign3A_340 = arith.extui %sign3A_339 : i1 to i32
      %sign3A_341 = arith.constant 0 : i32
      %sign3A_342 = arith.cmpi slt, %jit3A_329, %sign3A_341 : i32
      %sign3A_343 = arith.extui %sign3A_342 : i1 to i32
      %sign3A_344 = arith.subi %sign3A_340, %sign3A_343 : i32
      %ne3A_345 = arith.cmpi ne, %sign3A_337, %sign3A_344 : i32
      %rem3A_346 = arith.remsi %scan3A_326, %jit3A_329 : i32
      %ne3A_347 = arith.constant 0 : i32
      %ne3A_348 = arith.cmpi ne, %rem3A_346, %ne3A_347 : i32
      %and3A_349 = arith.andi %ne3A_345, %ne3A_348 : i1
      %sub3A_350 = arith.constant 1 : i32
      %sub3A_351 = arith.subi %div3A_330, %sub3A_350 : i32
      %select_n3A_352 = arith.select %and3A_349, %sub3A_351, %div3A_330 : i32
      %jit3A_353 = arith.constant 8 : i32
      %eq3A_354 = arith.constant 0 : i32
      %eq3A_355 = arith.cmpi eq, %jit3A_353, %eq3A_354 : i32
      %jit3A_356 = arith.constant 1 : i32
      %select_n3A_357 = arith.select %eq3A_355, %jit3A_356, %jit3A_353 : i32
      %rem3A_358 = arith.remsi %scan3A_326, %select_n3A_357 : i32
      %ne3A_359 = arith.constant 0 : i32
      %ne3A_360 = arith.cmpi ne, %rem3A_358, %ne3A_359 : i32
      %lt3A_361 = arith.constant 0 : i32
      %lt3A_362 = arith.cmpi slt, %rem3A_358, %lt3A_361 : i32
      %lt3A_363 = arith.constant 0 : i32
      %lt3A_364 = arith.cmpi slt, %select_n3A_357, %lt3A_363 : i32
      %ne3A_365 = arith.xori %lt3A_362, %lt3A_364 : i1
      %and3A_366 = arith.andi %ne3A_365, %ne3A_360 : i1
      %add3A_367 = arith.addi %rem3A_358, %select_n3A_357 : i32
      %select_n3A_368 = arith.select %and3A_366, %add3A_367, %rem3A_358 : i32
      %mul3A_369 = arith.constant 16 : i32
      %mul3A_370 = arith.muli %select_n3A_368, %mul3A_369 : i32
      %swap3A_371 = arith.index_cast %select_n3A_352 : i32 to index
      %swap3A_372 = arith.index_cast %mul3A_370 : i32 to index
      %swap3A_373 = tpu.vector_load %arg9[%swap3A_371, %swap3A_372] {strides = array<i32>} : memref<80x128xf32, #tpu.memory_space<vmem>>, vector<1x16xf32>,
      %swap3A_374 = vector.shape_cast %swap3A_373 : vector<1x16xf32> to vector<16xf32>
      %swap3A_375 = vector.shape_cast %broadcast_in_dim3A_328 : vector<16xf32> to vector<1x16xf32>
      tpu.vector_store %arg9[%swap3A_371, %swap3A_372], %swap3A_375 {strides = array<i32>} : memref<80x128xf32, #tpu.memory_space<vmem>>, vector<1x16xf32>,
      %scan3A_376 = arith.constant 5 : i32
      %scan3A_377 = arith.addi %scan3A_133, %scan3A_376 : i32
      %broadcast_in_dim3A_378 = arith.constant 0.000000e+00 : f32
      %broadcast_in_dim3A_379 = vector.broadcast %broadcast_in_dim3A_378 : f32 to vector<16xf32>
      %jit3A_380 = arith.constant 8 : i32
      %div3A_381 = arith.divsi %scan3A_377, %jit3A_380 : i32
      %sign3A_382 = arith.constant 0 : i32
      %sign3A_383 = arith.cmpi sgt, %scan3A_377, %sign3A_382 : i32
      %sign3A_384 = arith.extui %sign3A_383 : i1 to i32
      %sign3A_385 = arith.constant 0 : i32
      %sign3A_386 = arith.cmpi slt, %scan3A_377, %sign3A_385 : i32
      %sign3A_387 = arith.extui %sign3A_386 : i1 to i32
      %sign3A_388 = arith.subi %sign3A_384, %sign3A_387 : i32
      %sign3A_389 = arith.constant 0 : i32
      %sign3A_390 = arith.cmpi sgt, %jit3A_380, %sign3A_389 : i32
      %sign3A_391 = arith.extui %sign3A_390 : i1 to i32
      %sign3A_392 = arith.constant 0 : i32
      %sign3A_393 = arith.cmpi slt, %jit3A_380, %sign3A_392 : i32
      %sign3A_394 = arith.extui %sign3A_393 : i1 to i32
      %sign3A_395 = arith.subi %sign3A_391, %sign3A_394 : i32
      %ne3A_396 = arith.cmpi ne, %sign3A_388, %sign3A_395 : i32
      %rem3A_397 = arith.remsi %scan3A_377, %jit3A_380 : i32
      %ne3A_398 = arith.constant 0 : i32
      %ne3A_399 = arith.cmpi ne, %rem3A_397, %ne3A_398 : i32
      %and3A_400 = arith.andi %ne3A_396, %ne3A_399 : i1
      %sub3A_401 = arith.constant 1 : i32
      %sub3A_402 = arith.subi %div3A_381, %sub3A_401 : i32
      %select_n3A_403 = arith.select %and3A_400, %sub3A_402, %div3A_381 : i32
      %jit3A_404 = arith.constant 8 : i32
      %eq3A_405 = arith.constant 0 : i32
      %eq3A_406 = arith.cmpi eq, %jit3A_404, %eq3A_405 : i32
      %jit3A_407 = arith.constant 1 : i32
      %select_n3A_408 = arith.select %eq3A_406, %jit3A_407, %jit3A_404 : i32
      %rem3A_409 = arith.remsi %scan3A_377, %select_n3A_408 : i32
      %ne3A_410 = arith.constant 0 : i32
      %ne3A_411 = arith.cmpi ne, %rem3A_409, %ne3A_410 : i32
      %lt3A_412 = arith.constant 0 : i32
      %lt3A_413 = arith.cmpi slt, %rem3A_409, %lt3A_412 : i32
      %lt3A_414 = arith.constant 0 : i32
      %lt3A_415 = arith.cmpi slt, %select_n3A_408, %lt3A_414 : i32
      %ne3A_416 = arith.xori %lt3A_413, %lt3A_415 : i1
      %and3A_417 = arith.andi %ne3A_416, %ne3A_411 : i1
      %add3A_418 = arith.addi %rem3A_409, %select_n3A_408 : i32
      %select_n3A_419 = arith.select %and3A_417, %add3A_418, %rem3A_409 : i32
      %mul3A_420 = arith.constant 16 : i32
      %mul3A_421 = arith.muli %select_n3A_419, %mul3A_420 : i32
      %swap3A_422 = arith.index_cast %select_n3A_403 : i32 to index
      %swap3A_423 = arith.index_cast %mul3A_421 : i32 to index
      %swap3A_424 = tpu.vector_load %arg9[%swap3A_422, %swap3A_423] {strides = array<i32>} : memref<80x128xf32, #tpu.memory_space<vmem>>, vector<1x16xf32>,
      %swap3A_425 = vector.shape_cast %swap3A_424 : vector<1x16xf32> to vector<16xf32>
      %swap3A_426 = vector.shape_cast %broadcast_in_dim3A_379 : vector<16xf32> to vector<1x16xf32>
      tpu.vector_store %arg9[%swap3A_422, %swap3A_423], %swap3A_426 {strides = array<i32>} : memref<80x128xf32, #tpu.memory_space<vmem>>, vector<1x16xf32>,
      %scan3A_427 = arith.constant 6 : i32
      %scan3A_428 = arith.addi %scan3A_133, %scan3A_427 : i32
      %broadcast_in_dim3A_429 = arith.constant 0.000000e+00 : f32
      %broadcast_in_dim3A_430 = vector.broadcast %broadcast_in_dim3A_429 : f32 to vector<16xf32>
      %jit3A_431 = arith.constant 8 : i32
      %div3A_432 = arith.divsi %scan3A_428, %jit3A_431 : i32
      %sign3A_433 = arith.constant 0 : i32
      %sign3A_434 = arith.cmpi sgt, %scan3A_428, %sign3A_433 : i32
      %sign3A_435 = arith.extui %sign3A_434 : i1 to i32
      %sign3A_436 = arith.constant 0 : i32
      %sign3A_437 = arith.cmpi slt, %scan3A_428, %sign3A_436 : i32
      %sign3A_438 = arith.extui %sign3A_437 : i1 to i32
      %sign3A_439 = arith.subi %sign3A_435, %sign3A_438 : i32
      %sign3A_440 = arith.constant 0 : i32
      %sign3A_441 = arith.cmpi sgt, %jit3A_431, %sign3A_440 : i32
      %sign3A_442 = arith.extui %sign3A_441 : i1 to i32
      %sign3A_443 = arith.constant 0 : i32
      %sign3A_444 = arith.cmpi slt, %jit3A_431, %sign3A_443 : i32
      %sign3A_445 = arith.extui %sign3A_444 : i1 to i32
      %sign3A_446 = arith.subi %sign3A_442, %sign3A_445 : i32
      %ne3A_447 = arith.cmpi ne, %sign3A_439, %sign3A_446 : i32
      %rem3A_448 = arith.remsi %scan3A_428, %jit3A_431 : i32
      %ne3A_449 = arith.constant 0 : i32
      %ne3A_450 = arith.cmpi ne, %rem3A_448, %ne3A_449 : i32
      %and3A_451 = arith.andi %ne3A_447, %ne3A_450 : i1
      %sub3A_452 = arith.constant 1 : i32
      %sub3A_453 = arith.subi %div3A_432, %sub3A_452 : i32
      %select_n3A_454 = arith.select %and3A_451, %sub3A_453, %div3A_432 : i32
      %jit3A_455 = arith.constant 8 : i32
      %eq3A_456 = arith.constant 0 : i32
      %eq3A_457 = arith.cmpi eq, %jit3A_455, %eq3A_456 : i32
      %jit3A_458 = arith.constant 1 : i32
      %select_n3A_459 = arith.select %eq3A_457, %jit3A_458, %jit3A_455 : i32
      %rem3A_460 = arith.remsi %scan3A_428, %select_n3A_459 : i32
      %ne3A_461 = arith.constant 0 : i32
      %ne3A_462 = arith.cmpi ne, %rem3A_460, %ne3A_461 : i32
      %lt3A_463 = arith.constant 0 : i32
      %lt3A_464 = arith.cmpi slt, %rem3A_460, %lt3A_463 : i32
      %lt3A_465 = arith.constant 0 : i32
      %lt3A_466 = arith.cmpi slt, %select_n3A_459, %lt3A_465 : i32
      %ne3A_467 = arith.xori %lt3A_464, %lt3A_466 : i1
      %and3A_468 = arith.andi %ne3A_467, %ne3A_462 : i1
      %add3A_469 = arith.addi %rem3A_460, %select_n3A_459 : i32
      %select_n3A_470 = arith.select %and3A_468, %add3A_469, %rem3A_460 : i32
      %mul3A_471 = arith.constant 16 : i32
      %mul3A_472 = arith.muli %select_n3A_470, %mul3A_471 : i32
      %swap3A_473 = arith.index_cast %select_n3A_454 : i32 to index
      %swap3A_474 = arith.index_cast %mul3A_472 : i32 to index
      %swap3A_475 = tpu.vector_load %arg9[%swap3A_473, %swap3A_474] {strides = array<i32>} : memref<80x128xf32, #tpu.memory_space<vmem>>, vector<1x16xf32>,
      %swap3A_476 = vector.shape_cast %swap3A_475 : vector<1x16xf32> to vector<16xf32>
      %swap3A_477 = vector.shape_cast %broadcast_in_dim3A_430 : vector<16xf32> to vector<1x16xf32>
      tpu.vector_store %arg9[%swap3A_473, %swap3A_474], %swap3A_477 {strides = array<i32>} : memref<80x128xf32, #tpu.memory_space<vmem>>, vector<1x16xf32>,
      %scan3A_478 = arith.constant 7 : i32
      %scan3A_479 = arith.addi %scan3A_133, %scan3A_478 : i32
      %broadcast_in_dim3A_480 = arith.constant 0.000000e+00 : f32
      %broadcast_in_dim3A_481 = vector.broadcast %broadcast_in_dim3A_480 : f32 to vector<16xf32>
      %jit3A_482 = arith.constant 8 : i32
      %div3A_483 = arith.divsi %scan3A_479, %jit3A_482 : i32
      %sign3A_484 = arith.constant 0 : i32
      %sign3A_485 = arith.cmpi sgt, %scan3A_479, %sign3A_484 : i32
      %sign3A_486 = arith.extui %sign3A_485 : i1 to i32
      %sign3A_487 = arith.constant 0 : i32
      %sign3A_488 = arith.cmpi slt, %scan3A_479, %sign3A_487 : i32
      %sign3A_489 = arith.extui %sign3A_488 : i1 to i32
      %sign3A_490 = arith.subi %sign3A_486, %sign3A_489 : i32
      %sign3A_491 = arith.constant 0 : i32
      %sign3A_492 = arith.cmpi sgt, %jit3A_482, %sign3A_491 : i32
      %sign3A_493 = arith.extui %sign3A_492 : i1 to i32
      %sign3A_494 = arith.constant 0 : i32
      %sign3A_495 = arith.cmpi slt, %jit3A_482, %sign3A_494 : i32
      %sign3A_496 = arith.extui %sign3A_495 : i1 to i32
      %sign3A_497 = arith.subi %sign3A_493, %sign3A_496 : i32
      %ne3A_498 = arith.cmpi ne, %sign3A_490, %sign3A_497 : i32
      %rem3A_499 = arith.remsi %scan3A_479, %jit3A_482 : i32
      %ne3A_500 = arith.constant 0 : i32
      %ne3A_501 = arith.cmpi ne, %rem3A_499, %ne3A_500 : i32
      %and3A_502 = arith.andi %ne3A_498, %ne3A_501 : i1
      %sub3A_503 = arith.constant 1 : i32
      %sub3A_504 = arith.subi %div3A_483, %sub3A_503 : i32
      %select_n3A_505 = arith.select %and3A_502, %sub3A_504, %div3A_483 : i32
      %jit3A_506 = arith.constant 8 : i32
      %eq3A_507 = arith.constant 0 : i32
      %eq3A_508 = arith.cmpi eq, %jit3A_506, %eq3A_507 : i32
      %jit3A_509 = arith.constant 1 : i32
      %select_n3A_510 = arith.select %eq3A_508, %jit3A_509, %jit3A_506 : i32
      %rem3A_511 = arith.remsi %scan3A_479, %select_n3A_510 : i32
      %ne3A_512 = arith.constant 0 : i32
      %ne3A_513 = arith.cmpi ne, %rem3A_511, %ne3A_512 : i32
      %lt3A_514 = arith.constant 0 : i32
      %lt3A_515 = arith.cmpi slt, %rem3A_511, %lt3A_514 : i32
      %lt3A_516 = arith.constant 0 : i32
      %lt3A_517 = arith.cmpi slt, %select_n3A_510, %lt3A_516 : i32
      %ne3A_518 = arith.xori %lt3A_515, %lt3A_517 : i1
      %and3A_519 = arith.andi %ne3A_518, %ne3A_513 : i1
      %add3A_520 = arith.addi %rem3A_511, %select_n3A_510 : i32
      %select_n3A_521 = arith.select %and3A_519, %add3A_520, %rem3A_511 : i32
      %mul3A_522 = arith.constant 16 : i32
      %mul3A_523 = arith.muli %select_n3A_521, %mul3A_522 : i32
      %swap3A_524 = arith.index_cast %select_n3A_505 : i32 to index
      %swap3A_525 = arith.index_cast %mul3A_523 : i32 to index
      %swap3A_526 = tpu.vector_load %arg9[%swap3A_524, %swap3A_525] {strides = array<i32>} : memref<80x128xf32, #tpu.memory_space<vmem>>, vector<1x16xf32>,
      %swap3A_527 = vector.shape_cast %swap3A_526 : vector<1x16xf32> to vector<16xf32>
      %swap3A_528 = vector.shape_cast %broadcast_in_dim3A_481 : vector<16xf32> to vector<1x16xf32>
      tpu.vector_store %arg9[%swap3A_524, %swap3A_525], %swap3A_528 {strides = array<i32>} : memref<80x128xf32, #tpu.memory_space<vmem>>, vector<1x16xf32>,
    }
    %scan3A_5 = arith.constant 640 : i32
    %mul3A_6 = arith.constant 626 : i32
    %mul3A_7 = arith.muli %arg1, %mul3A_6 : i32
    %add3A_8 = arith.constant 0 : i32
    %add3A_9 = arith.addi %mul3A_7, %add3A_8 : i32
    "tpu.region"() ({
      %run_scoped3A = tpu.sem_alloc : memref<!tpu.dma_semaphore, #tpu.memory_space<semaphore_mem>>
      %dma_start3A_133 = arith.constant 0 : i32
      %dma_start3A_134 = arith.constant 0 : i32
      %dma_start3A_135 = tpu.memref_slice %arg9[%dma_start3A_133, %dma_start3A_134] : memref<80x128xf32, #tpu.memory_space<vmem>> -> memref<80x128xf32, #tpu.memory_space<vmem>>
      %dma_start3A_136 = arith.constant 0 : i32
      %dma_start3A_137 = tpu.memref_slice %arg13[%add3A_9, %dma_start3A_136] : memref<10016x128xf32, #tpu.memory_space<vmem_shared>> -> memref<80x128xf32, #tpu.memory_space<vmem_shared>>
      %dma_start3A_138 = arith.constant 0 : i32
      %dma_start3A_139 = tpu.memref_slice %arg13[%add3A_9, %dma_start3A_138] : memref<10016x128xf32, #tpu.memory_space<vmem_shared>> -> memref<80x128xf32, #tpu.memory_space<vmem_shared>>
      %dma_start3A_140 = arith.constant 0 : i32
      %dma_start3A_141 = arith.constant 0 : i32
      %dma_start3A_142 = tpu.memref_slice %arg9[%dma_start3A_140, %dma_start3A_141] : memref<80x128xf32, #tpu.memory_space<vmem>> -> memref<80x128xf32, #tpu.memory_space<vmem>>
      tpu.enqueue_dma source(%dma_start3A_142 : memref<80x128xf32, #tpu.memory_space<vmem>>) target(%dma_start3A_139 : memref<80x128xf32, #tpu.memory_space<vmem_shared>>) target_semaphore(%run_scoped3A : memref<!tpu.dma_semaphore, #tpu.memory_space<semaphore_mem>>)
      %dma_wait3A_143 = arith.constant 0 : i32
      %dma_wait3A_144 = arith.constant 0 : i32
      %dma_wait3A_145 = tpu.memref_slice %arg9[%dma_wait3A_143, %dma_wait3A_144] : memref<80x128xf32, #tpu.memory_space<vmem>> -> memref<80x128xf32, #tpu.memory_space<vmem>>
      %dma_wait3A_146 = arith.constant 0 : i32
      %dma_wait3A_147 = tpu.memref_slice %arg13[%add3A_9, %dma_wait3A_146] : memref<10016x128xf32, #tpu.memory_space<vmem_shared>> -> memref<80x128xf32, #tpu.memory_space<vmem_shared>>
      %dma_wait3A_148 = arith.constant 0 : i32
      %dma_wait3A_149 = tpu.memref_slice %arg13[%add3A_9, %dma_wait3A_148] : memref<10016x128xf32, #tpu.memory_space<vmem_shared>> -> memref<80x128xf32, #tpu.memory_space<vmem_shared>>
      %dma_wait3A_150 = arith.constant 0 : i32
      %dma_wait3A_151 = arith.constant 0 : i32
      %dma_wait3A_152 = tpu.memref_slice %arg9[%dma_wait3A_150, %dma_wait3A_151] : memref<80x128xf32, #tpu.memory_space<vmem>> -> memref<80x128xf32, #tpu.memory_space<vmem>>
      tpu.wait_dma2 semaphore(%run_scoped3A : memref<!tpu.dma_semaphore, #tpu.memory_space<semaphore_mem>>) src(%dma_wait3A_152 : memref<80x128xf32, #tpu.memory_space<vmem>>) dst(%dma_wait3A_149 : memref<80x128xf32, #tpu.memory_space<vmem_shared>>)
      tpu.yield
    }) : () -> ()
    %mul3A_10 = arith.constant 626 : i32
    %mul3A_11 = arith.muli %arg1, %mul3A_10 : i32
    %add3A_12 = arith.constant 80 : i32
    %add3A_13 = arith.addi %mul3A_11, %add3A_12 : i32
    "tpu.region"() ({
      %run_scoped3A = tpu.sem_alloc : memref<!tpu.dma_semaphore, #tpu.memory_space<semaphore_mem>>
      %dma_start3A_133 = arith.constant 0 : i32
      %dma_start3A_134 = arith.constant 0 : i32
      %dma_start3A_135 = tpu.memref_slice %arg9[%dma_start3A_133, %dma_start3A_134] : memref<80x128xf32, #tpu.memory_space<vmem>> -> memref<80x128xf32, #tpu.memory_space<vmem>>
      %dma_start3A_136 = arith.constant 0 : i32
      %dma_start3A_137 = tpu.memref_slice %arg13[%add3A_13, %dma_start3A_136] : memref<10016x128xf32, #tpu.memory_space<vmem_shared>> -> memref<80x128xf32, #tpu.memory_space<vmem_shared>>
      %dma_start3A_138 = arith.constant 0 : i32
      %dma_start3A_139 = tpu.memref_slice %arg13[%add3A_13, %dma_start3A_138] : memref<10016x128xf32, #tpu.memory_space<vmem_shared>> -> memref<80x128xf32, #tpu.memory_space<vmem_shared>>
      %dma_start3A_140 = arith.constant 0 : i32
      %dma_start3A_141 = arith.constant 0 : i32
      %dma_start3A_142 = tpu.memref_slice %arg9[%dma_start3A_140, %dma_start3A_141] : memref<80x128xf32, #tpu.memory_space<vmem>> -> memref<80x128xf32, #tpu.memory_space<vmem>>
      tpu.enqueue_dma source(%dma_start3A_142 : memref<80x128xf32, #tpu.memory_space<vmem>>) target(%dma_start3A_139 : memref<80x128xf32, #tpu.memory_space<vmem_shared>>) target_semaphore(%run_scoped3A : memref<!tpu.dma_semaphore, #tpu.memory_space<semaphore_mem>>)
      %dma_wait3A_143 = arith.constant 0 : i32
      %dma_wait3A_144 = arith.constant 0 : i32
      %dma_wait3A_145 = tpu.memref_slice %arg9[%dma_wait3A_143, %dma_wait3A_144] : memref<80x128xf32, #tpu.memory_space<vmem>> -> memref<80x128xf32, #tpu.memory_space<vmem>>
      %dma_wait3A_146 = arith.constant 0 : i32
      %dma_wait3A_147 = tpu.memref_slice %arg13[%add3A_13, %dma_wait3A_146] : memref<10016x128xf32, #tpu.memory_space<vmem_shared>> -> memref<80x128xf32, #tpu.memory_space<vmem_shared>>
      %dma_wait3A_148 = arith.constant 0 : i32
      %dma_wait3A_149 = tpu.memref_slice %arg13[%add3A_13, %dma_wait3A_148] : memref<10016x128xf32, #tpu.memory_space<vmem_shared>> -> memref<80x128xf32, #tpu.memory_space<vmem_shared>>
      %dma_wait3A_150 = arith.constant 0 : i32
      %dma_wait3A_151 = arith.constant 0 : i32
      %dma_wait3A_152 = tpu.memref_slice %arg9[%dma_wait3A_150, %dma_wait3A_151] : memref<80x128xf32, #tpu.memory_space<vmem>> -> memref<80x128xf32, #tpu.memory_space<vmem>>
      tpu.wait_dma2 semaphore(%run_scoped3A : memref<!tpu.dma_semaphore, #tpu.memory_space<semaphore_mem>>) src(%dma_wait3A_152 : memref<80x128xf32, #tpu.memory_space<vmem>>) dst(%dma_wait3A_149 : memref<80x128xf32, #tpu.memory_space<vmem_shared>>)
      tpu.yield
    }) : () -> ()
    %mul3A_14 = arith.constant 626 : i32
    %mul3A_15 = arith.muli %arg1, %mul3A_14 : i32
    %add3A_16 = arith.constant 160 : i32
    %add3A_17 = arith.addi %mul3A_15, %add3A_16 : i32
    "tpu.region"() ({
      %run_scoped3A = tpu.sem_alloc : memref<!tpu.dma_semaphore, #tpu.memory_space<semaphore_mem>>
      %dma_start3A_133 = arith.constant 0 : i32
      %dma_start3A_134 = arith.constant 0 : i32
      %dma_start3A_135 = tpu.memref_slice %arg9[%dma_start3A_133, %dma_start3A_134] : memref<80x128xf32, #tpu.memory_space<vmem>> -> memref<80x128xf32, #tpu.memory_space<vmem>>
      %dma_start3A_136 = arith.constant 0 : i32
      %dma_start3A_137 = tpu.memref_slice %arg13[%add3A_17, %dma_start3A_136] : memref<10016x128xf32, #tpu.memory_space<vmem_shared>> -> memref<80x128xf32, #tpu.memory_space<vmem_shared>>
      %dma_start3A_138 = arith.constant 0 : i32
      %dma_start3A_139 = tpu.memref_slice %arg13[%add3A_17, %dma_start3A_138] : memref<10016x128xf32, #tpu.memory_space<vmem_shared>> -> memref<80x128xf32, #tpu.memory_space<vmem_shared>>
      %dma_start3A_140 = arith.constant 0 : i32
      %dma_start3A_141 = arith.constant 0 : i32
      %dma_start3A_142 = tpu.memref_slice %arg9[%dma_start3A_140, %dma_start3A_141] : memref<80x128xf32, #tpu.memory_space<vmem>> -> memref<80x128xf32, #tpu.memory_space<vmem>>
      tpu.enqueue_dma source(%dma_start3A_142 : memref<80x128xf32, #tpu.memory_space<vmem>>) target(%dma_start3A_139 : memref<80x128xf32, #tpu.memory_space<vmem_shared>>) target_semaphore(%run_scoped3A : memref<!tpu.dma_semaphore, #tpu.memory_space<semaphore_mem>>)
      %dma_wait3A_143 = arith.constant 0 : i32
      %dma_wait3A_144 = arith.constant 0 : i32
      %dma_wait3A_145 = tpu.memref_slice %arg9[%dma_wait3A_143, %dma_wait3A_144] : memref<80x128xf32, #tpu.memory_space<vmem>> -> memref<80x128xf32, #tpu.memory_space<vmem>>
      %dma_wait3A_146 = arith.constant 0 : i32
      %dma_wait3A_147 = tpu.memref_slice %arg13[%add3A_17, %dma_wait3A_146] : memref<10016x128xf32, #tpu.memory_space<vmem_shared>> -> memref<80x128xf32, #tpu.memory_space<vmem_shared>>
      %dma_wait3A_148 = arith.constant 0 : i32
      %dma_wait3A_149 = tpu.memref_slice %arg13[%add3A_17, %dma_wait3A_148] : memref<10016x128xf32, #tpu.memory_space<vmem_shared>> -> memref<80x128xf32, #tpu.memory_space<vmem_shared>>
      %dma_wait3A_150 = arith.constant 0 : i32
      %dma_wait3A_151 = arith.constant 0 : i32
      %dma_wait3A_152 = tpu.memref_slice %arg9[%dma_wait3A_150, %dma_wait3A_151] : memref<80x128xf32, #tpu.memory_space<vmem>> -> memref<80x128xf32, #tpu.memory_space<vmem>>
      tpu.wait_dma2 semaphore(%run_scoped3A : memref<!tpu.dma_semaphore, #tpu.memory_space<semaphore_mem>>) src(%dma_wait3A_152 : memref<80x128xf32, #tpu.memory_space<vmem>>) dst(%dma_wait3A_149 : memref<80x128xf32, #tpu.memory_space<vmem_shared>>)
      tpu.yield
    }) : () -> ()
    %mul3A_18 = arith.constant 626 : i32
    %mul3A_19 = arith.muli %arg1, %mul3A_18 : i32
    %add3A_20 = arith.constant 240 : i32
    %add3A_21 = arith.addi %mul3A_19, %add3A_20 : i32
    "tpu.region"() ({
      %run_scoped3A = tpu.sem_alloc : memref<!tpu.dma_semaphore, #tpu.memory_space<semaphore_mem>>
      %dma_start3A_133 = arith.constant 0 : i32
      %dma_start3A_134 = arith.constant 0 : i32
      %dma_start3A_135 = tpu.memref_slice %arg9[%dma_start3A_133, %dma_start3A_134] : memref<80x128xf32, #tpu.memory_space<vmem>> -> memref<80x128xf32, #tpu.memory_space<vmem>>
      %dma_start3A_136 = arith.constant 0 : i32
      %dma_start3A_137 = tpu.memref_slice %arg13[%add3A_21, %dma_start3A_136] : memref<10016x128xf32, #tpu.memory_space<vmem_shared>> -> memref<80x128xf32, #tpu.memory_space<vmem_shared>>
      %dma_start3A_138 = arith.constant 0 : i32
      %dma_start3A_139 = tpu.memref_slice %arg13[%add3A_21, %dma_start3A_138] : memref<10016x128xf32, #tpu.memory_space<vmem_shared>> -> memref<80x128xf32, #tpu.memory_space<vmem_shared>>
      %dma_start3A_140 = arith.constant 0 : i32
      %dma_start3A_141 = arith.constant 0 : i32
      %dma_start3A_142 = tpu.memref_slice %arg9[%dma_start3A_140, %dma_start3A_141] : memref<80x128xf32, #tpu.memory_space<vmem>> -> memref<80x128xf32, #tpu.memory_space<vmem>>
      tpu.enqueue_dma source(%dma_start3A_142 : memref<80x128xf32, #tpu.memory_space<vmem>>) target(%dma_start3A_139 : memref<80x128xf32, #tpu.memory_space<vmem_shared>>) target_semaphore(%run_scoped3A : memref<!tpu.dma_semaphore, #tpu.memory_space<semaphore_mem>>)
      %dma_wait3A_143 = arith.constant 0 : i32
      %dma_wait3A_144 = arith.constant 0 : i32
      %dma_wait3A_145 = tpu.memref_slice %arg9[%dma_wait3A_143, %dma_wait3A_144] : memref<80x128xf32, #tpu.memory_space<vmem>> -> memref<80x128xf32, #tpu.memory_space<vmem>>
      %dma_wait3A_146 = arith.constant 0 : i32
      %dma_wait3A_147 = tpu.memref_slice %arg13[%add3A_21, %dma_wait3A_146] : memref<10016x128xf32, #tpu.memory_space<vmem_shared>> -> memref<80x128xf32, #tpu.memory_space<vmem_shared>>
      %dma_wait3A_148 = arith.constant 0 : i32
      %dma_wait3A_149 = tpu.memref_slice %arg13[%add3A_21, %dma_wait3A_148] : memref<10016x128xf32, #tpu.memory_space<vmem_shared>> -> memref<80x128xf32, #tpu.memory_space<vmem_shared>>
      %dma_wait3A_150 = arith.constant 0 : i32
      %dma_wait3A_151 = arith.constant 0 : i32
      %dma_wait3A_152 = tpu.memref_slice %arg9[%dma_wait3A_150, %dma_wait3A_151] : memref<80x128xf32, #tpu.memory_space<vmem>> -> memref<80x128xf32, #tpu.memory_space<vmem>>
      tpu.wait_dma2 semaphore(%run_scoped3A : memref<!tpu.dma_semaphore, #tpu.memory_space<semaphore_mem>>) src(%dma_wait3A_152 : memref<80x128xf32, #tpu.memory_space<vmem>>) dst(%dma_wait3A_149 : memref<80x128xf32, #tpu.memory_space<vmem_shared>>)
      tpu.yield
    }) : () -> ()
    %mul3A_22 = arith.constant 626 : i32
    %mul3A_23 = arith.muli %arg1, %mul3A_22 : i32
    %add3A_24 = arith.constant 320 : i32
    %add3A_25 = arith.addi %mul3A_23, %add3A_24 : i32
    "tpu.region"() ({
      %run_scoped3A = tpu.sem_alloc : memref<!tpu.dma_semaphore, #tpu.memory_space<semaphore_mem>>
      %dma_start3A_133 = arith.constant 0 : i32
      %dma_start3A_134 = arith.constant 0 : i32
      %dma_start3A_135 = tpu.memref_slice %arg9[%dma_start3A_133, %dma_start3A_134] : memref<80x128xf32, #tpu.memory_space<vmem>> -> memref<80x128xf32, #tpu.memory_space<vmem>>
      %dma_start3A_136 = arith.constant 0 : i32
      %dma_start3A_137 = tpu.memref_slice %arg13[%add3A_25, %dma_start3A_136] : memref<10016x128xf32, #tpu.memory_space<vmem_shared>> -> memref<80x128xf32, #tpu.memory_space<vmem_shared>>
      %dma_start3A_138 = arith.constant 0 : i32
      %dma_start3A_139 = tpu.memref_slice %arg13[%add3A_25, %dma_start3A_138] : memref<10016x128xf32, #tpu.memory_space<vmem_shared>> -> memref<80x128xf32, #tpu.memory_space<vmem_shared>>
      %dma_start3A_140 = arith.constant 0 : i32
      %dma_start3A_141 = arith.constant 0 : i32
      %dma_start3A_142 = tpu.memref_slice %arg9[%dma_start3A_140, %dma_start3A_141] : memref<80x128xf32, #tpu.memory_space<vmem>> -> memref<80x128xf32, #tpu.memory_space<vmem>>
      tpu.enqueue_dma source(%dma_start3A_142 : memref<80x128xf32, #tpu.memory_space<vmem>>) target(%dma_start3A_139 : memref<80x128xf32, #tpu.memory_space<vmem_shared>>) target_semaphore(%run_scoped3A : memref<!tpu.dma_semaphore, #tpu.memory_space<semaphore_mem>>)
      %dma_wait3A_143 = arith.constant 0 : i32
      %dma_wait3A_144 = arith.constant 0 : i32
      %dma_wait3A_145 = tpu.memref_slice %arg9[%dma_wait3A_143, %dma_wait3A_144] : memref<80x128xf32, #tpu.memory_space<vmem>> -> memref<80x128xf32, #tpu.memory_space<vmem>>
      %dma_wait3A_146 = arith.constant 0 : i32
      %dma_wait3A_147 = tpu.memref_slice %arg13[%add3A_25, %dma_wait3A_146] : memref<10016x128xf32, #tpu.memory_space<vmem_shared>> -> memref<80x128xf32, #tpu.memory_space<vmem_shared>>
      %dma_wait3A_148 = arith.constant 0 : i32
      %dma_wait3A_149 = tpu.memref_slice %arg13[%add3A_25, %dma_wait3A_148] : memref<10016x128xf32, #tpu.memory_space<vmem_shared>> -> memref<80x128xf32, #tpu.memory_space<vmem_shared>>
      %dma_wait3A_150 = arith.constant 0 : i32
      %dma_wait3A_151 = arith.constant 0 : i32
      %dma_wait3A_152 = tpu.memref_slice %arg9[%dma_wait3A_150, %dma_wait3A_151] : memref<80x128xf32, #tpu.memory_space<vmem>> -> memref<80x128xf32, #tpu.memory_space<vmem>>
      tpu.wait_dma2 semaphore(%run_scoped3A : memref<!tpu.dma_semaphore, #tpu.memory_space<semaphore_mem>>) src(%dma_wait3A_152 : memref<80x128xf32, #tpu.memory_space<vmem>>) dst(%dma_wait3A_149 : memref<80x128xf32, #tpu.memory_space<vmem_shared>>)
      tpu.yield
    }) : () -> ()
    %mul3A_26 = arith.constant 626 : i32
    %mul3A_27 = arith.muli %arg1, %mul3A_26 : i32
    %add3A_28 = arith.constant 400 : i32
    %add3A_29 = arith.addi %mul3A_27, %add3A_28 : i32
    "tpu.region"() ({
      %run_scoped3A = tpu.sem_alloc : memref<!tpu.dma_semaphore, #tpu.memory_space<semaphore_mem>>
      %dma_start3A_133 = arith.constant 0 : i32
      %dma_start3A_134 = arith.constant 0 : i32
      %dma_start3A_135 = tpu.memref_slice %arg9[%dma_start3A_133, %dma_start3A_134] : memref<80x128xf32, #tpu.memory_space<vmem>> -> memref<80x128xf32, #tpu.memory_space<vmem>>
      %dma_start3A_136 = arith.constant 0 : i32
      %dma_start3A_137 = tpu.memref_slice %arg13[%add3A_29, %dma_start3A_136] : memref<10016x128xf32, #tpu.memory_space<vmem_shared>> -> memref<80x128xf32, #tpu.memory_space<vmem_shared>>
      %dma_start3A_138 = arith.constant 0 : i32
      %dma_start3A_139 = tpu.memref_slice %arg13[%add3A_29, %dma_start3A_138] : memref<10016x128xf32, #tpu.memory_space<vmem_shared>> -> memref<80x128xf32, #tpu.memory_space<vmem_shared>>
      %dma_start3A_140 = arith.constant 0 : i32
      %dma_start3A_141 = arith.constant 0 : i32
      %dma_start3A_142 = tpu.memref_slice %arg9[%dma_start3A_140, %dma_start3A_141] : memref<80x128xf32, #tpu.memory_space<vmem>> -> memref<80x128xf32, #tpu.memory_space<vmem>>
      tpu.enqueue_dma source(%dma_start3A_142 : memref<80x128xf32, #tpu.memory_space<vmem>>) target(%dma_start3A_139 : memref<80x128xf32, #tpu.memory_space<vmem_shared>>) target_semaphore(%run_scoped3A : memref<!tpu.dma_semaphore, #tpu.memory_space<semaphore_mem>>)
      %dma_wait3A_143 = arith.constant 0 : i32
      %dma_wait3A_144 = arith.constant 0 : i32
      %dma_wait3A_145 = tpu.memref_slice %arg9[%dma_wait3A_143, %dma_wait3A_144] : memref<80x128xf32, #tpu.memory_space<vmem>> -> memref<80x128xf32, #tpu.memory_space<vmem>>
      %dma_wait3A_146 = arith.constant 0 : i32
      %dma_wait3A_147 = tpu.memref_slice %arg13[%add3A_29, %dma_wait3A_146] : memref<10016x128xf32, #tpu.memory_space<vmem_shared>> -> memref<80x128xf32, #tpu.memory_space<vmem_shared>>
      %dma_wait3A_148 = arith.constant 0 : i32
      %dma_wait3A_149 = tpu.memref_slice %arg13[%add3A_29, %dma_wait3A_148] : memref<10016x128xf32, #tpu.memory_space<vmem_shared>> -> memref<80x128xf32, #tpu.memory_space<vmem_shared>>
      %dma_wait3A_150 = arith.constant 0 : i32
      %dma_wait3A_151 = arith.constant 0 : i32
      %dma_wait3A_152 = tpu.memref_slice %arg9[%dma_wait3A_150, %dma_wait3A_151] : memref<80x128xf32, #tpu.memory_space<vmem>> -> memref<80x128xf32, #tpu.memory_space<vmem>>
      tpu.wait_dma2 semaphore(%run_scoped3A : memref<!tpu.dma_semaphore, #tpu.memory_space<semaphore_mem>>) src(%dma_wait3A_152 : memref<80x128xf32, #tpu.memory_space<vmem>>) dst(%dma_wait3A_149 : memref<80x128xf32, #tpu.memory_space<vmem_shared>>)
      tpu.yield
    }) : () -> ()
    %mul3A_30 = arith.constant 626 : i32
    %mul3A_31 = arith.muli %arg1, %mul3A_30 : i32
    %add3A_32 = arith.constant 480 : i32
    %add3A_33 = arith.addi %mul3A_31, %add3A_32 : i32
    "tpu.region"() ({
      %run_scoped3A = tpu.sem_alloc : memref<!tpu.dma_semaphore, #tpu.memory_space<semaphore_mem>>
      %dma_start3A_133 = arith.constant 0 : i32
      %dma_start3A_134 = arith.constant 0 : i32
      %dma_start3A_135 = tpu.memref_slice %arg9[%dma_start3A_133, %dma_start3A_134] : memref<80x128xf32, #tpu.memory_space<vmem>> -> memref<80x128xf32, #tpu.memory_space<vmem>>
      %dma_start3A_136 = arith.constant 0 : i32
      %dma_start3A_137 = tpu.memref_slice %arg13[%add3A_33, %dma_start3A_136] : memref<10016x128xf32, #tpu.memory_space<vmem_shared>> -> memref<80x128xf32, #tpu.memory_space<vmem_shared>>
      %dma_start3A_138 = arith.constant 0 : i32
      %dma_start3A_139 = tpu.memref_slice %arg13[%add3A_33, %dma_start3A_138] : memref<10016x128xf32, #tpu.memory_space<vmem_shared>> -> memref<80x128xf32, #tpu.memory_space<vmem_shared>>
      %dma_start3A_140 = arith.constant 0 : i32
      %dma_start3A_141 = arith.constant 0 : i32
      %dma_start3A_142 = tpu.memref_slice %arg9[%dma_start3A_140, %dma_start3A_141] : memref<80x128xf32, #tpu.memory_space<vmem>> -> memref<80x128xf32, #tpu.memory_space<vmem>>
      tpu.enqueue_dma source(%dma_start3A_142 : memref<80x128xf32, #tpu.memory_space<vmem>>) target(%dma_start3A_139 : memref<80x128xf32, #tpu.memory_space<vmem_shared>>) target_semaphore(%run_scoped3A : memref<!tpu.dma_semaphore, #tpu.memory_space<semaphore_mem>>)
      %dma_wait3A_143 = arith.constant 0 : i32
      %dma_wait3A_144 = arith.constant 0 : i32
      %dma_wait3A_145 = tpu.memref_slice %arg9[%dma_wait3A_143, %dma_wait3A_144] : memref<80x128xf32, #tpu.memory_space<vmem>> -> memref<80x128xf32, #tpu.memory_space<vmem>>
      %dma_wait3A_146 = arith.constant 0 : i32
      %dma_wait3A_147 = tpu.memref_slice %arg13[%add3A_33, %dma_wait3A_146] : memref<10016x128xf32, #tpu.memory_space<vmem_shared>> -> memref<80x128xf32, #tpu.memory_space<vmem_shared>>
      %dma_wait3A_148 = arith.constant 0 : i32
      %dma_wait3A_149 = tpu.memref_slice %arg13[%add3A_33, %dma_wait3A_148] : memref<10016x128xf32, #tpu.memory_space<vmem_shared>> -> memref<80x128xf32, #tpu.memory_space<vmem_shared>>
      %dma_wait3A_150 = arith.constant 0 : i32
      %dma_wait3A_151 = arith.constant 0 : i32
      %dma_wait3A_152 = tpu.memref_slice %arg9[%dma_wait3A_150, %dma_wait3A_151] : memref<80x128xf32, #tpu.memory_space<vmem>> -> memref<80x128xf32, #tpu.memory_space<vmem>>
      tpu.wait_dma2 semaphore(%run_scoped3A : memref<!tpu.dma_semaphore, #tpu.memory_space<semaphore_mem>>) src(%dma_wait3A_152 : memref<80x128xf32, #tpu.memory_space<vmem>>) dst(%dma_wait3A_149 : memref<80x128xf32, #tpu.memory_space<vmem_shared>>)
      tpu.yield
    }) : () -> ()
    %mul3A_34 = arith.constant 626 : i32
    %mul3A_35 = arith.muli %arg1, %mul3A_34 : i32
    %add3A_36 = arith.constant 560 : i32
    %add3A_37 = arith.addi %mul3A_35, %add3A_36 : i32
    "tpu.region"() ({
      %run_scoped3A = tpu.sem_alloc : memref<!tpu.dma_semaphore, #tpu.memory_space<semaphore_mem>>
      %dma_start3A_133 = arith.constant 0 : i32
      %dma_start3A_134 = arith.constant 0 : i32
      %dma_start3A_135 = tpu.memref_slice %arg9[%dma_start3A_133, %dma_start3A_134] : memref<80x128xf32, #tpu.memory_space<vmem>> -> memref<66x128xf32, #tpu.memory_space<vmem>>
      %dma_start3A_136 = arith.constant 0 : i32
      %dma_start3A_137 = tpu.memref_slice %arg13[%add3A_37, %dma_start3A_136] : memref<10016x128xf32, #tpu.memory_space<vmem_shared>> -> memref<66x128xf32, #tpu.memory_space<vmem_shared>>
      %dma_start3A_138 = arith.constant 0 : i32
      %dma_start3A_139 = tpu.memref_slice %arg13[%add3A_37, %dma_start3A_138] : memref<10016x128xf32, #tpu.memory_space<vmem_shared>> -> memref<66x128xf32, #tpu.memory_space<vmem_shared>>
      %dma_start3A_140 = arith.constant 0 : i32
      %dma_start3A_141 = arith.constant 0 : i32
      %dma_start3A_142 = tpu.memref_slice %arg9[%dma_start3A_140, %dma_start3A_141] : memref<80x128xf32, #tpu.memory_space<vmem>> -> memref<66x128xf32, #tpu.memory_space<vmem>>
      tpu.enqueue_dma source(%dma_start3A_142 : memref<66x128xf32, #tpu.memory_space<vmem>>) target(%dma_start3A_139 : memref<66x128xf32, #tpu.memory_space<vmem_shared>>) target_semaphore(%run_scoped3A : memref<!tpu.dma_semaphore, #tpu.memory_space<semaphore_mem>>)
      %dma_wait3A_143 = arith.constant 0 : i32
      %dma_wait3A_144 = arith.constant 0 : i32
      %dma_wait3A_145 = tpu.memref_slice %arg9[%dma_wait3A_143, %dma_wait3A_144] : memref<80x128xf32, #tpu.memory_space<vmem>> -> memref<66x128xf32, #tpu.memory_space<vmem>>
      %dma_wait3A_146 = arith.constant 0 : i32
      %dma_wait3A_147 = tpu.memref_slice %arg13[%add3A_37, %dma_wait3A_146] : memref<10016x128xf32, #tpu.memory_space<vmem_shared>> -> memref<66x128xf32, #tpu.memory_space<vmem_shared>>
      %dma_wait3A_148 = arith.constant 0 : i32
      %dma_wait3A_149 = tpu.memref_slice %arg13[%add3A_37, %dma_wait3A_148] : memref<10016x128xf32, #tpu.memory_space<vmem_shared>> -> memref<66x128xf32, #tpu.memory_space<vmem_shared>>
      %dma_wait3A_150 = arith.constant 0 : i32
      %dma_wait3A_151 = arith.constant 0 : i32
      %dma_wait3A_152 = tpu.memref_slice %arg9[%dma_wait3A_150, %dma_wait3A_151] : memref<80x128xf32, #tpu.memory_space<vmem>> -> memref<66x128xf32, #tpu.memory_space<vmem>>
      tpu.wait_dma2 semaphore(%run_scoped3A : memref<!tpu.dma_semaphore, #tpu.memory_space<semaphore_mem>>) src(%dma_wait3A_152 : memref<66x128xf32, #tpu.memory_space<vmem>>) dst(%dma_wait3A_149 : memref<66x128xf32, #tpu.memory_space<vmem_shared>>)
      tpu.yield
    }) : () -> ()
    %barrier3A = arith.constant 0 : index
    tpu.barrier barrier_id(%barrier3A)
    %dma_start3A = arith.constant 0 : i32
    %dma_start3A_38 = arith.constant 0 : i32
    %dma_start3A_39 = arith.constant 0 : i32
    %dma_start3A_40 = tpu.memref_slice %arg3[%add3A, %dma_start3A, %dma_start3A_38, %dma_start3A_39] : memref<32x128x2x80xi32, #tpu.memory_space<hbm>> -> memref<1x1x2x80xi32, #tpu.memory_space<hbm>>
    %dma_start3A_41 = tpu.memref_squeeze %dma_start3A_40 : memref<1x1x2x80xi32, #tpu.memory_space<hbm>> -> memref<2x80xi32, #tpu.memory_space<hbm>>
    %dma_start3A_42 = arith.constant 0 : i32
    %dma_start3A_43 = arith.constant 0 : i32
    %dma_start3A_44 = tpu.memref_slice %arg3[%add3A, %dma_start3A, %dma_start3A_42, %dma_start3A_43] : memref<32x128x2x80xi32, #tpu.memory_space<hbm>> -> memref<1x1x2x80xi32, #tpu.memory_space<hbm>>
    %dma_start3A_45 = tpu.memref_squeeze %dma_start3A_44 : memref<1x1x2x80xi32, #tpu.memory_space<hbm>> -> memref<2x80xi32, #tpu.memory_space<hbm>>
    tpu.enqueue_dma source(%dma_start3A_45 : memref<2x80xi32, #tpu.memory_space<hbm>>) target(%arg5 : memref<2x80xi32, #tpu.memory_space<vmem>>) target_semaphore(%arg14 : memref<!tpu.dma_semaphore, #tpu.memory_space<semaphore_mem>>)
    %dma_start3A_46 = arith.constant 1 : i32
    %dma_start3A_47 = arith.constant 0 : i32
    %dma_start3A_48 = arith.constant 0 : i32
    %dma_start3A_49 = tpu.memref_slice %arg3[%add3A, %dma_start3A_46, %dma_start3A_47, %dma_start3A_48] : memref<32x128x2x80xi32, #tpu.memory_space<hbm>> -> memref<1x1x2x80xi32, #tpu.memory_space<hbm>>
    %dma_start3A_50 = tpu.memref_squeeze %dma_start3A_49 : memref<1x1x2x80xi32, #tpu.memory_space<hbm>> -> memref<2x80xi32, #tpu.memory_space<hbm>>
    %dma_start3A_51 = arith.constant 0 : i32
    %dma_start3A_52 = arith.constant 0 : i32
    %dma_start3A_53 = tpu.memref_slice %arg3[%add3A, %dma_start3A_46, %dma_start3A_51, %dma_start3A_52] : memref<32x128x2x80xi32, #tpu.memory_space<hbm>> -> memref<1x1x2x80xi32, #tpu.memory_space<hbm>>
    %dma_start3A_54 = tpu.memref_squeeze %dma_start3A_53 : memref<1x1x2x80xi32, #tpu.memory_space<hbm>> -> memref<2x80xi32, #tpu.memory_space<hbm>>
    tpu.enqueue_dma source(%dma_start3A_54 : memref<2x80xi32, #tpu.memory_space<hbm>>) target(%arg6 : memref<2x80xi32, #tpu.memory_space<vmem>>) target_semaphore(%arg15 : memref<!tpu.dma_semaphore, #tpu.memory_space<semaphore_mem>>)
    %dma_start3A_55 = arith.constant 2 : i32
    %dma_start3A_56 = arith.constant 0 : i32
    %dma_start3A_57 = arith.constant 0 : i32
    %dma_start3A_58 = tpu.memref_slice %arg3[%add3A, %dma_start3A_55, %dma_start3A_56, %dma_start3A_57] : memref<32x128x2x80xi32, #tpu.memory_space<hbm>> -> memref<1x1x2x80xi32, #tpu.memory_space<hbm>>
    %dma_start3A_59 = tpu.memref_squeeze %dma_start3A_58 : memref<1x1x2x80xi32, #tpu.memory_space<hbm>> -> memref<2x80xi32, #tpu.memory_space<hbm>>
    %dma_start3A_60 = arith.constant 0 : i32
    %dma_start3A_61 = arith.constant 0 : i32
    %dma_start3A_62 = tpu.memref_slice %arg3[%add3A, %dma_start3A_55, %dma_start3A_60, %dma_start3A_61] : memref<32x128x2x80xi32, #tpu.memory_space<hbm>> -> memref<1x1x2x80xi32, #tpu.memory_space<hbm>>
    %dma_start3A_63 = tpu.memref_squeeze %dma_start3A_62 : memref<1x1x2x80xi32, #tpu.memory_space<hbm>> -> memref<2x80xi32, #tpu.memory_space<hbm>>
    tpu.enqueue_dma source(%dma_start3A_63 : memref<2x80xi32, #tpu.memory_space<hbm>>) target(%arg7 : memref<2x80xi32, #tpu.memory_space<vmem>>) target_semaphore(%arg16 : memref<!tpu.dma_semaphore, #tpu.memory_space<semaphore_mem>>)
    %dma_start3A_64 = arith.constant 3 : i32
    %dma_start3A_65 = arith.constant 0 : i32
    %dma_start3A_66 = arith.constant 0 : i32
    %dma_start3A_67 = tpu.memref_slice %arg3[%add3A, %dma_start3A_64, %dma_start3A_65, %dma_start3A_66] : memref<32x128x2x80xi32, #tpu.memory_space<hbm>> -> memref<1x1x2x80xi32, #tpu.memory_space<hbm>>
    %dma_start3A_68 = tpu.memref_squeeze %dma_start3A_67 : memref<1x1x2x80xi32, #tpu.memory_space<hbm>> -> memref<2x80xi32, #tpu.memory_space<hbm>>
    %dma_start3A_69 = arith.constant 0 : i32
    %dma_start3A_70 = arith.constant 0 : i32
    %dma_start3A_71 = tpu.memref_slice %arg3[%add3A, %dma_start3A_64, %dma_start3A_69, %dma_start3A_70] : memref<32x128x2x80xi32, #tpu.memory_space<hbm>> -> memref<1x1x2x80xi32, #tpu.memory_space<hbm>>
    %dma_start3A_72 = tpu.memref_squeeze %dma_start3A_71 : memref<1x1x2x80xi32, #tpu.memory_space<hbm>> -> memref<2x80xi32, #tpu.memory_space<hbm>>
    tpu.enqueue_dma source(%dma_start3A_72 : memref<2x80xi32, #tpu.memory_space<hbm>>) target(%arg8 : memref<2x80xi32, #tpu.memory_space<vmem>>) target_semaphore(%arg17 : memref<!tpu.dma_semaphore, #tpu.memory_space<semaphore_mem>>)
    %dma_wait3A = arith.constant 0 : i32
    %dma_wait3A_73 = arith.constant 0 : i32
    %dma_wait3A_74 = arith.constant 0 : i32
    %dma_wait3A_75 = tpu.memref_slice %arg3[%add3A, %dma_wait3A, %dma_wait3A_73, %dma_wait3A_74] : memref<32x128x2x80xi32, #tpu.memory_space<hbm>> -> memref<1x1x2x80xi32, #tpu.memory_space<hbm>>
    %dma_wait3A_76 = tpu.memref_squeeze %dma_wait3A_75 : memref<1x1x2x80xi32, #tpu.memory_space<hbm>> -> memref<2x80xi32, #tpu.memory_space<hbm>>
    %dma_wait3A_77 = arith.constant 0 : i32
    %dma_wait3A_78 = arith.constant 0 : i32
    %dma_wait3A_79 = tpu.memref_slice %arg3[%add3A, %dma_wait3A, %dma_wait3A_77, %dma_wait3A_78] : memref<32x128x2x80xi32, #tpu.memory_space<hbm>> -> memref<1x1x2x80xi32, #tpu.memory_space<hbm>>
    %dma_wait3A_80 = tpu.memref_squeeze %dma_wait3A_79 : memref<1x1x2x80xi32, #tpu.memory_space<hbm>> -> memref<2x80xi32, #tpu.memory_space<hbm>>
    tpu.wait_dma2 semaphore(%arg14 : memref<!tpu.dma_semaphore, #tpu.memory_space<semaphore_mem>>) src(%dma_wait3A_80 : memref<2x80xi32, #tpu.memory_space<hbm>>) dst(%arg5 : memref<2x80xi32, #tpu.memory_space<vmem>>)
    %dma_start3A_81 = arith.constant 0 : i32
    %dma_start3A_82 = arith.constant 0 : i32
    %dma_start3A_83 = tpu.memref_slice %arg5[%dma_start3A_81, %dma_start3A_82] : memref<2x80xi32, #tpu.memory_space<vmem>> -> memref<1x80xi32, #tpu.memory_space<vmem>>
    %dma_start3A_84 = tpu.memref_squeeze %dma_start3A_83 : memref<1x80xi32, #tpu.memory_space<vmem>> -> memref<80xi32, #tpu.memory_space<vmem>>
    %dma_start3A_85 = arith.constant 0 : i32
    %dma_start3A_86 = arith.constant 0 : i32
    %dma_start3A_87 = tpu.memref_slice %arg2[%dma_start3A_85, %dma_start3A_86] : memref<10000x128xf32, #tpu.memory_space<hbm>> -> memref<10000x128xf32, #tpu.memory_space<hbm>>
    tpu.enqueue_indirect_dma source(%dma_start3A_87 : memref<10000x128xf32, #tpu.memory_space<hbm>>) target(%arg9 : memref<80x128xf32, #tpu.memory_space<vmem>>) offsets(%dma_start3A_84 : memref<80xi32, #tpu.memory_space<vmem>>) semaphore(%arg18 : memref<!tpu.dma_semaphore, #tpu.memory_space<semaphore_mem>>)
    %dma_wait3A_88 = arith.constant 1 : i32
    %dma_wait3A_89 = arith.constant 0 : i32
    %dma_wait3A_90 = arith.constant 0 : i32
    %dma_wait3A_91 = tpu.memref_slice %arg3[%add3A, %dma_wait3A_88, %dma_wait3A_89, %dma_wait3A_90] : memref<32x128x2x80xi32, #tpu.memory_space<hbm>> -> memref<1x1x2x80xi32, #tpu.memory_space<hbm>>
    %dma_wait3A_92 = tpu.memref_squeeze %dma_wait3A_91 : memref<1x1x2x80xi32, #tpu.memory_space<hbm>> -> memref<2x80xi32, #tpu.memory_space<hbm>>
    %dma_wait3A_93 = arith.constant 0 : i32
    %dma_wait3A_94 = arith.constant 0 : i32
    %dma_wait3A_95 = tpu.memref_slice %arg3[%add3A, %dma_wait3A_88, %dma_wait3A_93, %dma_wait3A_94] : memref<32x128x2x80xi32, #tpu.memory_space<hbm>> -> memref<1x1x2x80xi32, #tpu.memory_space<hbm>>
    %dma_wait3A_96 = tpu.memref_squeeze %dma_wait3A_95 : memref<1x1x2x80xi32, #tpu.memory_space<hbm>> -> memref<2x80xi32, #tpu.memory_space<hbm>>
    tpu.wait_dma2 semaphore(%arg15 : memref<!tpu.dma_semaphore, #tpu.memory_space<semaphore_mem>>) src(%dma_wait3A_96 : memref<2x80xi32, #tpu.memory_space<hbm>>) dst(%arg6 : memref<2x80xi32, #tpu.memory_space<vmem>>)
    %dma_start3A_97 = arith.constant 0 : i32
    %dma_start3A_98 = arith.constant 0 : i32
    %dma_start3A_99 = tpu.memref_slice %arg6[%dma_start3A_97, %dma_start3A_98] : memref<2x80xi32, #tpu.memory_space<vmem>> -> memref<1x80xi32, #tpu.memory_space<vmem>>
    %dma_start3A_100 = tpu.memref_squeeze %dma_start3A_99 : memref<1x80xi32, #tpu.memory_space<vmem>> -> memref<80xi32, #tpu.memory_space<vmem>>
    %dma_start3A_101 = arith.constant 0 : i32
    %dma_start3A_102 = arith.constant 0 : i32
    %dma_start3A_103 = tpu.memref_slice %arg2[%dma_start3A_101, %dma_start3A_102] : memref<10000x128xf32, #tpu.memory_space<hbm>> -> memref<10000x128xf32, #tpu.memory_space<hbm>>
    tpu.enqueue_indirect_dma source(%dma_start3A_103 : memref<10000x128xf32, #tpu.memory_space<hbm>>) target(%arg10 : memref<80x128xf32, #tpu.memory_space<vmem>>) offsets(%dma_start3A_100 : memref<80xi32, #tpu.memory_space<vmem>>) semaphore(%arg19 : memref<!tpu.dma_semaphore, #tpu.memory_space<semaphore_mem>>)
    %dma_wait3A_104 = arith.constant 2 : i32
    %dma_wait3A_105 = arith.constant 0 : i32
    %dma_wait3A_106 = arith.constant 0 : i32
    %dma_wait3A_107 = tpu.memref_slice %arg3[%add3A, %dma_wait3A_104, %dma_wait3A_105, %dma_wait3A_106] : memref<32x128x2x80xi32, #tpu.memory_space<hbm>> -> memref<1x1x2x80xi32, #tpu.memory_space<hbm>>
    %dma_wait3A_108 = tpu.memref_squeeze %dma_wait3A_107 : memref<1x1x2x80xi32, #tpu.memory_space<hbm>> -> memref<2x80xi32, #tpu.memory_space<hbm>>
    %dma_wait3A_109 = arith.constant 0 : i32
    %dma_wait3A_110 = arith.constant 0 : i32
    %dma_wait3A_111 = tpu.memref_slice %arg3[%add3A, %dma_wait3A_104, %dma_wait3A_109, %dma_wait3A_110] : memref<32x128x2x80xi32, #tpu.memory_space<hbm>> -> memref<1x1x2x80xi32, #tpu.memory_space<hbm>>
    %dma_wait3A_112 = tpu.memref_squeeze %dma_wait3A_111 : memref<1x1x2x80xi32, #tpu.memory_space<hbm>> -> memref<2x80xi32, #tpu.memory_space<hbm>>
    tpu.wait_dma2 semaphore(%arg16 : memref<!tpu.dma_semaphore, #tpu.memory_space<semaphore_mem>>) src(%dma_wait3A_112 : memref<2x80xi32, #tpu.memory_space<hbm>>) dst(%arg7 : memref<2x80xi32, #tpu.memory_space<vmem>>)
    %dma_start3A_113 = arith.constant 0 : i32
    %dma_start3A_114 = arith.constant 0 : i32
    %dma_start3A_115 = tpu.memref_slice %arg7[%dma_start3A_113, %dma_start3A_114] : memref<2x80xi32, #tpu.memory_space<vmem>> -> memref<1x80xi32, #tpu.memory_space<vmem>>
    %dma_start3A_116 = tpu.memref_squeeze %dma_start3A_115 : memref<1x80xi32, #tpu.memory_space<vmem>> -> memref<80xi32, #tpu.memory_space<vmem>>
    %dma_start3A_117 = arith.constant 0 : i32
    %dma_start3A_118 = arith.constant 0 : i32
    %dma_start3A_119 = tpu.memref_slice %arg2[%dma_start3A_117, %dma_start3A_118] : memref<10000x128xf32, #tpu.memory_space<hbm>> -> memref<10000x128xf32, #tpu.memory_space<hbm>>
    tpu.enqueue_indirect_dma source(%dma_start3A_119 : memref<10000x128xf32, #tpu.memory_space<hbm>>) target(%arg11 : memref<80x128xf32, #tpu.memory_space<vmem>>) offsets(%dma_start3A_116 : memref<80xi32, #tpu.memory_space<vmem>>) semaphore(%arg20 : memref<!tpu.dma_semaphore, #tpu.memory_space<semaphore_mem>>)
    %scan3A_120 = arith.constant 0 : i32
    %scan3A_121 = arith.constant 0 : i32
    %scan3A_122 = arith.constant 32 : i32
    %scan3A_123 = arith.addi %scan3A_121, %scan3A_122 : i32
    %scan3A_124 = arith.constant 1 : i32
    scf.for %scan3A_133 = %scan3A_121 to %scan3A_123 step %scan3A_124  : i32 {
      %mul3A_134 = arith.constant 4 : i32
      %mul3A_135 = arith.muli %scan3A_133, %mul3A_134 : i32
      %add3A_136 = arith.constant 0 : i32
      %add3A_137 = arith.addi %mul3A_135, %add3A_136 : i32
      %dma_wait3A_138 = arith.constant 0 : i32
      %dma_wait3A_139 = arith.constant 0 : i32
      %dma_wait3A_140 = tpu.memref_slice %arg5[%dma_wait3A_138, %dma_wait3A_139] : memref<2x80xi32, #tpu.memory_space<vmem>> -> memref<1x80xi32, #tpu.memory_space<vmem>>
      %dma_wait3A_141 = tpu.memref_squeeze %dma_wait3A_140 : memref<1x80xi32, #tpu.memory_space<vmem>> -> memref<80xi32, #tpu.memory_space<vmem>>
      %dma_wait3A_142 = arith.constant 0 : i32
      %dma_wait3A_143 = arith.constant 0 : i32
      %dma_wait3A_144 = tpu.memref_slice %arg2[%dma_wait3A_142, %dma_wait3A_143] : memref<10000x128xf32, #tpu.memory_space<hbm>> -> memref<10000x128xf32, #tpu.memory_space<hbm>>
      tpu.wait_indirect_dma semaphore(%arg18 : memref<!tpu.dma_semaphore, #tpu.memory_space<semaphore_mem>>) src(%dma_wait3A_144 : memref<10000x128xf32, #tpu.memory_space<hbm>>) dst(%arg9 : memref<80x128xf32, #tpu.memory_space<vmem>>)
      %run_scoped3A = arith.constant 1 : i32
      "tpu.region"() ({
        %run_scoped3A_243 = tpu.sem_alloc : memref<!tpu.dma_semaphore, #tpu.memory_space<semaphore_mem>>
        %dma_start3A_244 = arith.constant 0 : i32
        %dma_start3A_245 = tpu.memref_slice %arg5[%run_scoped3A, %dma_start3A_244] : memref<2x80xi32, #tpu.memory_space<vmem>> -> memref<1x80xi32, #tpu.memory_space<vmem>>
        %dma_start3A_246 = tpu.memref_squeeze %dma_start3A_245 : memref<1x80xi32, #tpu.memory_space<vmem>> -> memref<80xi32, #tpu.memory_space<vmem>>
        %dma_start3A_247 = arith.constant 0 : i32
        %dma_start3A_248 = arith.constant 0 : i32
        %dma_start3A_249 = tpu.memref_slice %arg13[%dma_start3A_247, %dma_start3A_248] : memref<10016x128xf32, #tpu.memory_space<vmem_shared>> -> memref<10016x128xf32, #tpu.memory_space<vmem_shared>>
        tpu.enqueue_indirect_dma source(%arg9 : memref<80x128xf32, #tpu.memory_space<vmem>>) target(%dma_start3A_249 : memref<10016x128xf32, #tpu.memory_space<vmem_shared>>) offsets(%dma_start3A_246 : memref<80xi32, #tpu.memory_space<vmem>>) semaphore(%run_scoped3A_243 : memref<!tpu.dma_semaphore, #tpu.memory_space<semaphore_mem>>) {add = true}
        %dma_wait3A_250 = arith.constant 0 : i32
        %dma_wait3A_251 = tpu.memref_slice %arg5[%run_scoped3A, %dma_wait3A_250] : memref<2x80xi32, #tpu.memory_space<vmem>> -> memref<1x80xi32, #tpu.memory_space<vmem>>
        %dma_wait3A_252 = tpu.memref_squeeze %dma_wait3A_251 : memref<1x80xi32, #tpu.memory_space<vmem>> -> memref<80xi32, #tpu.memory_space<vmem>>
        %dma_wait3A_253 = arith.constant 0 : i32
        %dma_wait3A_254 = arith.constant 0 : i32
        %dma_wait3A_255 = tpu.memref_slice %arg13[%dma_wait3A_253, %dma_wait3A_254] : memref<10016x128xf32, #tpu.memory_space<vmem_shared>> -> memref<10016x128xf32, #tpu.memory_space<vmem_shared>>
        tpu.wait_indirect_dma semaphore(%run_scoped3A_243 : memref<!tpu.dma_semaphore, #tpu.memory_space<semaphore_mem>>) src(%arg9 : memref<80x128xf32, #tpu.memory_space<vmem>>) dst(%dma_wait3A_255 : memref<10016x128xf32, #tpu.memory_space<vmem_shared>>)
        tpu.yield
      }) : () -> ()
      %add3A_145 = arith.constant 4 : i32
      %add3A_146 = arith.addi %add3A_137, %add3A_145 : i32
      %lt3A = arith.constant 128 : i32
      %lt3A_147 = arith.cmpi slt, %add3A_146, %lt3A : i32
      %convert_element_type3A_148 = arith.extui %lt3A_147 : i1 to i32
      %cond3A_149 = arith.constant 0 : i32
      %cond3A_150 = arith.cmpi ne, %convert_element_type3A_148, %cond3A_149 : i32
      scf.if %cond3A_150 {
        %add3A_243 = arith.constant 4 : i32
        %add3A_244 = arith.addi %add3A_137, %add3A_243 : i32
        %dma_start3A_245 = arith.constant 0 : i32
        %dma_start3A_246 = arith.constant 0 : i32
        %dma_start3A_247 = tpu.memref_slice %arg3[%add3A, %add3A_244, %dma_start3A_245, %dma_start3A_246] : memref<32x128x2x80xi32, #tpu.memory_space<hbm>> -> memref<1x1x2x80xi32, #tpu.memory_space<hbm>>
        %dma_start3A_248 = tpu.memref_squeeze %dma_start3A_247 : memref<1x1x2x80xi32, #tpu.memory_space<hbm>> -> memref<2x80xi32, #tpu.memory_space<hbm>>
        %dma_start3A_249 = arith.constant 0 : i32
        %dma_start3A_250 = arith.constant 0 : i32
        %dma_start3A_251 = tpu.memref_slice %arg3[%add3A, %add3A_244, %dma_start3A_249, %dma_start3A_250] : memref<32x128x2x80xi32, #tpu.memory_space<hbm>> -> memref<1x1x2x80xi32, #tpu.memory_space<hbm>>
        %dma_start3A_252 = tpu.memref_squeeze %dma_start3A_251 : memref<1x1x2x80xi32, #tpu.memory_space<hbm>> -> memref<2x80xi32, #tpu.memory_space<hbm>>
        tpu.enqueue_dma source(%dma_start3A_252 : memref<2x80xi32, #tpu.memory_space<hbm>>) target(%arg5 : memref<2x80xi32, #tpu.memory_space<vmem>>) target_semaphore(%arg14 : memref<!tpu.dma_semaphore, #tpu.memory_space<semaphore_mem>>)
      } else {
      }
      %add3A_151 = arith.constant 4 : i32
      %add3A_152 = arith.addi %add3A_137, %add3A_151 : i32
      %sub3A = arith.constant 1 : i32
      %sub3A_153 = arith.subi %add3A_152, %sub3A : i32
      %lt3A_154 = arith.constant 128 : i32
      %lt3A_155 = arith.cmpi slt, %sub3A_153, %lt3A_154 : i32
      %convert_element_type3A_156 = arith.extui %lt3A_155 : i1 to i32
      %cond3A_157 = arith.constant 0 : i32
      %cond3A_158 = arith.cmpi ne, %convert_element_type3A_156, %cond3A_157 : i32
      scf.if %cond3A_158 {
        %add3A_243 = arith.constant 4 : i32
        %add3A_244 = arith.addi %add3A_137, %add3A_243 : i32
        %sub3A_245 = arith.constant 1 : i32
        %sub3A_246 = arith.subi %add3A_244, %sub3A_245 : i32
        %dma_wait3A_247 = arith.constant 0 : i32
        %dma_wait3A_248 = arith.constant 0 : i32
        %dma_wait3A_249 = tpu.memref_slice %arg3[%add3A, %sub3A_246, %dma_wait3A_247, %dma_wait3A_248] : memref<32x128x2x80xi32, #tpu.memory_space<hbm>> -> memref<1x1x2x80xi32, #tpu.memory_space<hbm>>
        %dma_wait3A_250 = tpu.memref_squeeze %dma_wait3A_249 : memref<1x1x2x80xi32, #tpu.memory_space<hbm>> -> memref<2x80xi32, #tpu.memory_space<hbm>>
        %dma_wait3A_251 = arith.constant 0 : i32
        %dma_wait3A_252 = arith.constant 0 : i32
        %dma_wait3A_253 = tpu.memref_slice %arg3[%add3A, %sub3A_246, %dma_wait3A_251, %dma_wait3A_252] : memref<32x128x2x80xi32, #tpu.memory_space<hbm>> -> memref<1x1x2x80xi32, #tpu.memory_space<hbm>>
        %dma_wait3A_254 = tpu.memref_squeeze %dma_wait3A_253 : memref<1x1x2x80xi32, #tpu.memory_space<hbm>> -> memref<2x80xi32, #tpu.memory_space<hbm>>
        tpu.wait_dma2 semaphore(%arg17 : memref<!tpu.dma_semaphore, #tpu.memory_space<semaphore_mem>>) src(%dma_wait3A_254 : memref<2x80xi32, #tpu.memory_space<hbm>>) dst(%arg8 : memref<2x80xi32, #tpu.memory_space<vmem>>)
        %dma_start3A_255 = arith.constant 0 : i32
        %dma_start3A_256 = arith.constant 0 : i32
        %dma_start3A_257 = tpu.memref_slice %arg8[%dma_start3A_255, %dma_start3A_256] : memref<2x80xi32, #tpu.memory_space<vmem>> -> memref<1x80xi32, #tpu.memory_space<vmem>>
        %dma_start3A_258 = tpu.memref_squeeze %dma_start3A_257 : memref<1x80xi32, #tpu.memory_space<vmem>> -> memref<80xi32, #tpu.memory_space<vmem>>
        %dma_start3A_259 = arith.constant 0 : i32
        %dma_start3A_260 = arith.constant 0 : i32
        %dma_start3A_261 = tpu.memref_slice %arg2[%dma_start3A_259, %dma_start3A_260] : memref<10000x128xf32, #tpu.memory_space<hbm>> -> memref<10000x128xf32, #tpu.memory_space<hbm>>
        tpu.enqueue_indirect_dma source(%dma_start3A_261 : memref<10000x128xf32, #tpu.memory_space<hbm>>) target(%arg12 : memref<80x128xf32, #tpu.memory_space<vmem>>) offsets(%dma_start3A_258 : memref<80xi32, #tpu.memory_space<vmem>>) semaphore(%arg21 : memref<!tpu.dma_semaphore, #tpu.memory_space<semaphore_mem>>)
      } else {
      }
      %mul3A_159 = arith.constant 4 : i32
      %mul3A_160 = arith.muli %scan3A_133, %mul3A_159 : i32
      %add3A_161 = arith.constant 1 : i32
      %add3A_162 = arith.addi %mul3A_160, %add3A_161 : i32
      %dma_wait3A_163 = arith.constant 0 : i32
      %dma_wait3A_164 = arith.constant 0 : i32
      %dma_wait3A_165 = tpu.memref_slice %arg6[%dma_wait3A_163, %dma_wait3A_164] : memref<2x80xi32, #tpu.memory_space<vmem>> -> memref<1x80xi32, #tpu.memory_space<vmem>>
      %dma_wait3A_166 = tpu.memref_squeeze %dma_wait3A_165 : memref<1x80xi32, #tpu.memory_space<vmem>> -> memref<80xi32, #tpu.memory_space<vmem>>
      %dma_wait3A_167 = arith.constant 0 : i32
      %dma_wait3A_168 = arith.constant 0 : i32
      %dma_wait3A_169 = tpu.memref_slice %arg2[%dma_wait3A_167, %dma_wait3A_168] : memref<10000x128xf32, #tpu.memory_space<hbm>> -> memref<10000x128xf32, #tpu.memory_space<hbm>>
      tpu.wait_indirect_dma semaphore(%arg19 : memref<!tpu.dma_semaphore, #tpu.memory_space<semaphore_mem>>) src(%dma_wait3A_169 : memref<10000x128xf32, #tpu.memory_space<hbm>>) dst(%arg10 : memref<80x128xf32, #tpu.memory_space<vmem>>)
      %run_scoped3A_170 = arith.constant 1 : i32
      "tpu.region"() ({
        %run_scoped3A_243 = tpu.sem_alloc : memref<!tpu.dma_semaphore, #tpu.memory_space<semaphore_mem>>
        %dma_start3A_244 = arith.constant 0 : i32
        %dma_start3A_245 = tpu.memref_slice %arg6[%run_scoped3A_170, %dma_start3A_244] : memref<2x80xi32, #tpu.memory_space<vmem>> -> memref<1x80xi32, #tpu.memory_space<vmem>>
        %dma_start3A_246 = tpu.memref_squeeze %dma_start3A_245 : memref<1x80xi32, #tpu.memory_space<vmem>> -> memref<80xi32, #tpu.memory_space<vmem>>
        %dma_start3A_247 = arith.constant 0 : i32
        %dma_start3A_248 = arith.constant 0 : i32
        %dma_start3A_249 = tpu.memref_slice %arg13[%dma_start3A_247, %dma_start3A_248] : memref<10016x128xf32, #tpu.memory_space<vmem_shared>> -> memref<10016x128xf32, #tpu.memory_space<vmem_shared>>
        tpu.enqueue_indirect_dma source(%arg10 : memref<80x128xf32, #tpu.memory_space<vmem>>) target(%dma_start3A_249 : memref<10016x128xf32, #tpu.memory_space<vmem_shared>>) offsets(%dma_start3A_246 : memref<80xi32, #tpu.memory_space<vmem>>) semaphore(%run_scoped3A_243 : memref<!tpu.dma_semaphore, #tpu.memory_space<semaphore_mem>>) {add = true}
        %dma_wait3A_250 = arith.constant 0 : i32
        %dma_wait3A_251 = tpu.memref_slice %arg6[%run_scoped3A_170, %dma_wait3A_250] : memref<2x80xi32, #tpu.memory_space<vmem>> -> memref<1x80xi32, #tpu.memory_space<vmem>>
        %dma_wait3A_252 = tpu.memref_squeeze %dma_wait3A_251 : memref<1x80xi32, #tpu.memory_space<vmem>> -> memref<80xi32, #tpu.memory_space<vmem>>
        %dma_wait3A_253 = arith.constant 0 : i32
        %dma_wait3A_254 = arith.constant 0 : i32
        %dma_wait3A_255 = tpu.memref_slice %arg13[%dma_wait3A_253, %dma_wait3A_254] : memref<10016x128xf32, #tpu.memory_space<vmem_shared>> -> memref<10016x128xf32, #tpu.memory_space<vmem_shared>>
        tpu.wait_indirect_dma semaphore(%run_scoped3A_243 : memref<!tpu.dma_semaphore, #tpu.memory_space<semaphore_mem>>) src(%arg10 : memref<80x128xf32, #tpu.memory_space<vmem>>) dst(%dma_wait3A_255 : memref<10016x128xf32, #tpu.memory_space<vmem_shared>>)
        tpu.yield
      }) : () -> ()
      %add3A_171 = arith.constant 4 : i32
      %add3A_172 = arith.addi %add3A_162, %add3A_171 : i32
      %lt3A_173 = arith.constant 128 : i32
      %lt3A_174 = arith.cmpi slt, %add3A_172, %lt3A_173 : i32
      %convert_element_type3A_175 = arith.extui %lt3A_174 : i1 to i32
      %cond3A_176 = arith.constant 0 : i32
      %cond3A_177 = arith.cmpi ne, %convert_element_type3A_175, %cond3A_176 : i32
      scf.if %cond3A_177 {
        %add3A_243 = arith.constant 4 : i32
        %add3A_244 = arith.addi %add3A_162, %add3A_243 : i32
        %dma_start3A_245 = arith.constant 0 : i32
        %dma_start3A_246 = arith.constant 0 : i32
        %dma_start3A_247 = tpu.memref_slice %arg3[%add3A, %add3A_244, %dma_start3A_245, %dma_start3A_246] : memref<32x128x2x80xi32, #tpu.memory_space<hbm>> -> memref<1x1x2x80xi32, #tpu.memory_space<hbm>>
        %dma_start3A_248 = tpu.memref_squeeze %dma_start3A_247 : memref<1x1x2x80xi32, #tpu.memory_space<hbm>> -> memref<2x80xi32, #tpu.memory_space<hbm>>
        %dma_start3A_249 = arith.constant 0 : i32
        %dma_start3A_250 = arith.constant 0 : i32
        %dma_start3A_251 = tpu.memref_slice %arg3[%add3A, %add3A_244, %dma_start3A_249, %dma_start3A_250] : memref<32x128x2x80xi32, #tpu.memory_space<hbm>> -> memref<1x1x2x80xi32, #tpu.memory_space<hbm>>
        %dma_start3A_252 = tpu.memref_squeeze %dma_start3A_251 : memref<1x1x2x80xi32, #tpu.memory_space<hbm>> -> memref<2x80xi32, #tpu.memory_space<hbm>>
        tpu.enqueue_dma source(%dma_start3A_252 : memref<2x80xi32, #tpu.memory_space<hbm>>) target(%arg6 : memref<2x80xi32, #tpu.memory_space<vmem>>) target_semaphore(%arg15 : memref<!tpu.dma_semaphore, #tpu.memory_space<semaphore_mem>>)
      } else {
      }
      %add3A_178 = arith.constant 4 : i32
      %add3A_179 = arith.addi %add3A_162, %add3A_178 : i32
      %sub3A_180 = arith.constant 1 : i32
      %sub3A_181 = arith.subi %add3A_179, %sub3A_180 : i32
      %lt3A_182 = arith.constant 128 : i32
      %lt3A_183 = arith.cmpi slt, %sub3A_181, %lt3A_182 : i32
      %convert_element_type3A_184 = arith.extui %lt3A_183 : i1 to i32
      %cond3A_185 = arith.constant 0 : i32
      %cond3A_186 = arith.cmpi ne, %convert_element_type3A_184, %cond3A_185 : i32
      scf.if %cond3A_186 {
        %add3A_243 = arith.constant 4 : i32
        %add3A_244 = arith.addi %add3A_162, %add3A_243 : i32
        %sub3A_245 = arith.constant 1 : i32
        %sub3A_246 = arith.subi %add3A_244, %sub3A_245 : i32
        %dma_wait3A_247 = arith.constant 0 : i32
        %dma_wait3A_248 = arith.constant 0 : i32
        %dma_wait3A_249 = tpu.memref_slice %arg3[%add3A, %sub3A_246, %dma_wait3A_247, %dma_wait3A_248] : memref<32x128x2x80xi32, #tpu.memory_space<hbm>> -> memref<1x1x2x80xi32, #tpu.memory_space<hbm>>
        %dma_wait3A_250 = tpu.memref_squeeze %dma_wait3A_249 : memref<1x1x2x80xi32, #tpu.memory_space<hbm>> -> memref<2x80xi32, #tpu.memory_space<hbm>>
        %dma_wait3A_251 = arith.constant 0 : i32
        %dma_wait3A_252 = arith.constant 0 : i32
        %dma_wait3A_253 = tpu.memref_slice %arg3[%add3A, %sub3A_246, %dma_wait3A_251, %dma_wait3A_252] : memref<32x128x2x80xi32, #tpu.memory_space<hbm>> -> memref<1x1x2x80xi32, #tpu.memory_space<hbm>>
        %dma_wait3A_254 = tpu.memref_squeeze %dma_wait3A_253 : memref<1x1x2x80xi32, #tpu.memory_space<hbm>> -> memref<2x80xi32, #tpu.memory_space<hbm>>
        tpu.wait_dma2 semaphore(%arg14 : memref<!tpu.dma_semaphore, #tpu.memory_space<semaphore_mem>>) src(%dma_wait3A_254 : memref<2x80xi32, #tpu.memory_space<hbm>>) dst(%arg5 : memref<2x80xi32, #tpu.memory_space<vmem>>)
        %dma_start3A_255 = arith.constant 0 : i32
        %dma_start3A_256 = arith.constant 0 : i32
        %dma_start3A_257 = tpu.memref_slice %arg5[%dma_start3A_255, %dma_start3A_256] : memref<2x80xi32, #tpu.memory_space<vmem>> -> memref<1x80xi32, #tpu.memory_space<vmem>>
        %dma_start3A_258 = tpu.memref_squeeze %dma_start3A_257 : memref<1x80xi32, #tpu.memory_space<vmem>> -> memref<80xi32, #tpu.memory_space<vmem>>
        %dma_start3A_259 = arith.constant 0 : i32
        %dma_start3A_260 = arith.constant 0 : i32
        %dma_start3A_261 = tpu.memref_slice %arg2[%dma_start3A_259, %dma_start3A_260] : memref<10000x128xf32, #tpu.memory_space<hbm>> -> memref<10000x128xf32, #tpu.memory_space<hbm>>
        tpu.enqueue_indirect_dma source(%dma_start3A_261 : memref<10000x128xf32, #tpu.memory_space<hbm>>) target(%arg9 : memref<80x128xf32, #tpu.memory_space<vmem>>) offsets(%dma_start3A_258 : memref<80xi32, #tpu.memory_space<vmem>>) semaphore(%arg18 : memref<!tpu.dma_semaphore, #tpu.memory_space<semaphore_mem>>)
      } else {
      }
      %mul3A_187 = arith.constant 4 : i32
      %mul3A_188 = arith.muli %scan3A_133, %mul3A_187 : i32
      %add3A_189 = arith.constant 2 : i32
      %add3A_190 = arith.addi %mul3A_188, %add3A_189 : i32
      %dma_wait3A_191 = arith.constant 0 : i32
      %dma_wait3A_192 = arith.constant 0 : i32
      %dma_wait3A_193 = tpu.memref_slice %arg7[%dma_wait3A_191, %dma_wait3A_192] : memref<2x80xi32, #tpu.memory_space<vmem>> -> memref<1x80xi32, #tpu.memory_space<vmem>>
      %dma_wait3A_194 = tpu.memref_squeeze %dma_wait3A_193 : memref<1x80xi32, #tpu.memory_space<vmem>> -> memref<80xi32, #tpu.memory_space<vmem>>
      %dma_wait3A_195 = arith.constant 0 : i32
      %dma_wait3A_196 = arith.constant 0 : i32
      %dma_wait3A_197 = tpu.memref_slice %arg2[%dma_wait3A_195, %dma_wait3A_196] : memref<10000x128xf32, #tpu.memory_space<hbm>> -> memref<10000x128xf32, #tpu.memory_space<hbm>>
      tpu.wait_indirect_dma semaphore(%arg20 : memref<!tpu.dma_semaphore, #tpu.memory_space<semaphore_mem>>) src(%dma_wait3A_197 : memref<10000x128xf32, #tpu.memory_space<hbm>>) dst(%arg11 : memref<80x128xf32, #tpu.memory_space<vmem>>)
      %run_scoped3A_198 = arith.constant 1 : i32
      "tpu.region"() ({
        %run_scoped3A_243 = tpu.sem_alloc : memref<!tpu.dma_semaphore, #tpu.memory_space<semaphore_mem>>
        %dma_start3A_244 = arith.constant 0 : i32
        %dma_start3A_245 = tpu.memref_slice %arg7[%run_scoped3A_198, %dma_start3A_244] : memref<2x80xi32, #tpu.memory_space<vmem>> -> memref<1x80xi32, #tpu.memory_space<vmem>>
        %dma_start3A_246 = tpu.memref_squeeze %dma_start3A_245 : memref<1x80xi32, #tpu.memory_space<vmem>> -> memref<80xi32, #tpu.memory_space<vmem>>
        %dma_start3A_247 = arith.constant 0 : i32
        %dma_start3A_248 = arith.constant 0 : i32
        %dma_start3A_249 = tpu.memref_slice %arg13[%dma_start3A_247, %dma_start3A_248] : memref<10016x128xf32, #tpu.memory_space<vmem_shared>> -> memref<10016x128xf32, #tpu.memory_space<vmem_shared>>
        tpu.enqueue_indirect_dma source(%arg11 : memref<80x128xf32, #tpu.memory_space<vmem>>) target(%dma_start3A_249 : memref<10016x128xf32, #tpu.memory_space<vmem_shared>>) offsets(%dma_start3A_246 : memref<80xi32, #tpu.memory_space<vmem>>) semaphore(%run_scoped3A_243 : memref<!tpu.dma_semaphore, #tpu.memory_space<semaphore_mem>>) {add = true}
        %dma_wait3A_250 = arith.constant 0 : i32
        %dma_wait3A_251 = tpu.memref_slice %arg7[%run_scoped3A_198, %dma_wait3A_250] : memref<2x80xi32, #tpu.memory_space<vmem>> -> memref<1x80xi32, #tpu.memory_space<vmem>>
        %dma_wait3A_252 = tpu.memref_squeeze %dma_wait3A_251 : memref<1x80xi32, #tpu.memory_space<vmem>> -> memref<80xi32, #tpu.memory_space<vmem>>
        %dma_wait3A_253 = arith.constant 0 : i32
        %dma_wait3A_254 = arith.constant 0 : i32
        %dma_wait3A_255 = tpu.memref_slice %arg13[%dma_wait3A_253, %dma_wait3A_254] : memref<10016x128xf32, #tpu.memory_space<vmem_shared>> -> memref<10016x128xf32, #tpu.memory_space<vmem_shared>>
        tpu.wait_indirect_dma semaphore(%run_scoped3A_243 : memref<!tpu.dma_semaphore, #tpu.memory_space<semaphore_mem>>) src(%arg11 : memref<80x128xf32, #tpu.memory_space<vmem>>) dst(%dma_wait3A_255 : memref<10016x128xf32, #tpu.memory_space<vmem_shared>>)
        tpu.yield
      }) : () -> ()
      %add3A_199 = arith.constant 4 : i32
      %add3A_200 = arith.addi %add3A_190, %add3A_199 : i32
      %lt3A_201 = arith.constant 128 : i32
      %lt3A_202 = arith.cmpi slt, %add3A_200, %lt3A_201 : i32
      %convert_element_type3A_203 = arith.extui %lt3A_202 : i1 to i32
      %cond3A_204 = arith.constant 0 : i32
      %cond3A_205 = arith.cmpi ne, %convert_element_type3A_203, %cond3A_204 : i32
      scf.if %cond3A_205 {
        %add3A_243 = arith.constant 4 : i32
        %add3A_244 = arith.addi %add3A_190, %add3A_243 : i32
        %dma_start3A_245 = arith.constant 0 : i32
        %dma_start3A_246 = arith.constant 0 : i32
        %dma_start3A_247 = tpu.memref_slice %arg3[%add3A, %add3A_244, %dma_start3A_245, %dma_start3A_246] : memref<32x128x2x80xi32, #tpu.memory_space<hbm>> -> memref<1x1x2x80xi32, #tpu.memory_space<hbm>>
        %dma_start3A_248 = tpu.memref_squeeze %dma_start3A_247 : memref<1x1x2x80xi32, #tpu.memory_space<hbm>> -> memref<2x80xi32, #tpu.memory_space<hbm>>
        %dma_start3A_249 = arith.constant 0 : i32
        %dma_start3A_250 = arith.constant 0 : i32
        %dma_start3A_251 = tpu.memref_slice %arg3[%add3A, %add3A_244, %dma_start3A_249, %dma_start3A_250] : memref<32x128x2x80xi32, #tpu.memory_space<hbm>> -> memref<1x1x2x80xi32, #tpu.memory_space<hbm>>
        %dma_start3A_252 = tpu.memref_squeeze %dma_start3A_251 : memref<1x1x2x80xi32, #tpu.memory_space<hbm>> -> memref<2x80xi32, #tpu.memory_space<hbm>>
        tpu.enqueue_dma source(%dma_start3A_252 : memref<2x80xi32, #tpu.memory_space<hbm>>) target(%arg7 : memref<2x80xi32, #tpu.memory_space<vmem>>) target_semaphore(%arg16 : memref<!tpu.dma_semaphore, #tpu.memory_space<semaphore_mem>>)
      } else {
      }
      %add3A_206 = arith.constant 4 : i32
      %add3A_207 = arith.addi %add3A_190, %add3A_206 : i32
      %sub3A_208 = arith.constant 1 : i32
      %sub3A_209 = arith.subi %add3A_207, %sub3A_208 : i32
      %lt3A_210 = arith.constant 128 : i32
      %lt3A_211 = arith.cmpi slt, %sub3A_209, %lt3A_210 : i32
      %convert_element_type3A_212 = arith.extui %lt3A_211 : i1 to i32
      %cond3A_213 = arith.constant 0 : i32
      %cond3A_214 = arith.cmpi ne, %convert_element_type3A_212, %cond3A_213 : i32
      scf.if %cond3A_214 {
        %add3A_243 = arith.constant 4 : i32
        %add3A_244 = arith.addi %add3A_190, %add3A_243 : i32
        %sub3A_245 = arith.constant 1 : i32
        %sub3A_246 = arith.subi %add3A_244, %sub3A_245 : i32
        %dma_wait3A_247 = arith.constant 0 : i32
        %dma_wait3A_248 = arith.constant 0 : i32
        %dma_wait3A_249 = tpu.memref_slice %arg3[%add3A, %sub3A_246, %dma_wait3A_247, %dma_wait3A_248] : memref<32x128x2x80xi32, #tpu.memory_space<hbm>> -> memref<1x1x2x80xi32, #tpu.memory_space<hbm>>
        %dma_wait3A_250 = tpu.memref_squeeze %dma_wait3A_249 : memref<1x1x2x80xi32, #tpu.memory_space<hbm>> -> memref<2x80xi32, #tpu.memory_space<hbm>>
        %dma_wait3A_251 = arith.constant 0 : i32
        %dma_wait3A_252 = arith.constant 0 : i32
        %dma_wait3A_253 = tpu.memref_slice %arg3[%add3A, %sub3A_246, %dma_wait3A_251, %dma_wait3A_252] : memref<32x128x2x80xi32, #tpu.memory_space<hbm>> -> memref<1x1x2x80xi32, #tpu.memory_space<hbm>>
        %dma_wait3A_254 = tpu.memref_squeeze %dma_wait3A_253 : memref<1x1x2x80xi32, #tpu.memory_space<hbm>> -> memref<2x80xi32, #tpu.memory_space<hbm>>
        tpu.wait_dma2 semaphore(%arg15 : memref<!tpu.dma_semaphore, #tpu.memory_space<semaphore_mem>>) src(%dma_wait3A_254 : memref<2x80xi32, #tpu.memory_space<hbm>>) dst(%arg6 : memref<2x80xi32, #tpu.memory_space<vmem>>)
        %dma_start3A_255 = arith.constant 0 : i32
        %dma_start3A_256 = arith.constant 0 : i32
        %dma_start3A_257 = tpu.memref_slice %arg6[%dma_start3A_255, %dma_start3A_256] : memref<2x80xi32, #tpu.memory_space<vmem>> -> memref<1x80xi32, #tpu.memory_space<vmem>>
        %dma_start3A_258 = tpu.memref_squeeze %dma_start3A_257 : memref<1x80xi32, #tpu.memory_space<vmem>> -> memref<80xi32, #tpu.memory_space<vmem>>
        %dma_start3A_259 = arith.constant 0 : i32
        %dma_start3A_260 = arith.constant 0 : i32
        %dma_start3A_261 = tpu.memref_slice %arg2[%dma_start3A_259, %dma_start3A_260] : memref<10000x128xf32, #tpu.memory_space<hbm>> -> memref<10000x128xf32, #tpu.memory_space<hbm>>
        tpu.enqueue_indirect_dma source(%dma_start3A_261 : memref<10000x128xf32, #tpu.memory_space<hbm>>) target(%arg10 : memref<80x128xf32, #tpu.memory_space<vmem>>) offsets(%dma_start3A_258 : memref<80xi32, #tpu.memory_space<vmem>>) semaphore(%arg19 : memref<!tpu.dma_semaphore, #tpu.memory_space<semaphore_mem>>)
      } else {
      }
      %mul3A_215 = arith.constant 4 : i32
      %mul3A_216 = arith.muli %scan3A_133, %mul3A_215 : i32
      %add3A_217 = arith.constant 3 : i32
      %add3A_218 = arith.addi %mul3A_216, %add3A_217 : i32
      %dma_wait3A_219 = arith.constant 0 : i32
      %dma_wait3A_220 = arith.constant 0 : i32
      %dma_wait3A_221 = tpu.memref_slice %arg8[%dma_wait3A_219, %dma_wait3A_220] : memref<2x80xi32, #tpu.memory_space<vmem>> -> memref<1x80xi32, #tpu.memory_space<vmem>>
      %dma_wait3A_222 = tpu.memref_squeeze %dma_wait3A_221 : memref<1x80xi32, #tpu.memory_space<vmem>> -> memref<80xi32, #tpu.memory_space<vmem>>
      %dma_wait3A_223 = arith.constant 0 : i32
      %dma_wait3A_224 = arith.constant 0 : i32
      %dma_wait3A_225 = tpu.memref_slice %arg2[%dma_wait3A_223, %dma_wait3A_224] : memref<10000x128xf32, #tpu.memory_space<hbm>> -> memref<10000x128xf32, #tpu.memory_space<hbm>>
      tpu.wait_indirect_dma semaphore(%arg21 : memref<!tpu.dma_semaphore, #tpu.memory_space<semaphore_mem>>) src(%dma_wait3A_225 : memref<10000x128xf32, #tpu.memory_space<hbm>>) dst(%arg12 : memref<80x128xf32, #tpu.memory_space<vmem>>)
      %run_scoped3A_226 = arith.constant 1 : i32
      "tpu.region"() ({
        %run_scoped3A_243 = tpu.sem_alloc : memref<!tpu.dma_semaphore, #tpu.memory_space<semaphore_mem>>
        %dma_start3A_244 = arith.constant 0 : i32
        %dma_start3A_245 = tpu.memref_slice %arg8[%run_scoped3A_226, %dma_start3A_244] : memref<2x80xi32, #tpu.memory_space<vmem>> -> memref<1x80xi32, #tpu.memory_space<vmem>>
        %dma_start3A_246 = tpu.memref_squeeze %dma_start3A_245 : memref<1x80xi32, #tpu.memory_space<vmem>> -> memref<80xi32, #tpu.memory_space<vmem>>
        %dma_start3A_247 = arith.constant 0 : i32
        %dma_start3A_248 = arith.constant 0 : i32
        %dma_start3A_249 = tpu.memref_slice %arg13[%dma_start3A_247, %dma_start3A_248] : memref<10016x128xf32, #tpu.memory_space<vmem_shared>> -> memref<10016x128xf32, #tpu.memory_space<vmem_shared>>
        tpu.enqueue_indirect_dma source(%arg12 : memref<80x128xf32, #tpu.memory_space<vmem>>) target(%dma_start3A_249 : memref<10016x128xf32, #tpu.memory_space<vmem_shared>>) offsets(%dma_start3A_246 : memref<80xi32, #tpu.memory_space<vmem>>) semaphore(%run_scoped3A_243 : memref<!tpu.dma_semaphore, #tpu.memory_space<semaphore_mem>>) {add = true}
        %dma_wait3A_250 = arith.constant 0 : i32
        %dma_wait3A_251 = tpu.memref_slice %arg8[%run_scoped3A_226, %dma_wait3A_250] : memref<2x80xi32, #tpu.memory_space<vmem>> -> memref<1x80xi32, #tpu.memory_space<vmem>>
        %dma_wait3A_252 = tpu.memref_squeeze %dma_wait3A_251 : memref<1x80xi32, #tpu.memory_space<vmem>> -> memref<80xi32, #tpu.memory_space<vmem>>
        %dma_wait3A_253 = arith.constant 0 : i32
        %dma_wait3A_254 = arith.constant 0 : i32
        %dma_wait3A_255 = tpu.memref_slice %arg13[%dma_wait3A_253, %dma_wait3A_254] : memref<10016x128xf32, #tpu.memory_space<vmem_shared>> -> memref<10016x128xf32, #tpu.memory_space<vmem_shared>>
        tpu.wait_indirect_dma semaphore(%run_scoped3A_243 : memref<!tpu.dma_semaphore, #tpu.memory_space<semaphore_mem>>) src(%arg12 : memref<80x128xf32, #tpu.memory_space<vmem>>) dst(%dma_wait3A_255 : memref<10016x128xf32, #tpu.memory_space<vmem_shared>>)
        tpu.yield
      }) : () -> ()
      %add3A_227 = arith.constant 4 : i32
      %add3A_228 = arith.addi %add3A_218, %add3A_227 : i32
      %lt3A_229 = arith.constant 128 : i32
      %lt3A_230 = arith.cmpi slt, %add3A_228, %lt3A_229 : i32
      %convert_element_type3A_231 = arith.extui %lt3A_230 : i1 to i32
      %cond3A_232 = arith.constant 0 : i32
      %cond3A_233 = arith.cmpi ne, %convert_element_type3A_231, %cond3A_232 : i32
      scf.if %cond3A_233 {
        %add3A_243 = arith.constant 4 : i32
        %add3A_244 = arith.addi %add3A_218, %add3A_243 : i32
        %dma_start3A_245 = arith.constant 0 : i32
        %dma_start3A_246 = arith.constant 0 : i32
        %dma_start3A_247 = tpu.memref_slice %arg3[%add3A, %add3A_244, %dma_start3A_245, %dma_start3A_246] : memref<32x128x2x80xi32, #tpu.memory_space<hbm>> -> memref<1x1x2x80xi32, #tpu.memory_space<hbm>>
        %dma_start3A_248 = tpu.memref_squeeze %dma_start3A_247 : memref<1x1x2x80xi32, #tpu.memory_space<hbm>> -> memref<2x80xi32, #tpu.memory_space<hbm>>
        %dma_start3A_249 = arith.constant 0 : i32
        %dma_start3A_250 = arith.constant 0 : i32
        %dma_start3A_251 = tpu.memref_slice %arg3[%add3A, %add3A_244, %dma_start3A_249, %dma_start3A_250] : memref<32x128x2x80xi32, #tpu.memory_space<hbm>> -> memref<1x1x2x80xi32, #tpu.memory_space<hbm>>
        %dma_start3A_252 = tpu.memref_squeeze %dma_start3A_251 : memref<1x1x2x80xi32, #tpu.memory_space<hbm>> -> memref<2x80xi32, #tpu.memory_space<hbm>>
        tpu.enqueue_dma source(%dma_start3A_252 : memref<2x80xi32, #tpu.memory_space<hbm>>) target(%arg8 : memref<2x80xi32, #tpu.memory_space<vmem>>) target_semaphore(%arg17 : memref<!tpu.dma_semaphore, #tpu.memory_space<semaphore_mem>>)
      } else {
      }
      %add3A_234 = arith.constant 4 : i32
      %add3A_235 = arith.addi %add3A_218, %add3A_234 : i32
      %sub3A_236 = arith.constant 1 : i32
      %sub3A_237 = arith.subi %add3A_235, %sub3A_236 : i32
      %lt3A_238 = arith.constant 128 : i32
      %lt3A_239 = arith.cmpi slt, %sub3A_237, %lt3A_238 : i32
      %convert_element_type3A_240 = arith.extui %lt3A_239 : i1 to i32
      %cond3A_241 = arith.constant 0 : i32
      %cond3A_242 = arith.cmpi ne, %convert_element_type3A_240, %cond3A_241 : i32
      scf.if %cond3A_242 {
        %add3A_243 = arith.constant 4 : i32
        %add3A_244 = arith.addi %add3A_218, %add3A_243 : i32
        %sub3A_245 = arith.constant 1 : i32
        %sub3A_246 = arith.subi %add3A_244, %sub3A_245 : i32
        %dma_wait3A_247 = arith.constant 0 : i32
        %dma_wait3A_248 = arith.constant 0 : i32
        %dma_wait3A_249 = tpu.memref_slice %arg3[%add3A, %sub3A_246, %dma_wait3A_247, %dma_wait3A_248] : memref<32x128x2x80xi32, #tpu.memory_space<hbm>> -> memref<1x1x2x80xi32, #tpu.memory_space<hbm>>
        %dma_wait3A_250 = tpu.memref_squeeze %dma_wait3A_249 : memref<1x1x2x80xi32, #tpu.memory_space<hbm>> -> memref<2x80xi32, #tpu.memory_space<hbm>>
        %dma_wait3A_251 = arith.constant 0 : i32
        %dma_wait3A_252 = arith.constant 0 : i32
        %dma_wait3A_253 = tpu.memref_slice %arg3[%add3A, %sub3A_246, %dma_wait3A_251, %dma_wait3A_252] : memref<32x128x2x80xi32, #tpu.memory_space<hbm>> -> memref<1x1x2x80xi32, #tpu.memory_space<hbm>>
        %dma_wait3A_254 = tpu.memref_squeeze %dma_wait3A_253 : memref<1x1x2x80xi32, #tpu.memory_space<hbm>> -> memref<2x80xi32, #tpu.memory_space<hbm>>
        tpu.wait_dma2 semaphore(%arg16 : memref<!tpu.dma_semaphore, #tpu.memory_space<semaphore_mem>>) src(%dma_wait3A_254 : memref<2x80xi32, #tpu.memory_space<hbm>>) dst(%arg7 : memref<2x80xi32, #tpu.memory_space<vmem>>)
        %dma_start3A_255 = arith.constant 0 : i32
        %dma_start3A_256 = arith.constant 0 : i32
        %dma_start3A_257 = tpu.memref_slice %arg7[%dma_start3A_255, %dma_start3A_256] : memref<2x80xi32, #tpu.memory_space<vmem>> -> memref<1x80xi32, #tpu.memory_space<vmem>>
        %dma_start3A_258 = tpu.memref_squeeze %dma_start3A_257 : memref<1x80xi32, #tpu.memory_space<vmem>> -> memref<80xi32, #tpu.memory_space<vmem>>
        %dma_start3A_259 = arith.constant 0 : i32
        %dma_start3A_260 = arith.constant 0 : i32
        %dma_start3A_261 = tpu.memref_slice %arg2[%dma_start3A_259, %dma_start3A_260] : memref<10000x128xf32, #tpu.memory_space<hbm>> -> memref<10000x128xf32, #tpu.memory_space<hbm>>
        tpu.enqueue_indirect_dma source(%dma_start3A_261 : memref<10000x128xf32, #tpu.memory_space<hbm>>) target(%arg11 : memref<80x128xf32, #tpu.memory_space<vmem>>) offsets(%dma_start3A_258 : memref<80xi32, #tpu.memory_space<vmem>>) semaphore(%arg20 : memref<!tpu.dma_semaphore, #tpu.memory_space<semaphore_mem>>)
      } else {
      }
    }
    %scan3A_125 = arith.constant 32 : i32
    %barrier3A_126 = arith.constant 0 : index
    tpu.barrier barrier_id(%barrier3A_126)
    %mul3A_127 = arith.constant 624 : i32
    %mul3A_128 = arith.muli %arg1, %mul3A_127 : i32
    %mul3A_129 = arith.constant 624 : i32
    %mul3A_130 = arith.muli %arg1, %mul3A_129 : i32
    "tpu.region"() ({
      %run_scoped3A = tpu.sem_alloc : memref<!tpu.dma_semaphore, #tpu.memory_space<semaphore_mem>>
      %dma_start3A_133 = arith.constant 0 : i32
      %dma_start3A_134 = tpu.memref_slice %arg4[%arg0, %mul3A_130, %dma_start3A_133] : memref<2x10000x128xf32, #tpu.memory_space<hbm>> -> memref<1x624x128xf32, #tpu.memory_space<hbm>>
      %dma_start3A_135 = tpu.memref_squeeze %dma_start3A_134 : memref<1x624x128xf32, #tpu.memory_space<hbm>> -> memref<624x128xf32, #tpu.memory_space<hbm>>
      %dma_start3A_136 = arith.constant 0 : i32
      %dma_start3A_137 = tpu.memref_slice %arg13[%mul3A_128, %dma_start3A_136] : memref<10016x128xf32, #tpu.memory_space<vmem_shared>> -> memref<624x128xf32, #tpu.memory_space<vmem_shared>>
      tpu.enqueue_dma source(%dma_start3A_137 : memref<624x128xf32, #tpu.memory_space<vmem_shared>>) target(%dma_start3A_135 : memref<624x128xf32, #tpu.memory_space<hbm>>) target_semaphore(%run_scoped3A : memref<!tpu.dma_semaphore, #tpu.memory_space<semaphore_mem>>)
      %dma_wait3A_138 = arith.constant 0 : i32
      %dma_wait3A_139 = tpu.memref_slice %arg4[%arg0, %mul3A_130, %dma_wait3A_138] : memref<2x10000x128xf32, #tpu.memory_space<hbm>> -> memref<1x624x128xf32, #tpu.memory_space<hbm>>
      %dma_wait3A_140 = tpu.memref_squeeze %dma_wait3A_139 : memref<1x624x128xf32, #tpu.memory_space<hbm>> -> memref<624x128xf32, #tpu.memory_space<hbm>>
      %dma_wait3A_141 = arith.constant 0 : i32
      %dma_wait3A_142 = tpu.memref_slice %arg13[%mul3A_128, %dma_wait3A_141] : memref<10016x128xf32, #tpu.memory_space<vmem_shared>> -> memref<624x128xf32, #tpu.memory_space<vmem_shared>>
      tpu.wait_dma2 semaphore(%run_scoped3A : memref<!tpu.dma_semaphore, #tpu.memory_space<semaphore_mem>>) src(%dma_wait3A_142 : memref<624x128xf32, #tpu.memory_space<vmem_shared>>) dst(%dma_wait3A_140 : memref<624x128xf32, #tpu.memory_space<hbm>>)
      tpu.yield
    }) : () -> ()
    %eq3A = arith.constant 0 : i32
    %eq3A_131 = arith.cmpi eq, %arg1, %eq3A : i32
    %convert_element_type3A = arith.extui %eq3A_131 : i1 to i32
    %cond3A = arith.constant 0 : i32
    %cond3A_132 = arith.cmpi ne, %convert_element_type3A, %cond3A : i32
    scf.if %cond3A_132 {
      "tpu.region"() ({
        %run_scoped3A = tpu.sem_alloc : memref<!tpu.dma_semaphore, #tpu.memory_space<semaphore_mem>>
        %dma_start3A_133 = arith.constant 9984 : i32
        %dma_start3A_134 = arith.constant 0 : i32
        %dma_start3A_135 = tpu.memref_slice %arg4[%arg0, %dma_start3A_133, %dma_start3A_134] : memref<2x10000x128xf32, #tpu.memory_space<hbm>> -> memref<1x16x128xf32, #tpu.memory_space<hbm>>
        %dma_start3A_136 = tpu.memref_squeeze %dma_start3A_135 : memref<1x16x128xf32, #tpu.memory_space<hbm>> -> memref<16x128xf32, #tpu.memory_space<hbm>>
        %dma_start3A_137 = arith.constant 9984 : i32
        %dma_start3A_138 = arith.constant 0 : i32
        %dma_start3A_139 = tpu.memref_slice %arg13[%dma_start3A_137, %dma_start3A_138] : memref<10016x128xf32, #tpu.memory_space<vmem_shared>> -> memref<16x128xf32, #tpu.memory_space<vmem_shared>>
        tpu.enqueue_dma source(%dma_start3A_139 : memref<16x128xf32, #tpu.memory_space<vmem_shared>>) target(%dma_start3A_136 : memref<16x128xf32, #tpu.memory_space<hbm>>) target_semaphore(%run_scoped3A : memref<!tpu.dma_semaphore, #tpu.memory_space<semaphore_mem>>)
        %dma_wait3A_140 = arith.constant 9984 : i32
        %dma_wait3A_141 = arith.constant 0 : i32
        %dma_wait3A_142 = tpu.memref_slice %arg4[%arg0, %dma_wait3A_140, %dma_wait3A_141] : memref<2x10000x128xf32, #tpu.memory_space<hbm>> -> memref<1x16x128xf32, #tpu.memory_space<hbm>>
        %dma_wait3A_143 = tpu.memref_squeeze %dma_wait3A_142 : memref<1x16x128xf32, #tpu.memory_space<hbm>> -> memref<16x128xf32, #tpu.memory_space<hbm>>
        %dma_wait3A_144 = arith.constant 9984 : i32
        %dma_wait3A_145 = arith.constant 0 : i32
        %dma_wait3A_146 = tpu.memref_slice %arg13[%dma_wait3A_144, %dma_wait3A_145] : memref<10016x128xf32, #tpu.memory_space<vmem_shared>> -> memref<16x128xf32, #tpu.memory_space<vmem_shared>>
        tpu.wait_dma2 semaphore(%run_scoped3A : memref<!tpu.dma_semaphore, #tpu.memory_space<semaphore_mem>>) src(%dma_wait3A_146 : memref<16x128xf32, #tpu.memory_space<vmem_shared>>) dst(%dma_wait3A_143 : memref<16x128xf32, #tpu.memory_space<hbm>>)
        tpu.yield
      }) : () -> ()
    } else {
    }
    return
  }
}

#map = affine_map<(d0, d1) -> (0, 0)>
#map1 = affine_map<(d0, d1) -> (0, 0, 0, 0)>
#map2 = affine_map<(d0, d1) -> (0, 0, 0)>
module attributes {stable_mosaic.version = 14 : i64} {
  func.func @agg(%arg0: i32, %arg1: i32, %arg2: memref<10000x128xf32, #tpu.memory_space<hbm>>, %arg3: memref<32x128x2x80xi32, #tpu.memory_space<hbm>>, %arg4: memref<2x10000x128xf32, #tpu.memory_space<hbm>>, %arg5: memref<2x80xi32, #tpu.memory_space<vmem>>, %arg6: memref<2x80xi32, #tpu.memory_space<vmem>>, %arg7: memref<2x80xi32, #tpu.memory_space<vmem>>, %arg8: memref<2x80xi32, #tpu.memory_space<vmem>>, %arg9: memref<80x128xf32, #tpu.memory_space<vmem>>, %arg10: memref<80x128xf32, #tpu.memory_space<vmem>>, %arg11: memref<80x128xf32, #tpu.memory_space<vmem>>, %arg12: memref<80x128xf32, #tpu.memory_space<vmem>>, %arg13: memref<10016x128xf32, #tpu.memory_space<vmem_shared>>, %arg14: memref<!tpu.dma_semaphore, #tpu.memory_space<semaphore_mem>>, %arg15: memref<!tpu.dma_semaphore, #tpu.memory_space<semaphore_mem>>, %arg16: memref<!tpu.dma_semaphore, #tpu.memory_space<semaphore_mem>>, %arg17: memref<!tpu.dma_semaphore, #tpu.memory_space<semaphore_mem>>, %arg18: memref<!tpu.dma_semaphore, #tpu.memory_space<semaphore_mem>>, %arg19: memref<!tpu.dma_semaphore, #tpu.memory_space<semaphore_mem>>, %arg20: memref<!tpu.dma_semaphore, #tpu.memory_space<semaphore_mem>>, %arg21: memref<!tpu.dma_semaphore, #tpu.memory_space<semaphore_mem>>) attributes {dimension_semantics = [#tpu.dimension_semantics<core_parallel>, #tpu.dimension_semantics<subcore_parallel>], iteration_bounds = array<i64: 2, 16>, scalar_prefetch = 0 : i64, scratch_operands = 17 : i64, tpu.core_type = #tpu.core_type<sc_vector_subcore>, window_params = [{transform_indices = #map}, {transform_indices = #map1}, {transform_indices = #map2}]} {
    %mul3A = arith.constant 2 : i32
    %mul3A_0 = arith.muli %arg1, %mul3A : i32
    %add3A = arith.addi %mul3A_0, %arg0 : i32
    %scan3A = arith.constant 0 : i32
    %scan3A_1 = arith.constant 0 : i32
    %scan3A_2 = arith.constant 640 : i32
    %scan3A_3 = arith.addi %scan3A_1, %scan3A_2 : i32
    %scan3A_4 = arith.constant 8 : i32
    scf.for %scan3A_133 = %scan3A_1 to %scan3A_3 step %scan3A_4  : i32 {
      %broadcast_in_dim3A = arith.constant 0.000000e+00 : f32
      %broadcast_in_dim3A_134 = vector.broadcast %broadcast_in_dim3A : f32 to vector<16xf32>
      %jit3A = arith.constant 8 : i32
      %div3A = arith.divsi %scan3A_133, %jit3A : i32
      %sign3A = arith.constant 0 : i32
      %sign3A_135 = arith.cmpi sgt, %scan3A_133, %sign3A : i32
      %sign3A_136 = arith.extui %sign3A_135 : i1 to i32
      %sign3A_137 = arith.constant 0 : i32
      %sign3A_138 = arith.cmpi slt, %scan3A_133, %sign3A_137 : i32
      %sign3A_139 = arith.extui %sign3A_138 : i1 to i32
      %sign3A_140 = arith.subi %sign3A_136, %sign3A_139 : i32
      %sign3A_141 = arith.constant 0 : i32
      %sign3A_142 = arith.cmpi sgt, %jit3A, %sign3A_141 : i32
      %sign3A_143 = arith.extui %sign3A_142 : i1 to i32
      %sign3A_144 = arith.constant 0 : i32
      %sign3A_145 = arith.cmpi slt, %jit3A, %sign3A_144 : i32
      %sign3A_146 = arith.extui %sign3A_145 : i1 to i32
      %sign3A_147 = arith.subi %sign3A_143, %sign3A_146 : i32
      %ne3A = arith.cmpi ne, %sign3A_140, %sign3A_147 : i32
      %rem3A = arith.remsi %scan3A_133, %jit3A : i32
      %ne3A_148 = arith.constant 0 : i32
      %ne3A_149 = arith.cmpi ne, %rem3A, %ne3A_148 : i32
      %and3A = arith.andi %ne3A, %ne3A_149 : i1
      %sub3A = arith.constant 1 : i32
      %sub3A_150 = arith.subi %div3A, %sub3A : i32
      %select_n3A = arith.select %and3A, %sub3A_150, %div3A : i32
      %jit3A_151 = arith.constant 8 : i32
      %eq3A_152 = arith.constant 0 : i32
      %eq3A_153 = arith.cmpi eq, %jit3A_151, %eq3A_152 : i32
      %jit3A_154 = arith.constant 1 : i32
      %select_n3A_155 = arith.select %eq3A_153, %jit3A_154, %jit3A_151 : i32
      %rem3A_156 = arith.remsi %scan3A_133, %select_n3A_155 : i32
      %ne3A_157 = arith.constant 0 : i32
      %ne3A_158 = arith.cmpi ne, %rem3A_156, %ne3A_157 : i32
      %lt3A = arith.constant 0 : i32
      %lt3A_159 = arith.cmpi slt, %rem3A_156, %lt3A : i32
      %lt3A_160 = arith.constant 0 : i32
      %lt3A_161 = arith.cmpi slt, %select_n3A_155, %lt3A_160 : i32
      %ne3A_162 = arith.xori %lt3A_159, %lt3A_161 : i1
      %and3A_163 = arith.andi %ne3A_162, %ne3A_158 : i1
      %add3A_164 = arith.addi %rem3A_156, %select_n3A_155 : i32
      %select_n3A_165 = arith.select %and3A_163, %add3A_164, %rem3A_156 : i32
      %mul3A_166 = arith.constant 16 : i32
      %mul3A_167 = arith.muli %select_n3A_165, %mul3A_166 : i32
      %swap3A = arith.index_cast %select_n3A : i32 to index
      %swap3A_168 = arith.index_cast %mul3A_167 : i32 to index
      %swap3A_169 = tpu.vector_load %arg9[%swap3A, %swap3A_168] {strides = array<i32>} : memref<80x128xf32, #tpu.memory_space<vmem>>, vector<1x16xf32>,
      %swap3A_170 = vector.shape_cast %swap3A_169 : vector<1x16xf32> to vector<16xf32>
      %swap3A_171 = vector.shape_cast %broadcast_in_dim3A_134 : vector<16xf32> to vector<1x16xf32>
      tpu.vector_store %arg9[%swap3A, %swap3A_168], %swap3A_171 {strides = array<i32>} : memref<80x128xf32, #tpu.memory_space<vmem>>, vector<1x16xf32>,
      %scan3A_172 = arith.constant 1 : i32
      %scan3A_173 = arith.addi %scan3A_133, %scan3A_172 : i32
      %broadcast_in_dim3A_174 = arith.constant 0.000000e+00 : f32
      %broadcast_in_dim3A_175 = vector.broadcast %broadcast_in_dim3A_174 : f32 to vector<16xf32>
      %jit3A_176 = arith.constant 8 : i32
      %div3A_177 = arith.divsi %scan3A_173, %jit3A_176 : i32
      %sign3A_178 = arith.constant 0 : i32
      %sign3A_179 = arith.cmpi sgt, %scan3A_173, %sign3A_178 : i32
      %sign3A_180 = arith.extui %sign3A_179 : i1 to i32
      %sign3A_181 = arith.constant 0 : i32
      %sign3A_182 = arith.cmpi slt, %scan3A_173, %sign3A_181 : i32
      %sign3A_183 = arith.extui %sign3A_182 : i1 to i32
      %sign3A_184 = arith.subi %sign3A_180, %sign3A_183 : i32
      %sign3A_185 = arith.constant 0 : i32
      %sign3A_186 = arith.cmpi sgt, %jit3A_176, %sign3A_185 : i32
      %sign3A_187 = arith.extui %sign3A_186 : i1 to i32
      %sign3A_188 = arith.constant 0 : i32
      %sign3A_189 = arith.cmpi slt, %jit3A_176, %sign3A_188 : i32
      %sign3A_190 = arith.extui %sign3A_189 : i1 to i32
      %sign3A_191 = arith.subi %sign3A_187, %sign3A_190 : i32
      %ne3A_192 = arith.cmpi ne, %sign3A_184, %sign3A_191 : i32
      %rem3A_193 = arith.remsi %scan3A_173, %jit3A_176 : i32
      %ne3A_194 = arith.constant 0 : i32
      %ne3A_195 = arith.cmpi ne, %rem3A_193, %ne3A_194 : i32
      %and3A_196 = arith.andi %ne3A_192, %ne3A_195 : i1
      %sub3A_197 = arith.constant 1 : i32
      %sub3A_198 = arith.subi %div3A_177, %sub3A_197 : i32
      %select_n3A_199 = arith.select %and3A_196, %sub3A_198, %div3A_177 : i32
      %jit3A_200 = arith.constant 8 : i32
      %eq3A_201 = arith.constant 0 : i32
      %eq3A_202 = arith.cmpi eq, %jit3A_200, %eq3A_201 : i32
      %jit3A_203 = arith.constant 1 : i32
      %select_n3A_204 = arith.select %eq3A_202, %jit3A_203, %jit3A_200 : i32
      %rem3A_205 = arith.remsi %scan3A_173, %select_n3A_204 : i32
      %ne3A_206 = arith.constant 0 : i32
      %ne3A_207 = arith.cmpi ne, %rem3A_205, %ne3A_206 : i32
      %lt3A_208 = arith.constant 0 : i32
      %lt3A_209 = arith.cmpi slt, %rem3A_205, %lt3A_208 : i32
      %lt3A_210 = arith.constant 0 : i32
      %lt3A_211 = arith.cmpi slt, %select_n3A_204, %lt3A_210 : i32
      %ne3A_212 = arith.xori %lt3A_209, %lt3A_211 : i1
      %and3A_213 = arith.andi %ne3A_212, %ne3A_207 : i1
      %add3A_214 = arith.addi %rem3A_205, %select_n3A_204 : i32
      %select_n3A_215 = arith.select %and3A_213, %add3A_214, %rem3A_205 : i32
      %mul3A_216 = arith.constant 16 : i32
      %mul3A_217 = arith.muli %select_n3A_215, %mul3A_216 : i32
      %swap3A_218 = arith.index_cast %select_n3A_199 : i32 to index
      %swap3A_219 = arith.index_cast %mul3A_217 : i32 to index
      %swap3A_220 = tpu.vector_load %arg9[%swap3A_218, %swap3A_219] {strides = array<i32>} : memref<80x128xf32, #tpu.memory_space<vmem>>, vector<1x16xf32>,
      %swap3A_221 = vector.shape_cast %swap3A_220 : vector<1x16xf32> to vector<16xf32>
      %swap3A_222 = vector.shape_cast %broadcast_in_dim3A_175 : vector<16xf32> to vector<1x16xf32>
      tpu.vector_store %arg9[%swap3A_218, %swap3A_219], %swap3A_222 {strides = array<i32>} : memref<80x128xf32, #tpu.memory_space<vmem>>, vector<1x16xf32>,
      %scan3A_223 = arith.constant 2 : i32
      %scan3A_224 = arith.addi %scan3A_133, %scan3A_223 : i32
      %broadcast_in_dim3A_225 = arith.constant 0.000000e+00 : f32
      %broadcast_in_dim3A_226 = vector.broadcast %broadcast_in_dim3A_225 : f32 to vector<16xf32>
      %jit3A_227 = arith.constant 8 : i32
      %div3A_228 = arith.divsi %scan3A_224, %jit3A_227 : i32
      %sign3A_229 = arith.constant 0 : i32
      %sign3A_230 = arith.cmpi sgt, %scan3A_224, %sign3A_229 : i32
      %sign3A_231 = arith.extui %sign3A_230 : i1 to i32
      %sign3A_232 = arith.constant 0 : i32
      %sign3A_233 = arith.cmpi slt, %scan3A_224, %sign3A_232 : i32
      %sign3A_234 = arith.extui %sign3A_233 : i1 to i32
      %sign3A_235 = arith.subi %sign3A_231, %sign3A_234 : i32
      %sign3A_236 = arith.constant 0 : i32
      %sign3A_237 = arith.cmpi sgt, %jit3A_227, %sign3A_236 : i32
      %sign3A_238 = arith.extui %sign3A_237 : i1 to i32
      %sign3A_239 = arith.constant 0 : i32
      %sign3A_240 = arith.cmpi slt, %jit3A_227, %sign3A_239 : i32
      %sign3A_241 = arith.extui %sign3A_240 : i1 to i32
      %sign3A_242 = arith.subi %sign3A_238, %sign3A_241 : i32
      %ne3A_243 = arith.cmpi ne, %sign3A_235, %sign3A_242 : i32
      %rem3A_244 = arith.remsi %scan3A_224, %jit3A_227 : i32
      %ne3A_245 = arith.constant 0 : i32
      %ne3A_246 = arith.cmpi ne, %rem3A_244, %ne3A_245 : i32
      %and3A_247 = arith.andi %ne3A_243, %ne3A_246 : i1
      %sub3A_248 = arith.constant 1 : i32
      %sub3A_249 = arith.subi %div3A_228, %sub3A_248 : i32
      %select_n3A_250 = arith.select %and3A_247, %sub3A_249, %div3A_228 : i32
      %jit3A_251 = arith.constant 8 : i32
      %eq3A_252 = arith.constant 0 : i32
      %eq3A_253 = arith.cmpi eq, %jit3A_251, %eq3A_252 : i32
      %jit3A_254 = arith.constant 1 : i32
      %select_n3A_255 = arith.select %eq3A_253, %jit3A_254, %jit3A_251 : i32
      %rem3A_256 = arith.remsi %scan3A_224, %select_n3A_255 : i32
      %ne3A_257 = arith.constant 0 : i32
      %ne3A_258 = arith.cmpi ne, %rem3A_256, %ne3A_257 : i32
      %lt3A_259 = arith.constant 0 : i32
      %lt3A_260 = arith.cmpi slt, %rem3A_256, %lt3A_259 : i32
      %lt3A_261 = arith.constant 0 : i32
      %lt3A_262 = arith.cmpi slt, %select_n3A_255, %lt3A_261 : i32
      %ne3A_263 = arith.xori %lt3A_260, %lt3A_262 : i1
      %and3A_264 = arith.andi %ne3A_263, %ne3A_258 : i1
      %add3A_265 = arith.addi %rem3A_256, %select_n3A_255 : i32
      %select_n3A_266 = arith.select %and3A_264, %add3A_265, %rem3A_256 : i32
      %mul3A_267 = arith.constant 16 : i32
      %mul3A_268 = arith.muli %select_n3A_266, %mul3A_267 : i32
      %swap3A_269 = arith.index_cast %select_n3A_250 : i32 to index
      %swap3A_270 = arith.index_cast %mul3A_268 : i32 to index
      %swap3A_271 = tpu.vector_load %arg9[%swap3A_269, %swap3A_270] {strides = array<i32>} : memref<80x128xf32, #tpu.memory_space<vmem>>, vector<1x16xf32>,
      %swap3A_272 = vector.shape_cast %swap3A_271 : vector<1x16xf32> to vector<16xf32>
      %swap3A_273 = vector.shape_cast %broadcast_in_dim3A_226 : vector<16xf32> to vector<1x16xf32>
      tpu.vector_store %arg9[%swap3A_269, %swap3A_270], %swap3A_273 {strides = array<i32>} : memref<80x128xf32, #tpu.memory_space<vmem>>, vector<1x16xf32>,
      %scan3A_274 = arith.constant 3 : i32
      %scan3A_275 = arith.addi %scan3A_133, %scan3A_274 : i32
      %broadcast_in_dim3A_276 = arith.constant 0.000000e+00 : f32
      %broadcast_in_dim3A_277 = vector.broadcast %broadcast_in_dim3A_276 : f32 to vector<16xf32>
      %jit3A_278 = arith.constant 8 : i32
      %div3A_279 = arith.divsi %scan3A_275, %jit3A_278 : i32
      %sign3A_280 = arith.constant 0 : i32
      %sign3A_281 = arith.cmpi sgt, %scan3A_275, %sign3A_280 : i32
      %sign3A_282 = arith.extui %sign3A_281 : i1 to i32
      %sign3A_283 = arith.constant 0 : i32
      %sign3A_284 = arith.cmpi slt, %scan3A_275, %sign3A_283 : i32
      %sign3A_285 = arith.extui %sign3A_284 : i1 to i32
      %sign3A_286 = arith.subi %sign3A_282, %sign3A_285 : i32
      %sign3A_287 = arith.constant 0 : i32
      %sign3A_288 = arith.cmpi sgt, %jit3A_278, %sign3A_287 : i32
      %sign3A_289 = arith.extui %sign3A_288 : i1 to i32
      %sign3A_290 = arith.constant 0 : i32
      %sign3A_291 = arith.cmpi slt, %jit3A_278, %sign3A_290 : i32
      %sign3A_292 = arith.extui %sign3A_291 : i1 to i32
      %sign3A_293 = arith.subi %sign3A_289, %sign3A_292 : i32
      %ne3A_294 = arith.cmpi ne, %sign3A_286, %sign3A_293 : i32
      %rem3A_295 = arith.remsi %scan3A_275, %jit3A_278 : i32
      %ne3A_296 = arith.constant 0 : i32
      %ne3A_297 = arith.cmpi ne, %rem3A_295, %ne3A_296 : i32
      %and3A_298 = arith.andi %ne3A_294, %ne3A_297 : i1
      %sub3A_299 = arith.constant 1 : i32
      %sub3A_300 = arith.subi %div3A_279, %sub3A_299 : i32
      %select_n3A_301 = arith.select %and3A_298, %sub3A_300, %div3A_279 : i32
      %jit3A_302 = arith.constant 8 : i32
      %eq3A_303 = arith.constant 0 : i32
      %eq3A_304 = arith.cmpi eq, %jit3A_302, %eq3A_303 : i32
      %jit3A_305 = arith.constant 1 : i32
      %select_n3A_306 = arith.select %eq3A_304, %jit3A_305, %jit3A_302 : i32
      %rem3A_307 = arith.remsi %scan3A_275, %select_n3A_306 : i32
      %ne3A_308 = arith.constant 0 : i32
      %ne3A_309 = arith.cmpi ne, %rem3A_307, %ne3A_308 : i32
      %lt3A_310 = arith.constant 0 : i32
      %lt3A_311 = arith.cmpi slt, %rem3A_307, %lt3A_310 : i32
      %lt3A_312 = arith.constant 0 : i32
      %lt3A_313 = arith.cmpi slt, %select_n3A_306, %lt3A_312 : i32
      %ne3A_314 = arith.xori %lt3A_311, %lt3A_313 : i1
      %and3A_315 = arith.andi %ne3A_314, %ne3A_309 : i1
      %add3A_316 = arith.addi %rem3A_307, %select_n3A_306 : i32
      %select_n3A_317 = arith.select %and3A_315, %add3A_316, %rem3A_307 : i32
      %mul3A_318 = arith.constant 16 : i32
      %mul3A_319 = arith.muli %select_n3A_317, %mul3A_318 : i32
      %swap3A_320 = arith.index_cast %select_n3A_301 : i32 to index
      %swap3A_321 = arith.index_cast %mul3A_319 : i32 to index
      %swap3A_322 = tpu.vector_load %arg9[%swap3A_320, %swap3A_321] {strides = array<i32>} : memref<80x128xf32, #tpu.memory_space<vmem>>, vector<1x16xf32>,
      %swap3A_323 = vector.shape_cast %swap3A_322 : vector<1x16xf32> to vector<16xf32>
      %swap3A_324 = vector.shape_cast %broadcast_in_dim3A_277 : vector<16xf32> to vector<1x16xf32>
      tpu.vector_store %arg9[%swap3A_320, %swap3A_321], %swap3A_324 {strides = array<i32>} : memref<80x128xf32, #tpu.memory_space<vmem>>, vector<1x16xf32>,
      %scan3A_325 = arith.constant 4 : i32
      %scan3A_326 = arith.addi %scan3A_133, %scan3A_325 : i32
      %broadcast_in_dim3A_327 = arith.constant 0.000000e+00 : f32
      %broadcast_in_dim3A_328 = vector.broadcast %broadcast_in_dim3A_327 : f32 to vector<16xf32>
      %jit3A_329 = arith.constant 8 : i32
      %div3A_330 = arith.divsi %scan3A_326, %jit3A_329 : i32
      %sign3A_331 = arith.constant 0 : i32
      %sign3A_332 = arith.cmpi sgt, %scan3A_326, %sign3A_331 : i32
      %sign3A_333 = arith.extui %sign3A_332 : i1 to i32
      %sign3A_334 = arith.constant 0 : i32
      %sign3A_335 = arith.cmpi slt, %scan3A_326, %sign3A_334 : i32
      %sign3A_336 = arith.extui %sign3A_335 : i1 to i32
      %sign3A_337 = arith.subi %sign3A_333, %sign3A_336 : i32
      %sign3A_338 = arith.constant 0 : i32
      %sign3A_339 = arith.cmpi sgt, %jit3A_329, %sign3A_338 : i32
      %sign3A_340 = arith.extui %sign3A_339 : i1 to i32
      %sign3A_341 = arith.constant 0 : i32
      %sign3A_342 = arith.cmpi slt, %jit3A_329, %sign3A_341 : i32
      %sign3A_343 = arith.extui %sign3A_342 : i1 to i32
      %sign3A_344 = arith.subi %sign3A_340, %sign3A_343 : i32
      %ne3A_345 = arith.cmpi ne, %sign3A_337, %sign3A_344 : i32
      %rem3A_346 = arith.remsi %scan3A_326, %jit3A_329 : i32
      %ne3A_347 = arith.constant 0 : i32
      %ne3A_348 = arith.cmpi ne, %rem3A_346, %ne3A_347 : i32
      %and3A_349 = arith.andi %ne3A_345, %ne3A_348 : i1
      %sub3A_350 = arith.constant 1 : i32
      %sub3A_351 = arith.subi %div3A_330, %sub3A_350 : i32
      %select_n3A_352 = arith.select %and3A_349, %sub3A_351, %div3A_330 : i32
      %jit3A_353 = arith.constant 8 : i32
      %eq3A_354 = arith.constant 0 : i32
      %eq3A_355 = arith.cmpi eq, %jit3A_353, %eq3A_354 : i32
      %jit3A_356 = arith.constant 1 : i32
      %select_n3A_357 = arith.select %eq3A_355, %jit3A_356, %jit3A_353 : i32
      %rem3A_358 = arith.remsi %scan3A_326, %select_n3A_357 : i32
      %ne3A_359 = arith.constant 0 : i32
      %ne3A_360 = arith.cmpi ne, %rem3A_358, %ne3A_359 : i32
      %lt3A_361 = arith.constant 0 : i32
      %lt3A_362 = arith.cmpi slt, %rem3A_358, %lt3A_361 : i32
      %lt3A_363 = arith.constant 0 : i32
      %lt3A_364 = arith.cmpi slt, %select_n3A_357, %lt3A_363 : i32
      %ne3A_365 = arith.xori %lt3A_362, %lt3A_364 : i1
      %and3A_366 = arith.andi %ne3A_365, %ne3A_360 : i1
      %add3A_367 = arith.addi %rem3A_358, %select_n3A_357 : i32
      %select_n3A_368 = arith.select %and3A_366, %add3A_367, %rem3A_358 : i32
      %mul3A_369 = arith.constant 16 : i32
      %mul3A_370 = arith.muli %select_n3A_368, %mul3A_369 : i32
      %swap3A_371 = arith.index_cast %select_n3A_352 : i32 to index
      %swap3A_372 = arith.index_cast %mul3A_370 : i32 to index
      %swap3A_373 = tpu.vector_load %arg9[%swap3A_371, %swap3A_372] {strides = array<i32>} : memref<80x128xf32, #tpu.memory_space<vmem>>, vector<1x16xf32>,
      %swap3A_374 = vector.shape_cast %swap3A_373 : vector<1x16xf32> to vector<16xf32>
      %swap3A_375 = vector.shape_cast %broadcast_in_dim3A_328 : vector<16xf32> to vector<1x16xf32>
      tpu.vector_store %arg9[%swap3A_371, %swap3A_372], %swap3A_375 {strides = array<i32>} : memref<80x128xf32, #tpu.memory_space<vmem>>, vector<1x16xf32>,
      %scan3A_376 = arith.constant 5 : i32
      %scan3A_377 = arith.addi %scan3A_133, %scan3A_376 : i32
      %broadcast_in_dim3A_378 = arith.constant 0.000000e+00 : f32
      %broadcast_in_dim3A_379 = vector.broadcast %broadcast_in_dim3A_378 : f32 to vector<16xf32>
      %jit3A_380 = arith.constant 8 : i32
      %div3A_381 = arith.divsi %scan3A_377, %jit3A_380 : i32
      %sign3A_382 = arith.constant 0 : i32
      %sign3A_383 = arith.cmpi sgt, %scan3A_377, %sign3A_382 : i32
      %sign3A_384 = arith.extui %sign3A_383 : i1 to i32
      %sign3A_385 = arith.constant 0 : i32
      %sign3A_386 = arith.cmpi slt, %scan3A_377, %sign3A_385 : i32
      %sign3A_387 = arith.extui %sign3A_386 : i1 to i32
      %sign3A_388 = arith.subi %sign3A_384, %sign3A_387 : i32
      %sign3A_389 = arith.constant 0 : i32
      %sign3A_390 = arith.cmpi sgt, %jit3A_380, %sign3A_389 : i32
      %sign3A_391 = arith.extui %sign3A_390 : i1 to i32
      %sign3A_392 = arith.constant 0 : i32
      %sign3A_393 = arith.cmpi slt, %jit3A_380, %sign3A_392 : i32
      %sign3A_394 = arith.extui %sign3A_393 : i1 to i32
      %sign3A_395 = arith.subi %sign3A_391, %sign3A_394 : i32
      %ne3A_396 = arith.cmpi ne, %sign3A_388, %sign3A_395 : i32
      %rem3A_397 = arith.remsi %scan3A_377, %jit3A_380 : i32
      %ne3A_398 = arith.constant 0 : i32
      %ne3A_399 = arith.cmpi ne, %rem3A_397, %ne3A_398 : i32
      %and3A_400 = arith.andi %ne3A_396, %ne3A_399 : i1
      %sub3A_401 = arith.constant 1 : i32
      %sub3A_402 = arith.subi %div3A_381, %sub3A_401 : i32
      %select_n3A_403 = arith.select %and3A_400, %sub3A_402, %div3A_381 : i32
      %jit3A_404 = arith.constant 8 : i32
      %eq3A_405 = arith.constant 0 : i32
      %eq3A_406 = arith.cmpi eq, %jit3A_404, %eq3A_405 : i32
      %jit3A_407 = arith.constant 1 : i32
      %select_n3A_408 = arith.select %eq3A_406, %jit3A_407, %jit3A_404 : i32
      %rem3A_409 = arith.remsi %scan3A_377, %select_n3A_408 : i32
      %ne3A_410 = arith.constant 0 : i32
      %ne3A_411 = arith.cmpi ne, %rem3A_409, %ne3A_410 : i32
      %lt3A_412 = arith.constant 0 : i32
      %lt3A_413 = arith.cmpi slt, %rem3A_409, %lt3A_412 : i32
      %lt3A_414 = arith.constant 0 : i32
      %lt3A_415 = arith.cmpi slt, %select_n3A_408, %lt3A_414 : i32
      %ne3A_416 = arith.xori %lt3A_413, %lt3A_415 : i1
      %and3A_417 = arith.andi %ne3A_416, %ne3A_411 : i1
      %add3A_418 = arith.addi %rem3A_409, %select_n3A_408 : i32
      %select_n3A_419 = arith.select %and3A_417, %add3A_418, %rem3A_409 : i32
      %mul3A_420 = arith.constant 16 : i32
      %mul3A_421 = arith.muli %select_n3A_419, %mul3A_420 : i32
      %swap3A_422 = arith.index_cast %select_n3A_403 : i32 to index
      %swap3A_423 = arith.index_cast %mul3A_421 : i32 to index
      %swap3A_424 = tpu.vector_load %arg9[%swap3A_422, %swap3A_423] {strides = array<i32>} : memref<80x128xf32, #tpu.memory_space<vmem>>, vector<1x16xf32>,
      %swap3A_425 = vector.shape_cast %swap3A_424 : vector<1x16xf32> to vector<16xf32>
      %swap3A_426 = vector.shape_cast %broadcast_in_dim3A_379 : vector<16xf32> to vector<1x16xf32>
      tpu.vector_store %arg9[%swap3A_422, %swap3A_423], %swap3A_426 {strides = array<i32>} : memref<80x128xf32, #tpu.memory_space<vmem>>, vector<1x16xf32>,
      %scan3A_427 = arith.constant 6 : i32
      %scan3A_428 = arith.addi %scan3A_133, %scan3A_427 : i32
      %broadcast_in_dim3A_429 = arith.constant 0.000000e+00 : f32
      %broadcast_in_dim3A_430 = vector.broadcast %broadcast_in_dim3A_429 : f32 to vector<16xf32>
      %jit3A_431 = arith.constant 8 : i32
      %div3A_432 = arith.divsi %scan3A_428, %jit3A_431 : i32
      %sign3A_433 = arith.constant 0 : i32
      %sign3A_434 = arith.cmpi sgt, %scan3A_428, %sign3A_433 : i32
      %sign3A_435 = arith.extui %sign3A_434 : i1 to i32
      %sign3A_436 = arith.constant 0 : i32
      %sign3A_437 = arith.cmpi slt, %scan3A_428, %sign3A_436 : i32
      %sign3A_438 = arith.extui %sign3A_437 : i1 to i32
      %sign3A_439 = arith.subi %sign3A_435, %sign3A_438 : i32
      %sign3A_440 = arith.constant 0 : i32
      %sign3A_441 = arith.cmpi sgt, %jit3A_431, %sign3A_440 : i32
      %sign3A_442 = arith.extui %sign3A_441 : i1 to i32
      %sign3A_443 = arith.constant 0 : i32
      %sign3A_444 = arith.cmpi slt, %jit3A_431, %sign3A_443 : i32
      %sign3A_445 = arith.extui %sign3A_444 : i1 to i32
      %sign3A_446 = arith.subi %sign3A_442, %sign3A_445 : i32
      %ne3A_447 = arith.cmpi ne, %sign3A_439, %sign3A_446 : i32
      %rem3A_448 = arith.remsi %scan3A_428, %jit3A_431 : i32
      %ne3A_449 = arith.constant 0 : i32
      %ne3A_450 = arith.cmpi ne, %rem3A_448, %ne3A_449 : i32
      %and3A_451 = arith.andi %ne3A_447, %ne3A_450 : i1
      %sub3A_452 = arith.constant 1 : i32
      %sub3A_453 = arith.subi %div3A_432, %sub3A_452 : i32
      %select_n3A_454 = arith.select %and3A_451, %sub3A_453, %div3A_432 : i32
      %jit3A_455 = arith.constant 8 : i32
      %eq3A_456 = arith.constant 0 : i32
      %eq3A_457 = arith.cmpi eq, %jit3A_455, %eq3A_456 : i32
      %jit3A_458 = arith.constant 1 : i32
      %select_n3A_459 = arith.select %eq3A_457, %jit3A_458, %jit3A_455 : i32
      %rem3A_460 = arith.remsi %scan3A_428, %select_n3A_459 : i32
      %ne3A_461 = arith.constant 0 : i32
      %ne3A_462 = arith.cmpi ne, %rem3A_460, %ne3A_461 : i32
      %lt3A_463 = arith.constant 0 : i32
      %lt3A_464 = arith.cmpi slt, %rem3A_460, %lt3A_463 : i32
      %lt3A_465 = arith.constant 0 : i32
      %lt3A_466 = arith.cmpi slt, %select_n3A_459, %lt3A_465 : i32
      %ne3A_467 = arith.xori %lt3A_464, %lt3A_466 : i1
      %and3A_468 = arith.andi %ne3A_467, %ne3A_462 : i1
      %add3A_469 = arith.addi %rem3A_460, %select_n3A_459 : i32
      %select_n3A_470 = arith.select %and3A_468, %add3A_469, %rem3A_460 : i32
      %mul3A_471 = arith.constant 16 : i32
      %mul3A_472 = arith.muli %select_n3A_470, %mul3A_471 : i32
      %swap3A_473 = arith.index_cast %select_n3A_454 : i32 to index
      %swap3A_474 = arith.index_cast %mul3A_472 : i32 to index
      %swap3A_475 = tpu.vector_load %arg9[%swap3A_473, %swap3A_474] {strides = array<i32>} : memref<80x128xf32, #tpu.memory_space<vmem>>, vector<1x16xf32>,
      %swap3A_476 = vector.shape_cast %swap3A_475 : vector<1x16xf32> to vector<16xf32>
      %swap3A_477 = vector.shape_cast %broadcast_in_dim3A_430 : vector<16xf32> to vector<1x16xf32>
      tpu.vector_store %arg9[%swap3A_473, %swap3A_474], %swap3A_477 {strides = array<i32>} : memref<80x128xf32, #tpu.memory_space<vmem>>, vector<1x16xf32>,
      %scan3A_478 = arith.constant 7 : i32
      %scan3A_479 = arith.addi %scan3A_133, %scan3A_478 : i32
      %broadcast_in_dim3A_480 = arith.constant 0.000000e+00 : f32
      %broadcast_in_dim3A_481 = vector.broadcast %broadcast_in_dim3A_480 : f32 to vector<16xf32>
      %jit3A_482 = arith.constant 8 : i32
      %div3A_483 = arith.divsi %scan3A_479, %jit3A_482 : i32
      %sign3A_484 = arith.constant 0 : i32
      %sign3A_485 = arith.cmpi sgt, %scan3A_479, %sign3A_484 : i32
      %sign3A_486 = arith.extui %sign3A_485 : i1 to i32
      %sign3A_487 = arith.constant 0 : i32
      %sign3A_488 = arith.cmpi slt, %scan3A_479, %sign3A_487 : i32
      %sign3A_489 = arith.extui %sign3A_488 : i1 to i32
      %sign3A_490 = arith.subi %sign3A_486, %sign3A_489 : i32
      %sign3A_491 = arith.constant 0 : i32
      %sign3A_492 = arith.cmpi sgt, %jit3A_482, %sign3A_491 : i32
      %sign3A_493 = arith.extui %sign3A_492 : i1 to i32
      %sign3A_494 = arith.constant 0 : i32
      %sign3A_495 = arith.cmpi slt, %jit3A_482, %sign3A_494 : i32
      %sign3A_496 = arith.extui %sign3A_495 : i1 to i32
      %sign3A_497 = arith.subi %sign3A_493, %sign3A_496 : i32
      %ne3A_498 = arith.cmpi ne, %sign3A_490, %sign3A_497 : i32
      %rem3A_499 = arith.remsi %scan3A_479, %jit3A_482 : i32
      %ne3A_500 = arith.constant 0 : i32
      %ne3A_501 = arith.cmpi ne, %rem3A_499, %ne3A_500 : i32
      %and3A_502 = arith.andi %ne3A_498, %ne3A_501 : i1
      %sub3A_503 = arith.constant 1 : i32
      %sub3A_504 = arith.subi %div3A_483, %sub3A_503 : i32
      %select_n3A_505 = arith.select %and3A_502, %sub3A_504, %div3A_483 : i32
      %jit3A_506 = arith.constant 8 : i32
      %eq3A_507 = arith.constant 0 : i32
      %eq3A_508 = arith.cmpi eq, %jit3A_506, %eq3A_507 : i32
      %jit3A_509 = arith.constant 1 : i32
      %select_n3A_510 = arith.select %eq3A_508, %jit3A_509, %jit3A_506 : i32
      %rem3A_511 = arith.remsi %scan3A_479, %select_n3A_510 : i32
      %ne3A_512 = arith.constant 0 : i32
      %ne3A_513 = arith.cmpi ne, %rem3A_511, %ne3A_512 : i32
      %lt3A_514 = arith.constant 0 : i32
      %lt3A_515 = arith.cmpi slt, %rem3A_511, %lt3A_514 : i32
      %lt3A_516 = arith.constant 0 : i32
      %lt3A_517 = arith.cmpi slt, %select_n3A_510, %lt3A_516 : i32
      %ne3A_518 = arith.xori %lt3A_515, %lt3A_517 : i1
      %and3A_519 = arith.andi %ne3A_518, %ne3A_513 : i1
      %add3A_520 = arith.addi %rem3A_511, %select_n3A_510 : i32
      %select_n3A_521 = arith.select %and3A_519, %add3A_520, %rem3A_511 : i32
      %mul3A_522 = arith.constant 16 : i32
      %mul3A_523 = arith.muli %select_n3A_521, %mul3A_522 : i32
      %swap3A_524 = arith.index_cast %select_n3A_505 : i32 to index
      %swap3A_525 = arith.index_cast %mul3A_523 : i32 to index
      %swap3A_526 = tpu.vector_load %arg9[%swap3A_524, %swap3A_525] {strides = array<i32>} : memref<80x128xf32, #tpu.memory_space<vmem>>, vector<1x16xf32>,
      %swap3A_527 = vector.shape_cast %swap3A_526 : vector<1x16xf32> to vector<16xf32>
      %swap3A_528 = vector.shape_cast %broadcast_in_dim3A_481 : vector<16xf32> to vector<1x16xf32>
      tpu.vector_store %arg9[%swap3A_524, %swap3A_525], %swap3A_528 {strides = array<i32>} : memref<80x128xf32, #tpu.memory_space<vmem>>, vector<1x16xf32>,
    }
    %scan3A_5 = arith.constant 640 : i32
    %mul3A_6 = arith.constant 626 : i32
    %mul3A_7 = arith.muli %arg1, %mul3A_6 : i32
    %add3A_8 = arith.constant 0 : i32
    %add3A_9 = arith.addi %mul3A_7, %add3A_8 : i32
    "tpu.region"() ({
      %run_scoped3A = tpu.sem_alloc : memref<!tpu.dma_semaphore, #tpu.memory_space<semaphore_mem>>
      %dma_start3A_133 = arith.constant 0 : i32
      %dma_start3A_134 = arith.constant 0 : i32
      %dma_start3A_135 = tpu.memref_slice %arg9[%dma_start3A_133, %dma_start3A_134] : memref<80x128xf32, #tpu.memory_space<vmem>> -> memref<80x128xf32, #tpu.memory_space<vmem>>
      %dma_start3A_136 = arith.constant 0 : i32
      %dma_start3A_137 = tpu.memref_slice %arg13[%add3A_9, %dma_start3A_136] : memref<10016x128xf32, #tpu.memory_space<vmem_shared>> -> memref<80x128xf32, #tpu.memory_space<vmem_shared>>
      %dma_start3A_138 = arith.constant 0 : i32
      %dma_start3A_139 = tpu.memref_slice %arg13[%add3A_9, %dma_start3A_138] : memref<10016x128xf32, #tpu.memory_space<vmem_shared>> -> memref<80x128xf32, #tpu.memory_space<vmem_shared>>
      %dma_start3A_140 = arith.constant 0 : i32
      %dma_start3A_141 = arith.constant 0 : i32
      %dma_start3A_142 = tpu.memref_slice %arg9[%dma_start3A_140, %dma_start3A_141] : memref<80x128xf32, #tpu.memory_space<vmem>> -> memref<80x128xf32, #tpu.memory_space<vmem>>
      tpu.enqueue_dma source(%dma_start3A_142 : memref<80x128xf32, #tpu.memory_space<vmem>>) target(%dma_start3A_139 : memref<80x128xf32, #tpu.memory_space<vmem_shared>>) target_semaphore(%run_scoped3A : memref<!tpu.dma_semaphore, #tpu.memory_space<semaphore_mem>>)
      %dma_wait3A_143 = arith.constant 0 : i32
      %dma_wait3A_144 = arith.constant 0 : i32
      %dma_wait3A_145 = tpu.memref_slice %arg9[%dma_wait3A_143, %dma_wait3A_144] : memref<80x128xf32, #tpu.memory_space<vmem>> -> memref<80x128xf32, #tpu.memory_space<vmem>>
      %dma_wait3A_146 = arith.constant 0 : i32
      %dma_wait3A_147 = tpu.memref_slice %arg13[%add3A_9, %dma_wait3A_146] : memref<10016x128xf32, #tpu.memory_space<vmem_shared>> -> memref<80x128xf32, #tpu.memory_space<vmem_shared>>
      %dma_wait3A_148 = arith.constant 0 : i32
      %dma_wait3A_149 = tpu.memref_slice %arg13[%add3A_9, %dma_wait3A_148] : memref<10016x128xf32, #tpu.memory_space<vmem_shared>> -> memref<80x128xf32, #tpu.memory_space<vmem_shared>>
      %dma_wait3A_150 = arith.constant 0 : i32
      %dma_wait3A_151 = arith.constant 0 : i32
      %dma_wait3A_152 = tpu.memref_slice %arg9[%dma_wait3A_150, %dma_wait3A_151] : memref<80x128xf32, #tpu.memory_space<vmem>> -> memref<80x128xf32, #tpu.memory_space<vmem>>
      tpu.wait_dma2 semaphore(%run_scoped3A : memref<!tpu.dma_semaphore, #tpu.memory_space<semaphore_mem>>) src(%dma_wait3A_152 : memref<80x128xf32, #tpu.memory_space<vmem>>) dst(%dma_wait3A_149 : memref<80x128xf32, #tpu.memory_space<vmem_shared>>)
      tpu.yield
    }) : () -> ()
    %mul3A_10 = arith.constant 626 : i32
    %mul3A_11 = arith.muli %arg1, %mul3A_10 : i32
    %add3A_12 = arith.constant 80 : i32
    %add3A_13 = arith.addi %mul3A_11, %add3A_12 : i32
    "tpu.region"() ({
      %run_scoped3A = tpu.sem_alloc : memref<!tpu.dma_semaphore, #tpu.memory_space<semaphore_mem>>
      %dma_start3A_133 = arith.constant 0 : i32
      %dma_start3A_134 = arith.constant 0 : i32
      %dma_start3A_135 = tpu.memref_slice %arg9[%dma_start3A_133, %dma_start3A_134] : memref<80x128xf32, #tpu.memory_space<vmem>> -> memref<80x128xf32, #tpu.memory_space<vmem>>
      %dma_start3A_136 = arith.constant 0 : i32
      %dma_start3A_137 = tpu.memref_slice %arg13[%add3A_13, %dma_start3A_136] : memref<10016x128xf32, #tpu.memory_space<vmem_shared>> -> memref<80x128xf32, #tpu.memory_space<vmem_shared>>
      %dma_start3A_138 = arith.constant 0 : i32
      %dma_start3A_139 = tpu.memref_slice %arg13[%add3A_13, %dma_start3A_138] : memref<10016x128xf32, #tpu.memory_space<vmem_shared>> -> memref<80x128xf32, #tpu.memory_space<vmem_shared>>
      %dma_start3A_140 = arith.constant 0 : i32
      %dma_start3A_141 = arith.constant 0 : i32
      %dma_start3A_142 = tpu.memref_slice %arg9[%dma_start3A_140, %dma_start3A_141] : memref<80x128xf32, #tpu.memory_space<vmem>> -> memref<80x128xf32, #tpu.memory_space<vmem>>
      tpu.enqueue_dma source(%dma_start3A_142 : memref<80x128xf32, #tpu.memory_space<vmem>>) target(%dma_start3A_139 : memref<80x128xf32, #tpu.memory_space<vmem_shared>>) target_semaphore(%run_scoped3A : memref<!tpu.dma_semaphore, #tpu.memory_space<semaphore_mem>>)
      %dma_wait3A_143 = arith.constant 0 : i32
      %dma_wait3A_144 = arith.constant 0 : i32
      %dma_wait3A_145 = tpu.memref_slice %arg9[%dma_wait3A_143, %dma_wait3A_144] : memref<80x128xf32, #tpu.memory_space<vmem>> -> memref<80x128xf32, #tpu.memory_space<vmem>>
      %dma_wait3A_146 = arith.constant 0 : i32
      %dma_wait3A_147 = tpu.memref_slice %arg13[%add3A_13, %dma_wait3A_146] : memref<10016x128xf32, #tpu.memory_space<vmem_shared>> -> memref<80x128xf32, #tpu.memory_space<vmem_shared>>
      %dma_wait3A_148 = arith.constant 0 : i32
      %dma_wait3A_149 = tpu.memref_slice %arg13[%add3A_13, %dma_wait3A_148] : memref<10016x128xf32, #tpu.memory_space<vmem_shared>> -> memref<80x128xf32, #tpu.memory_space<vmem_shared>>
      %dma_wait3A_150 = arith.constant 0 : i32
      %dma_wait3A_151 = arith.constant 0 : i32
      %dma_wait3A_152 = tpu.memref_slice %arg9[%dma_wait3A_150, %dma_wait3A_151] : memref<80x128xf32, #tpu.memory_space<vmem>> -> memref<80x128xf32, #tpu.memory_space<vmem>>
      tpu.wait_dma2 semaphore(%run_scoped3A : memref<!tpu.dma_semaphore, #tpu.memory_space<semaphore_mem>>) src(%dma_wait3A_152 : memref<80x128xf32, #tpu.memory_space<vmem>>) dst(%dma_wait3A_149 : memref<80x128xf32, #tpu.memory_space<vmem_shared>>)
      tpu.yield
    }) : () -> ()
    %mul3A_14 = arith.constant 626 : i32
    %mul3A_15 = arith.muli %arg1, %mul3A_14 : i32
    %add3A_16 = arith.constant 160 : i32
    %add3A_17 = arith.addi %mul3A_15, %add3A_16 : i32
    "tpu.region"() ({
      %run_scoped3A = tpu.sem_alloc : memref<!tpu.dma_semaphore, #tpu.memory_space<semaphore_mem>>
      %dma_start3A_133 = arith.constant 0 : i32
      %dma_start3A_134 = arith.constant 0 : i32
      %dma_start3A_135 = tpu.memref_slice %arg9[%dma_start3A_133, %dma_start3A_134] : memref<80x128xf32, #tpu.memory_space<vmem>> -> memref<80x128xf32, #tpu.memory_space<vmem>>
      %dma_start3A_136 = arith.constant 0 : i32
      %dma_start3A_137 = tpu.memref_slice %arg13[%add3A_17, %dma_start3A_136] : memref<10016x128xf32, #tpu.memory_space<vmem_shared>> -> memref<80x128xf32, #tpu.memory_space<vmem_shared>>
      %dma_start3A_138 = arith.constant 0 : i32
      %dma_start3A_139 = tpu.memref_slice %arg13[%add3A_17, %dma_start3A_138] : memref<10016x128xf32, #tpu.memory_space<vmem_shared>> -> memref<80x128xf32, #tpu.memory_space<vmem_shared>>
      %dma_start3A_140 = arith.constant 0 : i32
      %dma_start3A_141 = arith.constant 0 : i32
      %dma_start3A_142 = tpu.memref_slice %arg9[%dma_start3A_140, %dma_start3A_141] : memref<80x128xf32, #tpu.memory_space<vmem>> -> memref<80x128xf32, #tpu.memory_space<vmem>>
      tpu.enqueue_dma source(%dma_start3A_142 : memref<80x128xf32, #tpu.memory_space<vmem>>) target(%dma_start3A_139 : memref<80x128xf32, #tpu.memory_space<vmem_shared>>) target_semaphore(%run_scoped3A : memref<!tpu.dma_semaphore, #tpu.memory_space<semaphore_mem>>)
      %dma_wait3A_143 = arith.constant 0 : i32
      %dma_wait3A_144 = arith.constant 0 : i32
      %dma_wait3A_145 = tpu.memref_slice %arg9[%dma_wait3A_143, %dma_wait3A_144] : memref<80x128xf32, #tpu.memory_space<vmem>> -> memref<80x128xf32, #tpu.memory_space<vmem>>
      %dma_wait3A_146 = arith.constant 0 : i32
      %dma_wait3A_147 = tpu.memref_slice %arg13[%add3A_17, %dma_wait3A_146] : memref<10016x128xf32, #tpu.memory_space<vmem_shared>> -> memref<80x128xf32, #tpu.memory_space<vmem_shared>>
      %dma_wait3A_148 = arith.constant 0 : i32
      %dma_wait3A_149 = tpu.memref_slice %arg13[%add3A_17, %dma_wait3A_148] : memref<10016x128xf32, #tpu.memory_space<vmem_shared>> -> memref<80x128xf32, #tpu.memory_space<vmem_shared>>
      %dma_wait3A_150 = arith.constant 0 : i32
      %dma_wait3A_151 = arith.constant 0 : i32
      %dma_wait3A_152 = tpu.memref_slice %arg9[%dma_wait3A_150, %dma_wait3A_151] : memref<80x128xf32, #tpu.memory_space<vmem>> -> memref<80x128xf32, #tpu.memory_space<vmem>>
      tpu.wait_dma2 semaphore(%run_scoped3A : memref<!tpu.dma_semaphore, #tpu.memory_space<semaphore_mem>>) src(%dma_wait3A_152 : memref<80x128xf32, #tpu.memory_space<vmem>>) dst(%dma_wait3A_149 : memref<80x128xf32, #tpu.memory_space<vmem_shared>>)
      tpu.yield
    }) : () -> ()
    %mul3A_18 = arith.constant 626 : i32
    %mul3A_19 = arith.muli %arg1, %mul3A_18 : i32
    %add3A_20 = arith.constant 240 : i32
    %add3A_21 = arith.addi %mul3A_19, %add3A_20 : i32
    "tpu.region"() ({
      %run_scoped3A = tpu.sem_alloc : memref<!tpu.dma_semaphore, #tpu.memory_space<semaphore_mem>>
      %dma_start3A_133 = arith.constant 0 : i32
      %dma_start3A_134 = arith.constant 0 : i32
      %dma_start3A_135 = tpu.memref_slice %arg9[%dma_start3A_133, %dma_start3A_134] : memref<80x128xf32, #tpu.memory_space<vmem>> -> memref<80x128xf32, #tpu.memory_space<vmem>>
      %dma_start3A_136 = arith.constant 0 : i32
      %dma_start3A_137 = tpu.memref_slice %arg13[%add3A_21, %dma_start3A_136] : memref<10016x128xf32, #tpu.memory_space<vmem_shared>> -> memref<80x128xf32, #tpu.memory_space<vmem_shared>>
      %dma_start3A_138 = arith.constant 0 : i32
      %dma_start3A_139 = tpu.memref_slice %arg13[%add3A_21, %dma_start3A_138] : memref<10016x128xf32, #tpu.memory_space<vmem_shared>> -> memref<80x128xf32, #tpu.memory_space<vmem_shared>>
      %dma_start3A_140 = arith.constant 0 : i32
      %dma_start3A_141 = arith.constant 0 : i32
      %dma_start3A_142 = tpu.memref_slice %arg9[%dma_start3A_140, %dma_start3A_141] : memref<80x128xf32, #tpu.memory_space<vmem>> -> memref<80x128xf32, #tpu.memory_space<vmem>>
      tpu.enqueue_dma source(%dma_start3A_142 : memref<80x128xf32, #tpu.memory_space<vmem>>) target(%dma_start3A_139 : memref<80x128xf32, #tpu.memory_space<vmem_shared>>) target_semaphore(%run_scoped3A : memref<!tpu.dma_semaphore, #tpu.memory_space<semaphore_mem>>)
      %dma_wait3A_143 = arith.constant 0 : i32
      %dma_wait3A_144 = arith.constant 0 : i32
      %dma_wait3A_145 = tpu.memref_slice %arg9[%dma_wait3A_143, %dma_wait3A_144] : memref<80x128xf32, #tpu.memory_space<vmem>> -> memref<80x128xf32, #tpu.memory_space<vmem>>
      %dma_wait3A_146 = arith.constant 0 : i32
      %dma_wait3A_147 = tpu.memref_slice %arg13[%add3A_21, %dma_wait3A_146] : memref<10016x128xf32, #tpu.memory_space<vmem_shared>> -> memref<80x128xf32, #tpu.memory_space<vmem_shared>>
      %dma_wait3A_148 = arith.constant 0 : i32
      %dma_wait3A_149 = tpu.memref_slice %arg13[%add3A_21, %dma_wait3A_148] : memref<10016x128xf32, #tpu.memory_space<vmem_shared>> -> memref<80x128xf32, #tpu.memory_space<vmem_shared>>
      %dma_wait3A_150 = arith.constant 0 : i32
      %dma_wait3A_151 = arith.constant 0 : i32
      %dma_wait3A_152 = tpu.memref_slice %arg9[%dma_wait3A_150, %dma_wait3A_151] : memref<80x128xf32, #tpu.memory_space<vmem>> -> memref<80x128xf32, #tpu.memory_space<vmem>>
      tpu.wait_dma2 semaphore(%run_scoped3A : memref<!tpu.dma_semaphore, #tpu.memory_space<semaphore_mem>>) src(%dma_wait3A_152 : memref<80x128xf32, #tpu.memory_space<vmem>>) dst(%dma_wait3A_149 : memref<80x128xf32, #tpu.memory_space<vmem_shared>>)
      tpu.yield
    }) : () -> ()
    %mul3A_22 = arith.constant 626 : i32
    %mul3A_23 = arith.muli %arg1, %mul3A_22 : i32
    %add3A_24 = arith.constant 320 : i32
    %add3A_25 = arith.addi %mul3A_23, %add3A_24 : i32
    "tpu.region"() ({
      %run_scoped3A = tpu.sem_alloc : memref<!tpu.dma_semaphore, #tpu.memory_space<semaphore_mem>>
      %dma_start3A_133 = arith.constant 0 : i32
      %dma_start3A_134 = arith.constant 0 : i32
      %dma_start3A_135 = tpu.memref_slice %arg9[%dma_start3A_133, %dma_start3A_134] : memref<80x128xf32, #tpu.memory_space<vmem>> -> memref<80x128xf32, #tpu.memory_space<vmem>>
      %dma_start3A_136 = arith.constant 0 : i32
      %dma_start3A_137 = tpu.memref_slice %arg13[%add3A_25, %dma_start3A_136] : memref<10016x128xf32, #tpu.memory_space<vmem_shared>> -> memref<80x128xf32, #tpu.memory_space<vmem_shared>>
      %dma_start3A_138 = arith.constant 0 : i32
      %dma_start3A_139 = tpu.memref_slice %arg13[%add3A_25, %dma_start3A_138] : memref<10016x128xf32, #tpu.memory_space<vmem_shared>> -> memref<80x128xf32, #tpu.memory_space<vmem_shared>>
      %dma_start3A_140 = arith.constant 0 : i32
      %dma_start3A_141 = arith.constant 0 : i32
      %dma_start3A_142 = tpu.memref_slice %arg9[%dma_start3A_140, %dma_start3A_141] : memref<80x128xf32, #tpu.memory_space<vmem>> -> memref<80x128xf32, #tpu.memory_space<vmem>>
      tpu.enqueue_dma source(%dma_start3A_142 : memref<80x128xf32, #tpu.memory_space<vmem>>) target(%dma_start3A_139 : memref<80x128xf32, #tpu.memory_space<vmem_shared>>) target_semaphore(%run_scoped3A : memref<!tpu.dma_semaphore, #tpu.memory_space<semaphore_mem>>)
      %dma_wait3A_143 = arith.constant 0 : i32
      %dma_wait3A_144 = arith.constant 0 : i32
      %dma_wait3A_145 = tpu.memref_slice %arg9[%dma_wait3A_143, %dma_wait3A_144] : memref<80x128xf32, #tpu.memory_space<vmem>> -> memref<80x128xf32, #tpu.memory_space<vmem>>
      %dma_wait3A_146 = arith.constant 0 : i32
      %dma_wait3A_147 = tpu.memref_slice %arg13[%add3A_25, %dma_wait3A_146] : memref<10016x128xf32, #tpu.memory_space<vmem_shared>> -> memref<80x128xf32, #tpu.memory_space<vmem_shared>>
      %dma_wait3A_148 = arith.constant 0 : i32
      %dma_wait3A_149 = tpu.memref_slice %arg13[%add3A_25, %dma_wait3A_148] : memref<10016x128xf32, #tpu.memory_space<vmem_shared>> -> memref<80x128xf32, #tpu.memory_space<vmem_shared>>
      %dma_wait3A_150 = arith.constant 0 : i32
      %dma_wait3A_151 = arith.constant 0 : i32
      %dma_wait3A_152 = tpu.memref_slice %arg9[%dma_wait3A_150, %dma_wait3A_151] : memref<80x128xf32, #tpu.memory_space<vmem>> -> memref<80x128xf32, #tpu.memory_space<vmem>>
      tpu.wait_dma2 semaphore(%run_scoped3A : memref<!tpu.dma_semaphore, #tpu.memory_space<semaphore_mem>>) src(%dma_wait3A_152 : memref<80x128xf32, #tpu.memory_space<vmem>>) dst(%dma_wait3A_149 : memref<80x128xf32, #tpu.memory_space<vmem_shared>>)
      tpu.yield
    }) : () -> ()
    %mul3A_26 = arith.constant 626 : i32
    %mul3A_27 = arith.muli %arg1, %mul3A_26 : i32
    %add3A_28 = arith.constant 400 : i32
    %add3A_29 = arith.addi %mul3A_27, %add3A_28 : i32
    "tpu.region"() ({
      %run_scoped3A = tpu.sem_alloc : memref<!tpu.dma_semaphore, #tpu.memory_space<semaphore_mem>>
      %dma_start3A_133 = arith.constant 0 : i32
      %dma_start3A_134 = arith.constant 0 : i32
      %dma_start3A_135 = tpu.memref_slice %arg9[%dma_start3A_133, %dma_start3A_134] : memref<80x128xf32, #tpu.memory_space<vmem>> -> memref<80x128xf32, #tpu.memory_space<vmem>>
      %dma_start3A_136 = arith.constant 0 : i32
      %dma_start3A_137 = tpu.memref_slice %arg13[%add3A_29, %dma_start3A_136] : memref<10016x128xf32, #tpu.memory_space<vmem_shared>> -> memref<80x128xf32, #tpu.memory_space<vmem_shared>>
      %dma_start3A_138 = arith.constant 0 : i32
      %dma_start3A_139 = tpu.memref_slice %arg13[%add3A_29, %dma_start3A_138] : memref<10016x128xf32, #tpu.memory_space<vmem_shared>> -> memref<80x128xf32, #tpu.memory_space<vmem_shared>>
      %dma_start3A_140 = arith.constant 0 : i32
      %dma_start3A_141 = arith.constant 0 : i32
      %dma_start3A_142 = tpu.memref_slice %arg9[%dma_start3A_140, %dma_start3A_141] : memref<80x128xf32, #tpu.memory_space<vmem>> -> memref<80x128xf32, #tpu.memory_space<vmem>>
      tpu.enqueue_dma source(%dma_start3A_142 : memref<80x128xf32, #tpu.memory_space<vmem>>) target(%dma_start3A_139 : memref<80x128xf32, #tpu.memory_space<vmem_shared>>) target_semaphore(%run_scoped3A : memref<!tpu.dma_semaphore, #tpu.memory_space<semaphore_mem>>)
      %dma_wait3A_143 = arith.constant 0 : i32
      %dma_wait3A_144 = arith.constant 0 : i32
      %dma_wait3A_145 = tpu.memref_slice %arg9[%dma_wait3A_143, %dma_wait3A_144] : memref<80x128xf32, #tpu.memory_space<vmem>> -> memref<80x128xf32, #tpu.memory_space<vmem>>
      %dma_wait3A_146 = arith.constant 0 : i32
      %dma_wait3A_147 = tpu.memref_slice %arg13[%add3A_29, %dma_wait3A_146] : memref<10016x128xf32, #tpu.memory_space<vmem_shared>> -> memref<80x128xf32, #tpu.memory_space<vmem_shared>>
      %dma_wait3A_148 = arith.constant 0 : i32
      %dma_wait3A_149 = tpu.memref_slice %arg13[%add3A_29, %dma_wait3A_148] : memref<10016x128xf32, #tpu.memory_space<vmem_shared>> -> memref<80x128xf32, #tpu.memory_space<vmem_shared>>
      %dma_wait3A_150 = arith.constant 0 : i32
      %dma_wait3A_151 = arith.constant 0 : i32
      %dma_wait3A_152 = tpu.memref_slice %arg9[%dma_wait3A_150, %dma_wait3A_151] : memref<80x128xf32, #tpu.memory_space<vmem>> -> memref<80x128xf32, #tpu.memory_space<vmem>>
      tpu.wait_dma2 semaphore(%run_scoped3A : memref<!tpu.dma_semaphore, #tpu.memory_space<semaphore_mem>>) src(%dma_wait3A_152 : memref<80x128xf32, #tpu.memory_space<vmem>>) dst(%dma_wait3A_149 : memref<80x128xf32, #tpu.memory_space<vmem_shared>>)
      tpu.yield
    }) : () -> ()
    %mul3A_30 = arith.constant 626 : i32
    %mul3A_31 = arith.muli %arg1, %mul3A_30 : i32
    %add3A_32 = arith.constant 480 : i32
    %add3A_33 = arith.addi %mul3A_31, %add3A_32 : i32
    "tpu.region"() ({
      %run_scoped3A = tpu.sem_alloc : memref<!tpu.dma_semaphore, #tpu.memory_space<semaphore_mem>>
      %dma_start3A_133 = arith.constant 0 : i32
      %dma_start3A_134 = arith.constant 0 : i32
      %dma_start3A_135 = tpu.memref_slice %arg9[%dma_start3A_133, %dma_start3A_134] : memref<80x128xf32, #tpu.memory_space<vmem>> -> memref<80x128xf32, #tpu.memory_space<vmem>>
      %dma_start3A_136 = arith.constant 0 : i32
      %dma_start3A_137 = tpu.memref_slice %arg13[%add3A_33, %dma_start3A_136] : memref<10016x128xf32, #tpu.memory_space<vmem_shared>> -> memref<80x128xf32, #tpu.memory_space<vmem_shared>>
      %dma_start3A_138 = arith.constant 0 : i32
      %dma_start3A_139 = tpu.memref_slice %arg13[%add3A_33, %dma_start3A_138] : memref<10016x128xf32, #tpu.memory_space<vmem_shared>> -> memref<80x128xf32, #tpu.memory_space<vmem_shared>>
      %dma_start3A_140 = arith.constant 0 : i32
      %dma_start3A_141 = arith.constant 0 : i32
      %dma_start3A_142 = tpu.memref_slice %arg9[%dma_start3A_140, %dma_start3A_141] : memref<80x128xf32, #tpu.memory_space<vmem>> -> memref<80x128xf32, #tpu.memory_space<vmem>>
      tpu.enqueue_dma source(%dma_start3A_142 : memref<80x128xf32, #tpu.memory_space<vmem>>) target(%dma_start3A_139 : memref<80x128xf32, #tpu.memory_space<vmem_shared>>) target_semaphore(%run_scoped3A : memref<!tpu.dma_semaphore, #tpu.memory_space<semaphore_mem>>)
      %dma_wait3A_143 = arith.constant 0 : i32
      %dma_wait3A_144 = arith.constant 0 : i32
      %dma_wait3A_145 = tpu.memref_slice %arg9[%dma_wait3A_143, %dma_wait3A_144] : memref<80x128xf32, #tpu.memory_space<vmem>> -> memref<80x128xf32, #tpu.memory_space<vmem>>
      %dma_wait3A_146 = arith.constant 0 : i32
      %dma_wait3A_147 = tpu.memref_slice %arg13[%add3A_33, %dma_wait3A_146] : memref<10016x128xf32, #tpu.memory_space<vmem_shared>> -> memref<80x128xf32, #tpu.memory_space<vmem_shared>>
      %dma_wait3A_148 = arith.constant 0 : i32
      %dma_wait3A_149 = tpu.memref_slice %arg13[%add3A_33, %dma_wait3A_148] : memref<10016x128xf32, #tpu.memory_space<vmem_shared>> -> memref<80x128xf32, #tpu.memory_space<vmem_shared>>
      %dma_wait3A_150 = arith.constant 0 : i32
      %dma_wait3A_151 = arith.constant 0 : i32
      %dma_wait3A_152 = tpu.memref_slice %arg9[%dma_wait3A_150, %dma_wait3A_151] : memref<80x128xf32, #tpu.memory_space<vmem>> -> memref<80x128xf32, #tpu.memory_space<vmem>>
      tpu.wait_dma2 semaphore(%run_scoped3A : memref<!tpu.dma_semaphore, #tpu.memory_space<semaphore_mem>>) src(%dma_wait3A_152 : memref<80x128xf32, #tpu.memory_space<vmem>>) dst(%dma_wait3A_149 : memref<80x128xf32, #tpu.memory_space<vmem_shared>>)
      tpu.yield
    }) : () -> ()
    %mul3A_34 = arith.constant 626 : i32
    %mul3A_35 = arith.muli %arg1, %mul3A_34 : i32
    %add3A_36 = arith.constant 560 : i32
    %add3A_37 = arith.addi %mul3A_35, %add3A_36 : i32
    "tpu.region"() ({
      %run_scoped3A = tpu.sem_alloc : memref<!tpu.dma_semaphore, #tpu.memory_space<semaphore_mem>>
      %dma_start3A_133 = arith.constant 0 : i32
      %dma_start3A_134 = arith.constant 0 : i32
      %dma_start3A_135 = tpu.memref_slice %arg9[%dma_start3A_133, %dma_start3A_134] : memref<80x128xf32, #tpu.memory_space<vmem>> -> memref<66x128xf32, #tpu.memory_space<vmem>>
      %dma_start3A_136 = arith.constant 0 : i32
      %dma_start3A_137 = tpu.memref_slice %arg13[%add3A_37, %dma_start3A_136] : memref<10016x128xf32, #tpu.memory_space<vmem_shared>> -> memref<66x128xf32, #tpu.memory_space<vmem_shared>>
      %dma_start3A_138 = arith.constant 0 : i32
      %dma_start3A_139 = tpu.memref_slice %arg13[%add3A_37, %dma_start3A_138] : memref<10016x128xf32, #tpu.memory_space<vmem_shared>> -> memref<66x128xf32, #tpu.memory_space<vmem_shared>>
      %dma_start3A_140 = arith.constant 0 : i32
      %dma_start3A_141 = arith.constant 0 : i32
      %dma_start3A_142 = tpu.memref_slice %arg9[%dma_start3A_140, %dma_start3A_141] : memref<80x128xf32, #tpu.memory_space<vmem>> -> memref<66x128xf32, #tpu.memory_space<vmem>>
      tpu.enqueue_dma source(%dma_start3A_142 : memref<66x128xf32, #tpu.memory_space<vmem>>) target(%dma_start3A_139 : memref<66x128xf32, #tpu.memory_space<vmem_shared>>) target_semaphore(%run_scoped3A : memref<!tpu.dma_semaphore, #tpu.memory_space<semaphore_mem>>)
      %dma_wait3A_143 = arith.constant 0 : i32
      %dma_wait3A_144 = arith.constant 0 : i32
      %dma_wait3A_145 = tpu.memref_slice %arg9[%dma_wait3A_143, %dma_wait3A_144] : memref<80x128xf32, #tpu.memory_space<vmem>> -> memref<66x128xf32, #tpu.memory_space<vmem>>
      %dma_wait3A_146 = arith.constant 0 : i32
      %dma_wait3A_147 = tpu.memref_slice %arg13[%add3A_37, %dma_wait3A_146] : memref<10016x128xf32, #tpu.memory_space<vmem_shared>> -> memref<66x128xf32, #tpu.memory_space<vmem_shared>>
      %dma_wait3A_148 = arith.constant 0 : i32
      %dma_wait3A_149 = tpu.memref_slice %arg13[%add3A_37, %dma_wait3A_148] : memref<10016x128xf32, #tpu.memory_space<vmem_shared>> -> memref<66x128xf32, #tpu.memory_space<vmem_shared>>
      %dma_wait3A_150 = arith.constant 0 : i32
      %dma_wait3A_151 = arith.constant 0 : i32
      %dma_wait3A_152 = tpu.memref_slice %arg9[%dma_wait3A_150, %dma_wait3A_151] : memref<80x128xf32, #tpu.memory_space<vmem>> -> memref<66x128xf32, #tpu.memory_space<vmem>>
      tpu.wait_dma2 semaphore(%run_scoped3A : memref<!tpu.dma_semaphore, #tpu.memory_space<semaphore_mem>>) src(%dma_wait3A_152 : memref<66x128xf32, #tpu.memory_space<vmem>>) dst(%dma_wait3A_149 : memref<66x128xf32, #tpu.memory_space<vmem_shared>>)
      tpu.yield
    }) : () -> ()
    %barrier3A = arith.constant 0 : index
    tpu.barrier barrier_id(%barrier3A)
    %dma_start3A = arith.constant 0 : i32
    %dma_start3A_38 = arith.constant 0 : i32
    %dma_start3A_39 = arith.constant 0 : i32
    %dma_start3A_40 = tpu.memref_slice %arg3[%add3A, %dma_start3A, %dma_start3A_38, %dma_start3A_39] : memref<32x128x2x80xi32, #tpu.memory_space<hbm>> -> memref<1x1x2x80xi32, #tpu.memory_space<hbm>>
    %dma_start3A_41 = tpu.memref_squeeze %dma_start3A_40 : memref<1x1x2x80xi32, #tpu.memory_space<hbm>> -> memref<2x80xi32, #tpu.memory_space<hbm>>
    %dma_start3A_42 = arith.constant 0 : i32
    %dma_start3A_43 = arith.constant 0 : i32
    %dma_start3A_44 = tpu.memref_slice %arg3[%add3A, %dma_start3A, %dma_start3A_42, %dma_start3A_43] : memref<32x128x2x80xi32, #tpu.memory_space<hbm>> -> memref<1x1x2x80xi32, #tpu.memory_space<hbm>>
    %dma_start3A_45 = tpu.memref_squeeze %dma_start3A_44 : memref<1x1x2x80xi32, #tpu.memory_space<hbm>> -> memref<2x80xi32, #tpu.memory_space<hbm>>
    tpu.enqueue_dma source(%dma_start3A_45 : memref<2x80xi32, #tpu.memory_space<hbm>>) target(%arg5 : memref<2x80xi32, #tpu.memory_space<vmem>>) target_semaphore(%arg14 : memref<!tpu.dma_semaphore, #tpu.memory_space<semaphore_mem>>)
    %dma_start3A_46 = arith.constant 1 : i32
    %dma_start3A_47 = arith.constant 0 : i32
    %dma_start3A_48 = arith.constant 0 : i32
    %dma_start3A_49 = tpu.memref_slice %arg3[%add3A, %dma_start3A_46, %dma_start3A_47, %dma_start3A_48] : memref<32x128x2x80xi32, #tpu.memory_space<hbm>> -> memref<1x1x2x80xi32, #tpu.memory_space<hbm>>
    %dma_start3A_50 = tpu.memref_squeeze %dma_start3A_49 : memref<1x1x2x80xi32, #tpu.memory_space<hbm>> -> memref<2x80xi32, #tpu.memory_space<hbm>>
    %dma_start3A_51 = arith.constant 0 : i32
    %dma_start3A_52 = arith.constant 0 : i32
    %dma_start3A_53 = tpu.memref_slice %arg3[%add3A, %dma_start3A_46, %dma_start3A_51, %dma_start3A_52] : memref<32x128x2x80xi32, #tpu.memory_space<hbm>> -> memref<1x1x2x80xi32, #tpu.memory_space<hbm>>
    %dma_start3A_54 = tpu.memref_squeeze %dma_start3A_53 : memref<1x1x2x80xi32, #tpu.memory_space<hbm>> -> memref<2x80xi32, #tpu.memory_space<hbm>>
    tpu.enqueue_dma source(%dma_start3A_54 : memref<2x80xi32, #tpu.memory_space<hbm>>) target(%arg6 : memref<2x80xi32, #tpu.memory_space<vmem>>) target_semaphore(%arg15 : memref<!tpu.dma_semaphore, #tpu.memory_space<semaphore_mem>>)
    %dma_start3A_55 = arith.constant 2 : i32
    %dma_start3A_56 = arith.constant 0 : i32
    %dma_start3A_57 = arith.constant 0 : i32
    %dma_start3A_58 = tpu.memref_slice %arg3[%add3A, %dma_start3A_55, %dma_start3A_56, %dma_start3A_57] : memref<32x128x2x80xi32, #tpu.memory_space<hbm>> -> memref<1x1x2x80xi32, #tpu.memory_space<hbm>>
    %dma_start3A_59 = tpu.memref_squeeze %dma_start3A_58 : memref<1x1x2x80xi32, #tpu.memory_space<hbm>> -> memref<2x80xi32, #tpu.memory_space<hbm>>
    %dma_start3A_60 = arith.constant 0 : i32
    %dma_start3A_61 = arith.constant 0 : i32
    %dma_start3A_62 = tpu.memref_slice %arg3[%add3A, %dma_start3A_55, %dma_start3A_60, %dma_start3A_61] : memref<32x128x2x80xi32, #tpu.memory_space<hbm>> -> memref<1x1x2x80xi32, #tpu.memory_space<hbm>>
    %dma_start3A_63 = tpu.memref_squeeze %dma_start3A_62 : memref<1x1x2x80xi32, #tpu.memory_space<hbm>> -> memref<2x80xi32, #tpu.memory_space<hbm>>
    tpu.enqueue_dma source(%dma_start3A_63 : memref<2x80xi32, #tpu.memory_space<hbm>>) target(%arg7 : memref<2x80xi32, #tpu.memory_space<vmem>>) target_semaphore(%arg16 : memref<!tpu.dma_semaphore, #tpu.memory_space<semaphore_mem>>)
    %dma_start3A_64 = arith.constant 3 : i32
    %dma_start3A_65 = arith.constant 0 : i32
    %dma_start3A_66 = arith.constant 0 : i32
    %dma_start3A_67 = tpu.memref_slice %arg3[%add3A, %dma_start3A_64, %dma_start3A_65, %dma_start3A_66] : memref<32x128x2x80xi32, #tpu.memory_space<hbm>> -> memref<1x1x2x80xi32, #tpu.memory_space<hbm>>
    %dma_start3A_68 = tpu.memref_squeeze %dma_start3A_67 : memref<1x1x2x80xi32, #tpu.memory_space<hbm>> -> memref<2x80xi32, #tpu.memory_space<hbm>>
    %dma_start3A_69 = arith.constant 0 : i32
    %dma_start3A_70 = arith.constant 0 : i32
    %dma_start3A_71 = tpu.memref_slice %arg3[%add3A, %dma_start3A_64, %dma_start3A_69, %dma_start3A_70] : memref<32x128x2x80xi32, #tpu.memory_space<hbm>> -> memref<1x1x2x80xi32, #tpu.memory_space<hbm>>
    %dma_start3A_72 = tpu.memref_squeeze %dma_start3A_71 : memref<1x1x2x80xi32, #tpu.memory_space<hbm>> -> memref<2x80xi32, #tpu.memory_space<hbm>>
    tpu.enqueue_dma source(%dma_start3A_72 : memref<2x80xi32, #tpu.memory_space<hbm>>) target(%arg8 : memref<2x80xi32, #tpu.memory_space<vmem>>) target_semaphore(%arg17 : memref<!tpu.dma_semaphore, #tpu.memory_space<semaphore_mem>>)
    %dma_wait3A = arith.constant 0 : i32
    %dma_wait3A_73 = arith.constant 0 : i32
    %dma_wait3A_74 = arith.constant 0 : i32
    %dma_wait3A_75 = tpu.memref_slice %arg3[%add3A, %dma_wait3A, %dma_wait3A_73, %dma_wait3A_74] : memref<32x128x2x80xi32, #tpu.memory_space<hbm>> -> memref<1x1x2x80xi32, #tpu.memory_space<hbm>>
    %dma_wait3A_76 = tpu.memref_squeeze %dma_wait3A_75 : memref<1x1x2x80xi32, #tpu.memory_space<hbm>> -> memref<2x80xi32, #tpu.memory_space<hbm>>
    %dma_wait3A_77 = arith.constant 0 : i32
    %dma_wait3A_78 = arith.constant 0 : i32
    %dma_wait3A_79 = tpu.memref_slice %arg3[%add3A, %dma_wait3A, %dma_wait3A_77, %dma_wait3A_78] : memref<32x128x2x80xi32, #tpu.memory_space<hbm>> -> memref<1x1x2x80xi32, #tpu.memory_space<hbm>>
    %dma_wait3A_80 = tpu.memref_squeeze %dma_wait3A_79 : memref<1x1x2x80xi32, #tpu.memory_space<hbm>> -> memref<2x80xi32, #tpu.memory_space<hbm>>
    tpu.wait_dma2 semaphore(%arg14 : memref<!tpu.dma_semaphore, #tpu.memory_space<semaphore_mem>>) src(%dma_wait3A_80 : memref<2x80xi32, #tpu.memory_space<hbm>>) dst(%arg5 : memref<2x80xi32, #tpu.memory_space<vmem>>)
    %dma_start3A_81 = arith.constant 0 : i32
    %dma_start3A_82 = arith.constant 0 : i32
    %dma_start3A_83 = tpu.memref_slice %arg5[%dma_start3A_81, %dma_start3A_82] : memref<2x80xi32, #tpu.memory_space<vmem>> -> memref<1x80xi32, #tpu.memory_space<vmem>>
    %dma_start3A_84 = tpu.memref_squeeze %dma_start3A_83 : memref<1x80xi32, #tpu.memory_space<vmem>> -> memref<80xi32, #tpu.memory_space<vmem>>
    %dma_start3A_85 = arith.constant 0 : i32
    %dma_start3A_86 = arith.constant 0 : i32
    %dma_start3A_87 = tpu.memref_slice %arg2[%dma_start3A_85, %dma_start3A_86] : memref<10000x128xf32, #tpu.memory_space<hbm>> -> memref<10000x128xf32, #tpu.memory_space<hbm>>
    tpu.enqueue_indirect_dma source(%dma_start3A_87 : memref<10000x128xf32, #tpu.memory_space<hbm>>) target(%arg9 : memref<80x128xf32, #tpu.memory_space<vmem>>) offsets(%dma_start3A_84 : memref<80xi32, #tpu.memory_space<vmem>>) semaphore(%arg18 : memref<!tpu.dma_semaphore, #tpu.memory_space<semaphore_mem>>)
    %dma_wait3A_88 = arith.constant 1 : i32
    %dma_wait3A_89 = arith.constant 0 : i32
    %dma_wait3A_90 = arith.constant 0 : i32
    %dma_wait3A_91 = tpu.memref_slice %arg3[%add3A, %dma_wait3A_88, %dma_wait3A_89, %dma_wait3A_90] : memref<32x128x2x80xi32, #tpu.memory_space<hbm>> -> memref<1x1x2x80xi32, #tpu.memory_space<hbm>>
    %dma_wait3A_92 = tpu.memref_squeeze %dma_wait3A_91 : memref<1x1x2x80xi32, #tpu.memory_space<hbm>> -> memref<2x80xi32, #tpu.memory_space<hbm>>
    %dma_wait3A_93 = arith.constant 0 : i32
    %dma_wait3A_94 = arith.constant 0 : i32
    %dma_wait3A_95 = tpu.memref_slice %arg3[%add3A, %dma_wait3A_88, %dma_wait3A_93, %dma_wait3A_94] : memref<32x128x2x80xi32, #tpu.memory_space<hbm>> -> memref<1x1x2x80xi32, #tpu.memory_space<hbm>>
    %dma_wait3A_96 = tpu.memref_squeeze %dma_wait3A_95 : memref<1x1x2x80xi32, #tpu.memory_space<hbm>> -> memref<2x80xi32, #tpu.memory_space<hbm>>
    tpu.wait_dma2 semaphore(%arg15 : memref<!tpu.dma_semaphore, #tpu.memory_space<semaphore_mem>>) src(%dma_wait3A_96 : memref<2x80xi32, #tpu.memory_space<hbm>>) dst(%arg6 : memref<2x80xi32, #tpu.memory_space<vmem>>)
    %dma_start3A_97 = arith.constant 0 : i32
    %dma_start3A_98 = arith.constant 0 : i32
    %dma_start3A_99 = tpu.memref_slice %arg6[%dma_start3A_97, %dma_start3A_98] : memref<2x80xi32, #tpu.memory_space<vmem>> -> memref<1x80xi32, #tpu.memory_space<vmem>>
    %dma_start3A_100 = tpu.memref_squeeze %dma_start3A_99 : memref<1x80xi32, #tpu.memory_space<vmem>> -> memref<80xi32, #tpu.memory_space<vmem>>
    %dma_start3A_101 = arith.constant 0 : i32
    %dma_start3A_102 = arith.constant 0 : i32
    %dma_start3A_103 = tpu.memref_slice %arg2[%dma_start3A_101, %dma_start3A_102] : memref<10000x128xf32, #tpu.memory_space<hbm>> -> memref<10000x128xf32, #tpu.memory_space<hbm>>
    tpu.enqueue_indirect_dma source(%dma_start3A_103 : memref<10000x128xf32, #tpu.memory_space<hbm>>) target(%arg10 : memref<80x128xf32, #tpu.memory_space<vmem>>) offsets(%dma_start3A_100 : memref<80xi32, #tpu.memory_space<vmem>>) semaphore(%arg19 : memref<!tpu.dma_semaphore, #tpu.memory_space<semaphore_mem>>)
    %dma_wait3A_104 = arith.constant 2 : i32
    %dma_wait3A_105 = arith.constant 0 : i32
    %dma_wait3A_106 = arith.constant 0 : i32
    %dma_wait3A_107 = tpu.memref_slice %arg3[%add3A, %dma_wait3A_104, %dma_wait3A_105, %dma_wait3A_106] : memref<32x128x2x80xi32, #tpu.memory_space<hbm>> -> memref<1x1x2x80xi32, #tpu.memory_space<hbm>>
    %dma_wait3A_108 = tpu.memref_squeeze %dma_wait3A_107 : memref<1x1x2x80xi32, #tpu.memory_space<hbm>> -> memref<2x80xi32, #tpu.memory_space<hbm>>
    %dma_wait3A_109 = arith.constant 0 : i32
    %dma_wait3A_110 = arith.constant 0 : i32
    %dma_wait3A_111 = tpu.memref_slice %arg3[%add3A, %dma_wait3A_104, %dma_wait3A_109, %dma_wait3A_110] : memref<32x128x2x80xi32, #tpu.memory_space<hbm>> -> memref<1x1x2x80xi32, #tpu.memory_space<hbm>>
    %dma_wait3A_112 = tpu.memref_squeeze %dma_wait3A_111 : memref<1x1x2x80xi32, #tpu.memory_space<hbm>> -> memref<2x80xi32, #tpu.memory_space<hbm>>
    tpu.wait_dma2 semaphore(%arg16 : memref<!tpu.dma_semaphore, #tpu.memory_space<semaphore_mem>>) src(%dma_wait3A_112 : memref<2x80xi32, #tpu.memory_space<hbm>>) dst(%arg7 : memref<2x80xi32, #tpu.memory_space<vmem>>)
    %dma_start3A_113 = arith.constant 0 : i32
    %dma_start3A_114 = arith.constant 0 : i32
    %dma_start3A_115 = tpu.memref_slice %arg7[%dma_start3A_113, %dma_start3A_114] : memref<2x80xi32, #tpu.memory_space<vmem>> -> memref<1x80xi32, #tpu.memory_space<vmem>>
    %dma_start3A_116 = tpu.memref_squeeze %dma_start3A_115 : memref<1x80xi32, #tpu.memory_space<vmem>> -> memref<80xi32, #tpu.memory_space<vmem>>
    %dma_start3A_117 = arith.constant 0 : i32
    %dma_start3A_118 = arith.constant 0 : i32
    %dma_start3A_119 = tpu.memref_slice %arg2[%dma_start3A_117, %dma_start3A_118] : memref<10000x128xf32, #tpu.memory_space<hbm>> -> memref<10000x128xf32, #tpu.memory_space<hbm>>
    tpu.enqueue_indirect_dma source(%dma_start3A_119 : memref<10000x128xf32, #tpu.memory_space<hbm>>) target(%arg11 : memref<80x128xf32, #tpu.memory_space<vmem>>) offsets(%dma_start3A_116 : memref<80xi32, #tpu.memory_space<vmem>>) semaphore(%arg20 : memref<!tpu.dma_semaphore, #tpu.memory_space<semaphore_mem>>)
    %scan3A_120 = arith.constant 0 : i32
    %scan3A_121 = arith.constant 0 : i32
    %scan3A_122 = arith.constant 32 : i32
    %scan3A_123 = arith.addi %scan3A_121, %scan3A_122 : i32
    %scan3A_124 = arith.constant 1 : i32
    scf.for %scan3A_133 = %scan3A_121 to %scan3A_123 step %scan3A_124  : i32 {
      %mul3A_134 = arith.constant 4 : i32
      %mul3A_135 = arith.muli %scan3A_133, %mul3A_134 : i32
      %add3A_136 = arith.constant 0 : i32
      %add3A_137 = arith.addi %mul3A_135, %add3A_136 : i32
      %dma_wait3A_138 = arith.constant 0 : i32
      %dma_wait3A_139 = arith.constant 0 : i32
      %dma_wait3A_140 = tpu.memref_slice %arg5[%dma_wait3A_138, %dma_wait3A_139] : memref<2x80xi32, #tpu.memory_space<vmem>> -> memref<1x80xi32, #tpu.memory_space<vmem>>
      %dma_wait3A_141 = tpu.memref_squeeze %dma_wait3A_140 : memref<1x80xi32, #tpu.memory_space<vmem>> -> memref<80xi32, #tpu.memory_space<vmem>>
      %dma_wait3A_142 = arith.constant 0 : i32
      %dma_wait3A_143 = arith.constant 0 : i32
      %dma_wait3A_144 = tpu.memref_slice %arg2[%dma_wait3A_142, %dma_wait3A_143] : memref<10000x128xf32, #tpu.memory_space<hbm>> -> memref<10000x128xf32, #tpu.memory_space<hbm>>
      tpu.wait_indirect_dma semaphore(%arg18 : memref<!tpu.dma_semaphore, #tpu.memory_space<semaphore_mem>>) src(%dma_wait3A_144 : memref<10000x128xf32, #tpu.memory_space<hbm>>) dst(%arg9 : memref<80x128xf32, #tpu.memory_space<vmem>>)
      %run_scoped3A = arith.constant 1 : i32
      "tpu.region"() ({
        %run_scoped3A_243 = tpu.sem_alloc : memref<!tpu.dma_semaphore, #tpu.memory_space<semaphore_mem>>
        %dma_start3A_244 = arith.constant 0 : i32
        %dma_start3A_245 = tpu.memref_slice %arg5[%run_scoped3A, %dma_start3A_244] : memref<2x80xi32, #tpu.memory_space<vmem>> -> memref<1x80xi32, #tpu.memory_space<vmem>>
        %dma_start3A_246 = tpu.memref_squeeze %dma_start3A_245 : memref<1x80xi32, #tpu.memory_space<vmem>> -> memref<80xi32, #tpu.memory_space<vmem>>
        %dma_start3A_247 = arith.constant 0 : i32
        %dma_start3A_248 = arith.constant 0 : i32
        %dma_start3A_249 = tpu.memref_slice %arg13[%dma_start3A_247, %dma_start3A_248] : memref<10016x128xf32, #tpu.memory_space<vmem_shared>> -> memref<10016x128xf32, #tpu.memory_space<vmem_shared>>
        tpu.enqueue_indirect_dma source(%arg9 : memref<80x128xf32, #tpu.memory_space<vmem>>) target(%dma_start3A_249 : memref<10016x128xf32, #tpu.memory_space<vmem_shared>>) offsets(%dma_start3A_246 : memref<80xi32, #tpu.memory_space<vmem>>) semaphore(%run_scoped3A_243 : memref<!tpu.dma_semaphore, #tpu.memory_space<semaphore_mem>>) {add = true}
        %dma_wait3A_250 = arith.constant 0 : i32
        %dma_wait3A_251 = tpu.memref_slice %arg5[%run_scoped3A, %dma_wait3A_250] : memref<2x80xi32, #tpu.memory_space<vmem>> -> memref<1x80xi32, #tpu.memory_space<vmem>>
        %dma_wait3A_252 = tpu.memref_squeeze %dma_wait3A_251 : memref<1x80xi32, #tpu.memory_space<vmem>> -> memref<80xi32, #tpu.memory_space<vmem>>
        %dma_wait3A_253 = arith.constant 0 : i32
        %dma_wait3A_254 = arith.constant 0 : i32
        %dma_wait3A_255 = tpu.memref_slice %arg13[%dma_wait3A_253, %dma_wait3A_254] : memref<10016x128xf32, #tpu.memory_space<vmem_shared>> -> memref<10016x128xf32, #tpu.memory_space<vmem_shared>>
        tpu.wait_indirect_dma semaphore(%run_scoped3A_243 : memref<!tpu.dma_semaphore, #tpu.memory_space<semaphore_mem>>) src(%arg9 : memref<80x128xf32, #tpu.memory_space<vmem>>) dst(%dma_wait3A_255 : memref<10016x128xf32, #tpu.memory_space<vmem_shared>>)
        tpu.yield
      }) : () -> ()
      %add3A_145 = arith.constant 4 : i32
      %add3A_146 = arith.addi %add3A_137, %add3A_145 : i32
      %lt3A = arith.constant 128 : i32
      %lt3A_147 = arith.cmpi slt, %add3A_146, %lt3A : i32
      %convert_element_type3A_148 = arith.extui %lt3A_147 : i1 to i32
      %cond3A_149 = arith.constant 0 : i32
      %cond3A_150 = arith.cmpi ne, %convert_element_type3A_148, %cond3A_149 : i32
      scf.if %cond3A_150 {
        %add3A_243 = arith.constant 4 : i32
        %add3A_244 = arith.addi %add3A_137, %add3A_243 : i32
        %dma_start3A_245 = arith.constant 0 : i32
        %dma_start3A_246 = arith.constant 0 : i32
        %dma_start3A_247 = tpu.memref_slice %arg3[%add3A, %add3A_244, %dma_start3A_245, %dma_start3A_246] : memref<32x128x2x80xi32, #tpu.memory_space<hbm>> -> memref<1x1x2x80xi32, #tpu.memory_space<hbm>>
        %dma_start3A_248 = tpu.memref_squeeze %dma_start3A_247 : memref<1x1x2x80xi32, #tpu.memory_space<hbm>> -> memref<2x80xi32, #tpu.memory_space<hbm>>
        %dma_start3A_249 = arith.constant 0 : i32
        %dma_start3A_250 = arith.constant 0 : i32
        %dma_start3A_251 = tpu.memref_slice %arg3[%add3A, %add3A_244, %dma_start3A_249, %dma_start3A_250] : memref<32x128x2x80xi32, #tpu.memory_space<hbm>> -> memref<1x1x2x80xi32, #tpu.memory_space<hbm>>
        %dma_start3A_252 = tpu.memref_squeeze %dma_start3A_251 : memref<1x1x2x80xi32, #tpu.memory_space<hbm>> -> memref<2x80xi32, #tpu.memory_space<hbm>>
        tpu.enqueue_dma source(%dma_start3A_252 : memref<2x80xi32, #tpu.memory_space<hbm>>) target(%arg5 : memref<2x80xi32, #tpu.memory_space<vmem>>) target_semaphore(%arg14 : memref<!tpu.dma_semaphore, #tpu.memory_space<semaphore_mem>>)
      } else {
      }
      %add3A_151 = arith.constant 4 : i32
      %add3A_152 = arith.addi %add3A_137, %add3A_151 : i32
      %sub3A = arith.constant 1 : i32
      %sub3A_153 = arith.subi %add3A_152, %sub3A : i32
      %lt3A_154 = arith.constant 128 : i32
      %lt3A_155 = arith.cmpi slt, %sub3A_153, %lt3A_154 : i32
      %convert_element_type3A_156 = arith.extui %lt3A_155 : i1 to i32
      %cond3A_157 = arith.constant 0 : i32
      %cond3A_158 = arith.cmpi ne, %convert_element_type3A_156, %cond3A_157 : i32
      scf.if %cond3A_158 {
        %add3A_243 = arith.constant 4 : i32
        %add3A_244 = arith.addi %add3A_137, %add3A_243 : i32
        %sub3A_245 = arith.constant 1 : i32
        %sub3A_246 = arith.subi %add3A_244, %sub3A_245 : i32
        %dma_wait3A_247 = arith.constant 0 : i32
        %dma_wait3A_248 = arith.constant 0 : i32
        %dma_wait3A_249 = tpu.memref_slice %arg3[%add3A, %sub3A_246, %dma_wait3A_247, %dma_wait3A_248] : memref<32x128x2x80xi32, #tpu.memory_space<hbm>> -> memref<1x1x2x80xi32, #tpu.memory_space<hbm>>
        %dma_wait3A_250 = tpu.memref_squeeze %dma_wait3A_249 : memref<1x1x2x80xi32, #tpu.memory_space<hbm>> -> memref<2x80xi32, #tpu.memory_space<hbm>>
        %dma_wait3A_251 = arith.constant 0 : i32
        %dma_wait3A_252 = arith.constant 0 : i32
        %dma_wait3A_253 = tpu.memref_slice %arg3[%add3A, %sub3A_246, %dma_wait3A_251, %dma_wait3A_252] : memref<32x128x2x80xi32, #tpu.memory_space<hbm>> -> memref<1x1x2x80xi32, #tpu.memory_space<hbm>>
        %dma_wait3A_254 = tpu.memref_squeeze %dma_wait3A_253 : memref<1x1x2x80xi32, #tpu.memory_space<hbm>> -> memref<2x80xi32, #tpu.memory_space<hbm>>
        tpu.wait_dma2 semaphore(%arg17 : memref<!tpu.dma_semaphore, #tpu.memory_space<semaphore_mem>>) src(%dma_wait3A_254 : memref<2x80xi32, #tpu.memory_space<hbm>>) dst(%arg8 : memref<2x80xi32, #tpu.memory_space<vmem>>)
        %dma_start3A_255 = arith.constant 0 : i32
        %dma_start3A_256 = arith.constant 0 : i32
        %dma_start3A_257 = tpu.memref_slice %arg8[%dma_start3A_255, %dma_start3A_256] : memref<2x80xi32, #tpu.memory_space<vmem>> -> memref<1x80xi32, #tpu.memory_space<vmem>>
        %dma_start3A_258 = tpu.memref_squeeze %dma_start3A_257 : memref<1x80xi32, #tpu.memory_space<vmem>> -> memref<80xi32, #tpu.memory_space<vmem>>
        %dma_start3A_259 = arith.constant 0 : i32
        %dma_start3A_260 = arith.constant 0 : i32
        %dma_start3A_261 = tpu.memref_slice %arg2[%dma_start3A_259, %dma_start3A_260] : memref<10000x128xf32, #tpu.memory_space<hbm>> -> memref<10000x128xf32, #tpu.memory_space<hbm>>
        tpu.enqueue_indirect_dma source(%dma_start3A_261 : memref<10000x128xf32, #tpu.memory_space<hbm>>) target(%arg12 : memref<80x128xf32, #tpu.memory_space<vmem>>) offsets(%dma_start3A_258 : memref<80xi32, #tpu.memory_space<vmem>>) semaphore(%arg21 : memref<!tpu.dma_semaphore, #tpu.memory_space<semaphore_mem>>)
      } else {
      }
      %mul3A_159 = arith.constant 4 : i32
      %mul3A_160 = arith.muli %scan3A_133, %mul3A_159 : i32
      %add3A_161 = arith.constant 1 : i32
      %add3A_162 = arith.addi %mul3A_160, %add3A_161 : i32
      %dma_wait3A_163 = arith.constant 0 : i32
      %dma_wait3A_164 = arith.constant 0 : i32
      %dma_wait3A_165 = tpu.memref_slice %arg6[%dma_wait3A_163, %dma_wait3A_164] : memref<2x80xi32, #tpu.memory_space<vmem>> -> memref<1x80xi32, #tpu.memory_space<vmem>>
      %dma_wait3A_166 = tpu.memref_squeeze %dma_wait3A_165 : memref<1x80xi32, #tpu.memory_space<vmem>> -> memref<80xi32, #tpu.memory_space<vmem>>
      %dma_wait3A_167 = arith.constant 0 : i32
      %dma_wait3A_168 = arith.constant 0 : i32
      %dma_wait3A_169 = tpu.memref_slice %arg2[%dma_wait3A_167, %dma_wait3A_168] : memref<10000x128xf32, #tpu.memory_space<hbm>> -> memref<10000x128xf32, #tpu.memory_space<hbm>>
      tpu.wait_indirect_dma semaphore(%arg19 : memref<!tpu.dma_semaphore, #tpu.memory_space<semaphore_mem>>) src(%dma_wait3A_169 : memref<10000x128xf32, #tpu.memory_space<hbm>>) dst(%arg10 : memref<80x128xf32, #tpu.memory_space<vmem>>)
      %run_scoped3A_170 = arith.constant 1 : i32
      "tpu.region"() ({
        %run_scoped3A_243 = tpu.sem_alloc : memref<!tpu.dma_semaphore, #tpu.memory_space<semaphore_mem>>
        %dma_start3A_244 = arith.constant 0 : i32
        %dma_start3A_245 = tpu.memref_slice %arg6[%run_scoped3A_170, %dma_start3A_244] : memref<2x80xi32, #tpu.memory_space<vmem>> -> memref<1x80xi32, #tpu.memory_space<vmem>>
        %dma_start3A_246 = tpu.memref_squeeze %dma_start3A_245 : memref<1x80xi32, #tpu.memory_space<vmem>> -> memref<80xi32, #tpu.memory_space<vmem>>
        %dma_start3A_247 = arith.constant 0 : i32
        %dma_start3A_248 = arith.constant 0 : i32
        %dma_start3A_249 = tpu.memref_slice %arg13[%dma_start3A_247, %dma_start3A_248] : memref<10016x128xf32, #tpu.memory_space<vmem_shared>> -> memref<10016x128xf32, #tpu.memory_space<vmem_shared>>
        tpu.enqueue_indirect_dma source(%arg10 : memref<80x128xf32, #tpu.memory_space<vmem>>) target(%dma_start3A_249 : memref<10016x128xf32, #tpu.memory_space<vmem_shared>>) offsets(%dma_start3A_246 : memref<80xi32, #tpu.memory_space<vmem>>) semaphore(%run_scoped3A_243 : memref<!tpu.dma_semaphore, #tpu.memory_space<semaphore_mem>>) {add = true}
        %dma_wait3A_250 = arith.constant 0 : i32
        %dma_wait3A_251 = tpu.memref_slice %arg6[%run_scoped3A_170, %dma_wait3A_250] : memref<2x80xi32, #tpu.memory_space<vmem>> -> memref<1x80xi32, #tpu.memory_space<vmem>>
        %dma_wait3A_252 = tpu.memref_squeeze %dma_wait3A_251 : memref<1x80xi32, #tpu.memory_space<vmem>> -> memref<80xi32, #tpu.memory_space<vmem>>
        %dma_wait3A_253 = arith.constant 0 : i32
        %dma_wait3A_254 = arith.constant 0 : i32
        %dma_wait3A_255 = tpu.memref_slice %arg13[%dma_wait3A_253, %dma_wait3A_254] : memref<10016x128xf32, #tpu.memory_space<vmem_shared>> -> memref<10016x128xf32, #tpu.memory_space<vmem_shared>>
        tpu.wait_indirect_dma semaphore(%run_scoped3A_243 : memref<!tpu.dma_semaphore, #tpu.memory_space<semaphore_mem>>) src(%arg10 : memref<80x128xf32, #tpu.memory_space<vmem>>) dst(%dma_wait3A_255 : memref<10016x128xf32, #tpu.memory_space<vmem_shared>>)
        tpu.yield
      }) : () -> ()
      %add3A_171 = arith.constant 4 : i32
      %add3A_172 = arith.addi %add3A_162, %add3A_171 : i32
      %lt3A_173 = arith.constant 128 : i32
      %lt3A_174 = arith.cmpi slt, %add3A_172, %lt3A_173 : i32
      %convert_element_type3A_175 = arith.extui %lt3A_174 : i1 to i32
      %cond3A_176 = arith.constant 0 : i32
      %cond3A_177 = arith.cmpi ne, %convert_element_type3A_175, %cond3A_176 : i32
      scf.if %cond3A_177 {
        %add3A_243 = arith.constant 4 : i32
        %add3A_244 = arith.addi %add3A_162, %add3A_243 : i32
        %dma_start3A_245 = arith.constant 0 : i32
        %dma_start3A_246 = arith.constant 0 : i32
        %dma_start3A_247 = tpu.memref_slice %arg3[%add3A, %add3A_244, %dma_start3A_245, %dma_start3A_246] : memref<32x128x2x80xi32, #tpu.memory_space<hbm>> -> memref<1x1x2x80xi32, #tpu.memory_space<hbm>>
        %dma_start3A_248 = tpu.memref_squeeze %dma_start3A_247 : memref<1x1x2x80xi32, #tpu.memory_space<hbm>> -> memref<2x80xi32, #tpu.memory_space<hbm>>
        %dma_start3A_249 = arith.constant 0 : i32
        %dma_start3A_250 = arith.constant 0 : i32
        %dma_start3A_251 = tpu.memref_slice %arg3[%add3A, %add3A_244, %dma_start3A_249, %dma_start3A_250] : memref<32x128x2x80xi32, #tpu.memory_space<hbm>> -> memref<1x1x2x80xi32, #tpu.memory_space<hbm>>
        %dma_start3A_252 = tpu.memref_squeeze %dma_start3A_251 : memref<1x1x2x80xi32, #tpu.memory_space<hbm>> -> memref<2x80xi32, #tpu.memory_space<hbm>>
        tpu.enqueue_dma source(%dma_start3A_252 : memref<2x80xi32, #tpu.memory_space<hbm>>) target(%arg6 : memref<2x80xi32, #tpu.memory_space<vmem>>) target_semaphore(%arg15 : memref<!tpu.dma_semaphore, #tpu.memory_space<semaphore_mem>>)
      } else {
      }
      %add3A_178 = arith.constant 4 : i32
      %add3A_179 = arith.addi %add3A_162, %add3A_178 : i32
      %sub3A_180 = arith.constant 1 : i32
      %sub3A_181 = arith.subi %add3A_179, %sub3A_180 : i32
      %lt3A_182 = arith.constant 128 : i32
      %lt3A_183 = arith.cmpi slt, %sub3A_181, %lt3A_182 : i32
      %convert_element_type3A_184 = arith.extui %lt3A_183 : i1 to i32
      %cond3A_185 = arith.constant 0 : i32
      %cond3A_186 = arith.cmpi ne, %convert_element_type3A_184, %cond3A_185 : i32
      scf.if %cond3A_186 {
        %add3A_243 = arith.constant 4 : i32
        %add3A_244 = arith.addi %add3A_162, %add3A_243 : i32
        %sub3A_245 = arith.constant 1 : i32
        %sub3A_246 = arith.subi %add3A_244, %sub3A_245 : i32
        %dma_wait3A_247 = arith.constant 0 : i32
        %dma_wait3A_248 = arith.constant 0 : i32
        %dma_wait3A_249 = tpu.memref_slice %arg3[%add3A, %sub3A_246, %dma_wait3A_247, %dma_wait3A_248] : memref<32x128x2x80xi32, #tpu.memory_space<hbm>> -> memref<1x1x2x80xi32, #tpu.memory_space<hbm>>
        %dma_wait3A_250 = tpu.memref_squeeze %dma_wait3A_249 : memref<1x1x2x80xi32, #tpu.memory_space<hbm>> -> memref<2x80xi32, #tpu.memory_space<hbm>>
        %dma_wait3A_251 = arith.constant 0 : i32
        %dma_wait3A_252 = arith.constant 0 : i32
        %dma_wait3A_253 = tpu.memref_slice %arg3[%add3A, %sub3A_246, %dma_wait3A_251, %dma_wait3A_252] : memref<32x128x2x80xi32, #tpu.memory_space<hbm>> -> memref<1x1x2x80xi32, #tpu.memory_space<hbm>>
        %dma_wait3A_254 = tpu.memref_squeeze %dma_wait3A_253 : memref<1x1x2x80xi32, #tpu.memory_space<hbm>> -> memref<2x80xi32, #tpu.memory_space<hbm>>
        tpu.wait_dma2 semaphore(%arg14 : memref<!tpu.dma_semaphore, #tpu.memory_space<semaphore_mem>>) src(%dma_wait3A_254 : memref<2x80xi32, #tpu.memory_space<hbm>>) dst(%arg5 : memref<2x80xi32, #tpu.memory_space<vmem>>)
        %dma_start3A_255 = arith.constant 0 : i32
        %dma_start3A_256 = arith.constant 0 : i32
        %dma_start3A_257 = tpu.memref_slice %arg5[%dma_start3A_255, %dma_start3A_256] : memref<2x80xi32, #tpu.memory_space<vmem>> -> memref<1x80xi32, #tpu.memory_space<vmem>>
        %dma_start3A_258 = tpu.memref_squeeze %dma_start3A_257 : memref<1x80xi32, #tpu.memory_space<vmem>> -> memref<80xi32, #tpu.memory_space<vmem>>
        %dma_start3A_259 = arith.constant 0 : i32
        %dma_start3A_260 = arith.constant 0 : i32
        %dma_start3A_261 = tpu.memref_slice %arg2[%dma_start3A_259, %dma_start3A_260] : memref<10000x128xf32, #tpu.memory_space<hbm>> -> memref<10000x128xf32, #tpu.memory_space<hbm>>
        tpu.enqueue_indirect_dma source(%dma_start3A_261 : memref<10000x128xf32, #tpu.memory_space<hbm>>) target(%arg9 : memref<80x128xf32, #tpu.memory_space<vmem>>) offsets(%dma_start3A_258 : memref<80xi32, #tpu.memory_space<vmem>>) semaphore(%arg18 : memref<!tpu.dma_semaphore, #tpu.memory_space<semaphore_mem>>)
      } else {
      }
      %mul3A_187 = arith.constant 4 : i32
      %mul3A_188 = arith.muli %scan3A_133, %mul3A_187 : i32
      %add3A_189 = arith.constant 2 : i32
      %add3A_190 = arith.addi %mul3A_188, %add3A_189 : i32
      %dma_wait3A_191 = arith.constant 0 : i32
      %dma_wait3A_192 = arith.constant 0 : i32
      %dma_wait3A_193 = tpu.memref_slice %arg7[%dma_wait3A_191, %dma_wait3A_192] : memref<2x80xi32, #tpu.memory_space<vmem>> -> memref<1x80xi32, #tpu.memory_space<vmem>>
      %dma_wait3A_194 = tpu.memref_squeeze %dma_wait3A_193 : memref<1x80xi32, #tpu.memory_space<vmem>> -> memref<80xi32, #tpu.memory_space<vmem>>
      %dma_wait3A_195 = arith.constant 0 : i32
      %dma_wait3A_196 = arith.constant 0 : i32
      %dma_wait3A_197 = tpu.memref_slice %arg2[%dma_wait3A_195, %dma_wait3A_196] : memref<10000x128xf32, #tpu.memory_space<hbm>> -> memref<10000x128xf32, #tpu.memory_space<hbm>>
      tpu.wait_indirect_dma semaphore(%arg20 : memref<!tpu.dma_semaphore, #tpu.memory_space<semaphore_mem>>) src(%dma_wait3A_197 : memref<10000x128xf32, #tpu.memory_space<hbm>>) dst(%arg11 : memref<80x128xf32, #tpu.memory_space<vmem>>)
      %run_scoped3A_198 = arith.constant 1 : i32
      "tpu.region"() ({
        %run_scoped3A_243 = tpu.sem_alloc : memref<!tpu.dma_semaphore, #tpu.memory_space<semaphore_mem>>
        %dma_start3A_244 = arith.constant 0 : i32
        %dma_start3A_245 = tpu.memref_slice %arg7[%run_scoped3A_198, %dma_start3A_244] : memref<2x80xi32, #tpu.memory_space<vmem>> -> memref<1x80xi32, #tpu.memory_space<vmem>>
        %dma_start3A_246 = tpu.memref_squeeze %dma_start3A_245 : memref<1x80xi32, #tpu.memory_space<vmem>> -> memref<80xi32, #tpu.memory_space<vmem>>
        %dma_start3A_247 = arith.constant 0 : i32
        %dma_start3A_248 = arith.constant 0 : i32
        %dma_start3A_249 = tpu.memref_slice %arg13[%dma_start3A_247, %dma_start3A_248] : memref<10016x128xf32, #tpu.memory_space<vmem_shared>> -> memref<10016x128xf32, #tpu.memory_space<vmem_shared>>
        tpu.enqueue_indirect_dma source(%arg11 : memref<80x128xf32, #tpu.memory_space<vmem>>) target(%dma_start3A_249 : memref<10016x128xf32, #tpu.memory_space<vmem_shared>>) offsets(%dma_start3A_246 : memref<80xi32, #tpu.memory_space<vmem>>) semaphore(%run_scoped3A_243 : memref<!tpu.dma_semaphore, #tpu.memory_space<semaphore_mem>>) {add = true}
        %dma_wait3A_250 = arith.constant 0 : i32
        %dma_wait3A_251 = tpu.memref_slice %arg7[%run_scoped3A_198, %dma_wait3A_250] : memref<2x80xi32, #tpu.memory_space<vmem>> -> memref<1x80xi32, #tpu.memory_space<vmem>>
        %dma_wait3A_252 = tpu.memref_squeeze %dma_wait3A_251 : memref<1x80xi32, #tpu.memory_space<vmem>> -> memref<80xi32, #tpu.memory_space<vmem>>
        %dma_wait3A_253 = arith.constant 0 : i32
        %dma_wait3A_254 = arith.constant 0 : i32
        %dma_wait3A_255 = tpu.memref_slice %arg13[%dma_wait3A_253, %dma_wait3A_254] : memref<10016x128xf32, #tpu.memory_space<vmem_shared>> -> memref<10016x128xf32, #tpu.memory_space<vmem_shared>>
        tpu.wait_indirect_dma semaphore(%run_scoped3A_243 : memref<!tpu.dma_semaphore, #tpu.memory_space<semaphore_mem>>) src(%arg11 : memref<80x128xf32, #tpu.memory_space<vmem>>) dst(%dma_wait3A_255 : memref<10016x128xf32, #tpu.memory_space<vmem_shared>>)
        tpu.yield
      }) : () -> ()
      %add3A_199 = arith.constant 4 : i32
      %add3A_200 = arith.addi %add3A_190, %add3A_199 : i32
      %lt3A_201 = arith.constant 128 : i32
      %lt3A_202 = arith.cmpi slt, %add3A_200, %lt3A_201 : i32
      %convert_element_type3A_203 = arith.extui %lt3A_202 : i1 to i32
      %cond3A_204 = arith.constant 0 : i32
      %cond3A_205 = arith.cmpi ne, %convert_element_type3A_203, %cond3A_204 : i32
      scf.if %cond3A_205 {
        %add3A_243 = arith.constant 4 : i32
        %add3A_244 = arith.addi %add3A_190, %add3A_243 : i32
        %dma_start3A_245 = arith.constant 0 : i32
        %dma_start3A_246 = arith.constant 0 : i32
        %dma_start3A_247 = tpu.memref_slice %arg3[%add3A, %add3A_244, %dma_start3A_245, %dma_start3A_246] : memref<32x128x2x80xi32, #tpu.memory_space<hbm>> -> memref<1x1x2x80xi32, #tpu.memory_space<hbm>>
        %dma_start3A_248 = tpu.memref_squeeze %dma_start3A_247 : memref<1x1x2x80xi32, #tpu.memory_space<hbm>> -> memref<2x80xi32, #tpu.memory_space<hbm>>
        %dma_start3A_249 = arith.constant 0 : i32
        %dma_start3A_250 = arith.constant 0 : i32
        %dma_start3A_251 = tpu.memref_slice %arg3[%add3A, %add3A_244, %dma_start3A_249, %dma_start3A_250] : memref<32x128x2x80xi32, #tpu.memory_space<hbm>> -> memref<1x1x2x80xi32, #tpu.memory_space<hbm>>
        %dma_start3A_252 = tpu.memref_squeeze %dma_start3A_251 : memref<1x1x2x80xi32, #tpu.memory_space<hbm>> -> memref<2x80xi32, #tpu.memory_space<hbm>>
        tpu.enqueue_dma source(%dma_start3A_252 : memref<2x80xi32, #tpu.memory_space<hbm>>) target(%arg7 : memref<2x80xi32, #tpu.memory_space<vmem>>) target_semaphore(%arg16 : memref<!tpu.dma_semaphore, #tpu.memory_space<semaphore_mem>>)
      } else {
      }
      %add3A_206 = arith.constant 4 : i32
      %add3A_207 = arith.addi %add3A_190, %add3A_206 : i32
      %sub3A_208 = arith.constant 1 : i32
      %sub3A_209 = arith.subi %add3A_207, %sub3A_208 : i32
      %lt3A_210 = arith.constant 128 : i32
      %lt3A_211 = arith.cmpi slt, %sub3A_209, %lt3A_210 : i32
      %convert_element_type3A_212 = arith.extui %lt3A_211 : i1 to i32
      %cond3A_213 = arith.constant 0 : i32
      %cond3A_214 = arith.cmpi ne, %convert_element_type3A_212, %cond3A_213 : i32
      scf.if %cond3A_214 {
        %add3A_243 = arith.constant 4 : i32
        %add3A_244 = arith.addi %add3A_190, %add3A_243 : i32
        %sub3A_245 = arith.constant 1 : i32
        %sub3A_246 = arith.subi %add3A_244, %sub3A_245 : i32
        %dma_wait3A_247 = arith.constant 0 : i32
        %dma_wait3A_248 = arith.constant 0 : i32
        %dma_wait3A_249 = tpu.memref_slice %arg3[%add3A, %sub3A_246, %dma_wait3A_247, %dma_wait3A_248] : memref<32x128x2x80xi32, #tpu.memory_space<hbm>> -> memref<1x1x2x80xi32, #tpu.memory_space<hbm>>
        %dma_wait3A_250 = tpu.memref_squeeze %dma_wait3A_249 : memref<1x1x2x80xi32, #tpu.memory_space<hbm>> -> memref<2x80xi32, #tpu.memory_space<hbm>>
        %dma_wait3A_251 = arith.constant 0 : i32
        %dma_wait3A_252 = arith.constant 0 : i32
        %dma_wait3A_253 = tpu.memref_slice %arg3[%add3A, %sub3A_246, %dma_wait3A_251, %dma_wait3A_252] : memref<32x128x2x80xi32, #tpu.memory_space<hbm>> -> memref<1x1x2x80xi32, #tpu.memory_space<hbm>>
        %dma_wait3A_254 = tpu.memref_squeeze %dma_wait3A_253 : memref<1x1x2x80xi32, #tpu.memory_space<hbm>> -> memref<2x80xi32, #tpu.memory_space<hbm>>
        tpu.wait_dma2 semaphore(%arg15 : memref<!tpu.dma_semaphore, #tpu.memory_space<semaphore_mem>>) src(%dma_wait3A_254 : memref<2x80xi32, #tpu.memory_space<hbm>>) dst(%arg6 : memref<2x80xi32, #tpu.memory_space<vmem>>)
        %dma_start3A_255 = arith.constant 0 : i32
        %dma_start3A_256 = arith.constant 0 : i32
        %dma_start3A_257 = tpu.memref_slice %arg6[%dma_start3A_255, %dma_start3A_256] : memref<2x80xi32, #tpu.memory_space<vmem>> -> memref<1x80xi32, #tpu.memory_space<vmem>>
        %dma_start3A_258 = tpu.memref_squeeze %dma_start3A_257 : memref<1x80xi32, #tpu.memory_space<vmem>> -> memref<80xi32, #tpu.memory_space<vmem>>
        %dma_start3A_259 = arith.constant 0 : i32
        %dma_start3A_260 = arith.constant 0 : i32
        %dma_start3A_261 = tpu.memref_slice %arg2[%dma_start3A_259, %dma_start3A_260] : memref<10000x128xf32, #tpu.memory_space<hbm>> -> memref<10000x128xf32, #tpu.memory_space<hbm>>
        tpu.enqueue_indirect_dma source(%dma_start3A_261 : memref<10000x128xf32, #tpu.memory_space<hbm>>) target(%arg10 : memref<80x128xf32, #tpu.memory_space<vmem>>) offsets(%dma_start3A_258 : memref<80xi32, #tpu.memory_space<vmem>>) semaphore(%arg19 : memref<!tpu.dma_semaphore, #tpu.memory_space<semaphore_mem>>)
      } else {
      }
      %mul3A_215 = arith.constant 4 : i32
      %mul3A_216 = arith.muli %scan3A_133, %mul3A_215 : i32
      %add3A_217 = arith.constant 3 : i32
      %add3A_218 = arith.addi %mul3A_216, %add3A_217 : i32
      %dma_wait3A_219 = arith.constant 0 : i32
      %dma_wait3A_220 = arith.constant 0 : i32
      %dma_wait3A_221 = tpu.memref_slice %arg8[%dma_wait3A_219, %dma_wait3A_220] : memref<2x80xi32, #tpu.memory_space<vmem>> -> memref<1x80xi32, #tpu.memory_space<vmem>>
      %dma_wait3A_222 = tpu.memref_squeeze %dma_wait3A_221 : memref<1x80xi32, #tpu.memory_space<vmem>> -> memref<80xi32, #tpu.memory_space<vmem>>
      %dma_wait3A_223 = arith.constant 0 : i32
      %dma_wait3A_224 = arith.constant 0 : i32
      %dma_wait3A_225 = tpu.memref_slice %arg2[%dma_wait3A_223, %dma_wait3A_224] : memref<10000x128xf32, #tpu.memory_space<hbm>> -> memref<10000x128xf32, #tpu.memory_space<hbm>>
      tpu.wait_indirect_dma semaphore(%arg21 : memref<!tpu.dma_semaphore, #tpu.memory_space<semaphore_mem>>) src(%dma_wait3A_225 : memref<10000x128xf32, #tpu.memory_space<hbm>>) dst(%arg12 : memref<80x128xf32, #tpu.memory_space<vmem>>)
      %run_scoped3A_226 = arith.constant 1 : i32
      "tpu.region"() ({
        %run_scoped3A_243 = tpu.sem_alloc : memref<!tpu.dma_semaphore, #tpu.memory_space<semaphore_mem>>
        %dma_start3A_244 = arith.constant 0 : i32
        %dma_start3A_245 = tpu.memref_slice %arg8[%run_scoped3A_226, %dma_start3A_244] : memref<2x80xi32, #tpu.memory_space<vmem>> -> memref<1x80xi32, #tpu.memory_space<vmem>>
        %dma_start3A_246 = tpu.memref_squeeze %dma_start3A_245 : memref<1x80xi32, #tpu.memory_space<vmem>> -> memref<80xi32, #tpu.memory_space<vmem>>
        %dma_start3A_247 = arith.constant 0 : i32
        %dma_start3A_248 = arith.constant 0 : i32
        %dma_start3A_249 = tpu.memref_slice %arg13[%dma_start3A_247, %dma_start3A_248] : memref<10016x128xf32, #tpu.memory_space<vmem_shared>> -> memref<10016x128xf32, #tpu.memory_space<vmem_shared>>
        tpu.enqueue_indirect_dma source(%arg12 : memref<80x128xf32, #tpu.memory_space<vmem>>) target(%dma_start3A_249 : memref<10016x128xf32, #tpu.memory_space<vmem_shared>>) offsets(%dma_start3A_246 : memref<80xi32, #tpu.memory_space<vmem>>) semaphore(%run_scoped3A_243 : memref<!tpu.dma_semaphore, #tpu.memory_space<semaphore_mem>>) {add = true}
        %dma_wait3A_250 = arith.constant 0 : i32
        %dma_wait3A_251 = tpu.memref_slice %arg8[%run_scoped3A_226, %dma_wait3A_250] : memref<2x80xi32, #tpu.memory_space<vmem>> -> memref<1x80xi32, #tpu.memory_space<vmem>>
        %dma_wait3A_252 = tpu.memref_squeeze %dma_wait3A_251 : memref<1x80xi32, #tpu.memory_space<vmem>> -> memref<80xi32, #tpu.memory_space<vmem>>
        %dma_wait3A_253 = arith.constant 0 : i32
        %dma_wait3A_254 = arith.constant 0 : i32
        %dma_wait3A_255 = tpu.memref_slice %arg13[%dma_wait3A_253, %dma_wait3A_254] : memref<10016x128xf32, #tpu.memory_space<vmem_shared>> -> memref<10016x128xf32, #tpu.memory_space<vmem_shared>>
        tpu.wait_indirect_dma semaphore(%run_scoped3A_243 : memref<!tpu.dma_semaphore, #tpu.memory_space<semaphore_mem>>) src(%arg12 : memref<80x128xf32, #tpu.memory_space<vmem>>) dst(%dma_wait3A_255 : memref<10016x128xf32, #tpu.memory_space<vmem_shared>>)
        tpu.yield
      }) : () -> ()
      %add3A_227 = arith.constant 4 : i32
      %add3A_228 = arith.addi %add3A_218, %add3A_227 : i32
      %lt3A_229 = arith.constant 128 : i32
      %lt3A_230 = arith.cmpi slt, %add3A_228, %lt3A_229 : i32
      %convert_element_type3A_231 = arith.extui %lt3A_230 : i1 to i32
      %cond3A_232 = arith.constant 0 : i32
      %cond3A_233 = arith.cmpi ne, %convert_element_type3A_231, %cond3A_232 : i32
      scf.if %cond3A_233 {
        %add3A_243 = arith.constant 4 : i32
        %add3A_244 = arith.addi %add3A_218, %add3A_243 : i32
        %dma_start3A_245 = arith.constant 0 : i32
        %dma_start3A_246 = arith.constant 0 : i32
        %dma_start3A_247 = tpu.memref_slice %arg3[%add3A, %add3A_244, %dma_start3A_245, %dma_start3A_246] : memref<32x128x2x80xi32, #tpu.memory_space<hbm>> -> memref<1x1x2x80xi32, #tpu.memory_space<hbm>>
        %dma_start3A_248 = tpu.memref_squeeze %dma_start3A_247 : memref<1x1x2x80xi32, #tpu.memory_space<hbm>> -> memref<2x80xi32, #tpu.memory_space<hbm>>
        %dma_start3A_249 = arith.constant 0 : i32
        %dma_start3A_250 = arith.constant 0 : i32
        %dma_start3A_251 = tpu.memref_slice %arg3[%add3A, %add3A_244, %dma_start3A_249, %dma_start3A_250] : memref<32x128x2x80xi32, #tpu.memory_space<hbm>> -> memref<1x1x2x80xi32, #tpu.memory_space<hbm>>
        %dma_start3A_252 = tpu.memref_squeeze %dma_start3A_251 : memref<1x1x2x80xi32, #tpu.memory_space<hbm>> -> memref<2x80xi32, #tpu.memory_space<hbm>>
        tpu.enqueue_dma source(%dma_start3A_252 : memref<2x80xi32, #tpu.memory_space<hbm>>) target(%arg8 : memref<2x80xi32, #tpu.memory_space<vmem>>) target_semaphore(%arg17 : memref<!tpu.dma_semaphore, #tpu.memory_space<semaphore_mem>>)
      } else {
      }
      %add3A_234 = arith.constant 4 : i32
      %add3A_235 = arith.addi %add3A_218, %add3A_234 : i32
      %sub3A_236 = arith.constant 1 : i32
      %sub3A_237 = arith.subi %add3A_235, %sub3A_236 : i32
      %lt3A_238 = arith.constant 128 : i32
      %lt3A_239 = arith.cmpi slt, %sub3A_237, %lt3A_238 : i32
      %convert_element_type3A_240 = arith.extui %lt3A_239 : i1 to i32
      %cond3A_241 = arith.constant 0 : i32
      %cond3A_242 = arith.cmpi ne, %convert_element_type3A_240, %cond3A_241 : i32
      scf.if %cond3A_242 {
        %add3A_243 = arith.constant 4 : i32
        %add3A_244 = arith.addi %add3A_218, %add3A_243 : i32
        %sub3A_245 = arith.constant 1 : i32
        %sub3A_246 = arith.subi %add3A_244, %sub3A_245 : i32
        %dma_wait3A_247 = arith.constant 0 : i32
        %dma_wait3A_248 = arith.constant 0 : i32
        %dma_wait3A_249 = tpu.memref_slice %arg3[%add3A, %sub3A_246, %dma_wait3A_247, %dma_wait3A_248] : memref<32x128x2x80xi32, #tpu.memory_space<hbm>> -> memref<1x1x2x80xi32, #tpu.memory_space<hbm>>
        %dma_wait3A_250 = tpu.memref_squeeze %dma_wait3A_249 : memref<1x1x2x80xi32, #tpu.memory_space<hbm>> -> memref<2x80xi32, #tpu.memory_space<hbm>>
        %dma_wait3A_251 = arith.constant 0 : i32
        %dma_wait3A_252 = arith.constant 0 : i32
        %dma_wait3A_253 = tpu.memref_slice %arg3[%add3A, %sub3A_246, %dma_wait3A_251, %dma_wait3A_252] : memref<32x128x2x80xi32, #tpu.memory_space<hbm>> -> memref<1x1x2x80xi32, #tpu.memory_space<hbm>>
        %dma_wait3A_254 = tpu.memref_squeeze %dma_wait3A_253 : memref<1x1x2x80xi32, #tpu.memory_space<hbm>> -> memref<2x80xi32, #tpu.memory_space<hbm>>
        tpu.wait_dma2 semaphore(%arg16 : memref<!tpu.dma_semaphore, #tpu.memory_space<semaphore_mem>>) src(%dma_wait3A_254 : memref<2x80xi32, #tpu.memory_space<hbm>>) dst(%arg7 : memref<2x80xi32, #tpu.memory_space<vmem>>)
        %dma_start3A_255 = arith.constant 0 : i32
        %dma_start3A_256 = arith.constant 0 : i32
        %dma_start3A_257 = tpu.memref_slice %arg7[%dma_start3A_255, %dma_start3A_256] : memref<2x80xi32, #tpu.memory_space<vmem>> -> memref<1x80xi32, #tpu.memory_space<vmem>>
        %dma_start3A_258 = tpu.memref_squeeze %dma_start3A_257 : memref<1x80xi32, #tpu.memory_space<vmem>> -> memref<80xi32, #tpu.memory_space<vmem>>
        %dma_start3A_259 = arith.constant 0 : i32
        %dma_start3A_260 = arith.constant 0 : i32
        %dma_start3A_261 = tpu.memref_slice %arg2[%dma_start3A_259, %dma_start3A_260] : memref<10000x128xf32, #tpu.memory_space<hbm>> -> memref<10000x128xf32, #tpu.memory_space<hbm>>
        tpu.enqueue_indirect_dma source(%dma_start3A_261 : memref<10000x128xf32, #tpu.memory_space<hbm>>) target(%arg11 : memref<80x128xf32, #tpu.memory_space<vmem>>) offsets(%dma_start3A_258 : memref<80xi32, #tpu.memory_space<vmem>>) semaphore(%arg20 : memref<!tpu.dma_semaphore, #tpu.memory_space<semaphore_mem>>)
      } else {
      }
    }
    %scan3A_125 = arith.constant 32 : i32
    %barrier3A_126 = arith.constant 0 : index
    tpu.barrier barrier_id(%barrier3A_126)
    %mul3A_127 = arith.constant 624 : i32
    %mul3A_128 = arith.muli %arg1, %mul3A_127 : i32
    %mul3A_129 = arith.constant 624 : i32
    %mul3A_130 = arith.muli %arg1, %mul3A_129 : i32
    "tpu.region"() ({
      %run_scoped3A = tpu.sem_alloc : memref<!tpu.dma_semaphore, #tpu.memory_space<semaphore_mem>>
      %dma_start3A_133 = arith.constant 0 : i32
      %dma_start3A_134 = tpu.memref_slice %arg4[%arg0, %mul3A_130, %dma_start3A_133] : memref<2x10000x128xf32, #tpu.memory_space<hbm>> -> memref<1x624x128xf32, #tpu.memory_space<hbm>>
      %dma_start3A_135 = tpu.memref_squeeze %dma_start3A_134 : memref<1x624x128xf32, #tpu.memory_space<hbm>> -> memref<624x128xf32, #tpu.memory_space<hbm>>
      %dma_start3A_136 = arith.constant 0 : i32
      %dma_start3A_137 = tpu.memref_slice %arg13[%mul3A_128, %dma_start3A_136] : memref<10016x128xf32, #tpu.memory_space<vmem_shared>> -> memref<624x128xf32, #tpu.memory_space<vmem_shared>>
      tpu.enqueue_dma source(%dma_start3A_137 : memref<624x128xf32, #tpu.memory_space<vmem_shared>>) target(%dma_start3A_135 : memref<624x128xf32, #tpu.memory_space<hbm>>) target_semaphore(%run_scoped3A : memref<!tpu.dma_semaphore, #tpu.memory_space<semaphore_mem>>)
      %dma_wait3A_138 = arith.constant 0 : i32
      %dma_wait3A_139 = tpu.memref_slice %arg4[%arg0, %mul3A_130, %dma_wait3A_138] : memref<2x10000x128xf32, #tpu.memory_space<hbm>> -> memref<1x624x128xf32, #tpu.memory_space<hbm>>
      %dma_wait3A_140 = tpu.memref_squeeze %dma_wait3A_139 : memref<1x624x128xf32, #tpu.memory_space<hbm>> -> memref<624x128xf32, #tpu.memory_space<hbm>>
      %dma_wait3A_141 = arith.constant 0 : i32
      %dma_wait3A_142 = tpu.memref_slice %arg13[%mul3A_128, %dma_wait3A_141] : memref<10016x128xf32, #tpu.memory_space<vmem_shared>> -> memref<624x128xf32, #tpu.memory_space<vmem_shared>>
      tpu.wait_dma2 semaphore(%run_scoped3A : memref<!tpu.dma_semaphore, #tpu.memory_space<semaphore_mem>>) src(%dma_wait3A_142 : memref<624x128xf32, #tpu.memory_space<vmem_shared>>) dst(%dma_wait3A_140 : memref<624x128xf32, #tpu.memory_space<hbm>>)
      tpu.yield
    }) : () -> ()
    %eq3A = arith.constant 0 : i32
    %eq3A_131 = arith.cmpi eq, %arg1, %eq3A : i32
    %convert_element_type3A = arith.extui %eq3A_131 : i1 to i32
    %cond3A = arith.constant 0 : i32
    %cond3A_132 = arith.cmpi ne, %convert_element_type3A, %cond3A : i32
    scf.if %cond3A_132 {
      "tpu.region"() ({
        %run_scoped3A = tpu.sem_alloc : memref<!tpu.dma_semaphore, #tpu.memory_space<semaphore_mem>>
        %dma_start3A_133 = arith.constant 9984 : i32
        %dma_start3A_134 = arith.constant 0 : i32
        %dma_start3A_135 = tpu.memref_slice %arg4[%arg0, %dma_start3A_133, %dma_start3A_134] : memref<2x10000x128xf32, #tpu.memory_space<hbm>> -> memref<1x16x128xf32, #tpu.memory_space<hbm>>
        %dma_start3A_136 = tpu.memref_squeeze %dma_start3A_135 : memref<1x16x128xf32, #tpu.memory_space<hbm>> -> memref<16x128xf32, #tpu.memory_space<hbm>>
        %dma_start3A_137 = arith.constant 9984 : i32
        %dma_start3A_138 = arith.constant 0 : i32
        %dma_start3A_139 = tpu.memref_slice %arg13[%dma_start3A_137, %dma_start3A_138] : memref<10016x128xf32, #tpu.memory_space<vmem_shared>> -> memref<16x128xf32, #tpu.memory_space<vmem_shared>>
        tpu.enqueue_dma source(%dma_start3A_139 : memref<16x128xf32, #tpu.memory_space<vmem_shared>>) target(%dma_start3A_136 : memref<16x128xf32, #tpu.memory_space<hbm>>) target_semaphore(%run_scoped3A : memref<!tpu.dma_semaphore, #tpu.memory_space<semaphore_mem>>)
        %dma_wait3A_140 = arith.constant 9984 : i32
        %dma_wait3A_141 = arith.constant 0 : i32
        %dma_wait3A_142 = tpu.memref_slice %arg4[%arg0, %dma_wait3A_140, %dma_wait3A_141] : memref<2x10000x128xf32, #tpu.memory_space<hbm>> -> memref<1x16x128xf32, #tpu.memory_space<hbm>>
        %dma_wait3A_143 = tpu.memref_squeeze %dma_wait3A_142 : memref<1x16x128xf32, #tpu.memory_space<hbm>> -> memref<16x128xf32, #tpu.memory_space<hbm>>
        %dma_wait3A_144 = arith.constant 9984 : i32
        %dma_wait3A_145 = arith.constant 0 : i32
        %dma_wait3A_146 = tpu.memref_slice %arg13[%dma_wait3A_144, %dma_wait3A_145] : memref<10016x128xf32, #tpu.memory_space<vmem_shared>> -> memref<16x128xf32, #tpu.memory_space<vmem_shared>>
        tpu.wait_dma2 semaphore(%run_scoped3A : memref<!tpu.dma_semaphore, #tpu.memory_space<semaphore_mem>>) src(%dma_wait3A_146 : memref<16x128xf32, #tpu.memory_space<vmem_shared>>) dst(%dma_wait3A_143 : memref<16x128xf32, #tpu.memory_space<hbm>>)
        tpu.yield
      }) : () -> ()
    } else {
    }
    return
  }
}

module attributes {stable_mosaic.version = 14 : i64} {
  func.func @_mlp_body(%arg0: i32, %arg1: memref<2000x128xf32, #tpu.memory_space<vmem>>, %arg2: memref<2x2000x128xf32, #tpu.memory_space<vmem>>, %arg3: memref<128x128xf32, #tpu.memory_space<vmem>>, %arg4: memref<1x128xf32, #tpu.memory_space<vmem>>, %arg5: memref<128x128xf32, #tpu.memory_space<vmem>>, %arg6: memref<1x128xf32, #tpu.memory_space<vmem>>, %arg7: memref<1xf32, #tpu.memory_space<smem>>, %arg8: memref<2000x128xf32, #tpu.memory_space<vmem>>) attributes {dimension_semantics = [#tpu.dimension_semantics<arbitrary>], iteration_bounds = array<i64: 5>, scalar_prefetch = 0 : i64, scratch_operands = 0 : i64, tpu.core_type = #tpu.core_type<tc>, window_params = [{transform_indices = @transform_0, window_bounds = array<i64: 2000, 128>}, {transform_indices = @transform_1, window_bounds = array<i64: 2, 2000, 128>}, {pipeline_mode = #tpu.pipeline_mode<synchronous>, transform_indices = @transform_2, window_bounds = array<i64: 128, 128>}, {pipeline_mode = #tpu.pipeline_mode<synchronous>, transform_indices = @transform_3, window_bounds = array<i64: 1, 128>}, {pipeline_mode = #tpu.pipeline_mode<synchronous>, transform_indices = @transform_4, window_bounds = array<i64: 128, 128>}, {pipeline_mode = #tpu.pipeline_mode<synchronous>, transform_indices = @transform_5, window_bounds = array<i64: 1, 128>}, {transform_indices = @transform_6, window_bounds = array<i64: 1>}, {transform_indices = @transform_7, window_bounds = array<i64: 2000, 128>}]} {
    %get3A = arith.constant 0 : index
    %get3A_0 = memref.load %arg7[%get3A] : memref<1xf32, #tpu.memory_space<smem>>
    %get3A_1 = arith.constant 0 : index
    %get3A_2 = arith.constant 0 : index
    %get3A_3 = vector.load %arg1[%get3A_1, %get3A_2] : memref<2000x128xf32, #tpu.memory_space<vmem>>, vector<2000x128xf32>
    %mul3A = vector.broadcast %get3A_0 : f32 to vector<2000x128xf32>
    %mul3A_4 = arith.mulf %mul3A, %get3A_3 : vector<2000x128xf32>
    %get3A_5 = arith.constant 0 : index
    %get3A_6 = arith.constant 0 : index
    %get3A_7 = arith.constant 0 : index
    %get3A_8 = vector.load %arg2[%get3A_5, %get3A_6, %get3A_7] : memref<2x2000x128xf32, #tpu.memory_space<vmem>>, vector<1x2000x128xf32>
    %get3A_9 = vector.shape_cast %get3A_8 : vector<1x2000x128xf32> to vector<2000x128xf32>
    %add3A = arith.addf %mul3A_4, %get3A_9 : vector<2000x128xf32>
    %get3A_10 = arith.constant 1 : index
    %get3A_11 = arith.constant 0 : index
    %get3A_12 = arith.constant 0 : index
    %get3A_13 = vector.load %arg2[%get3A_10, %get3A_11, %get3A_12] : memref<2x2000x128xf32, #tpu.memory_space<vmem>>, vector<1x2000x128xf32>
    %get3A_14 = vector.shape_cast %get3A_13 : vector<1x2000x128xf32> to vector<2000x128xf32>
    %add3A_15 = arith.addf %add3A, %get3A_14 : vector<2000x128xf32>
    %get3A_16 = arith.constant 0 : index
    %get3A_17 = arith.constant 0 : index
    %get3A_18 = vector.load %arg3[%get3A_16, %get3A_17] : memref<128x128xf32, #tpu.memory_space<vmem>>, vector<128x128xf32>
    %dot_general3A = arith.constant dense<0.000000e+00> : vector<2000x128xf32>
    %dot_general3A_19 = tpu.matmul %add3A_15, %get3A_18, %dot_general3A {dimension_numbers = #tpu.dot_dimension_numbers<[1], [0], [0], [1], [0, 0, 1, 1], [], []>, transpose_lhs_hint = false} : vector<2000x128xf32>, vector<128x128xf32>, vector<2000x128xf32> -> vector<2000x128xf32>
    %get3A_20 = arith.constant 0 : index
    %get3A_21 = arith.constant 0 : index
    %get3A_22 = vector.load %arg4[%get3A_20, %get3A_21] : memref<1x128xf32, #tpu.memory_space<vmem>>, vector<1x128xf32>
    %add3A_23 = vector.broadcast %get3A_22 : vector<1x128xf32> to vector<2000x128xf32>
    %add3A_24 = arith.addf %dot_general3A_19, %add3A_23 : vector<2000x128xf32>
    %max3A = arith.constant 0.000000e+00 : f32
    %max3A_25 = vector.broadcast %max3A : f32 to vector<2000x128xf32>
    %max3A_26 = arith.maximumf %add3A_24, %max3A_25 : vector<2000x128xf32>
    %get3A_27 = arith.constant 0 : index
    %get3A_28 = arith.constant 0 : index
    %get3A_29 = vector.load %arg5[%get3A_27, %get3A_28] : memref<128x128xf32, #tpu.memory_space<vmem>>, vector<128x128xf32>
    %dot_general3A_30 = arith.constant dense<0.000000e+00> : vector<2000x128xf32>
    %dot_general3A_31 = tpu.matmul %max3A_26, %get3A_29, %dot_general3A_30 {dimension_numbers = #tpu.dot_dimension_numbers<[1], [0], [0], [1], [0, 0, 1, 1], [], []>, transpose_lhs_hint = false} : vector<2000x128xf32>, vector<128x128xf32>, vector<2000x128xf32> -> vector<2000x128xf32>
    %get3A_32 = arith.constant 0 : index
    %get3A_33 = arith.constant 0 : index
    %get3A_34 = vector.load %arg6[%get3A_32, %get3A_33] : memref<1x128xf32, #tpu.memory_space<vmem>>, vector<1x128xf32>
    %add3A_35 = vector.broadcast %get3A_34 : vector<1x128xf32> to vector<2000x128xf32>
    %add3A_36 = arith.addf %dot_general3A_31, %add3A_35 : vector<2000x128xf32>
    %max3A_37 = arith.constant 0.000000e+00 : f32
    %max3A_38 = vector.broadcast %max3A_37 : f32 to vector<2000x128xf32>
    %max3A_39 = arith.maximumf %add3A_36, %max3A_38 : vector<2000x128xf32>
    %swap3A = arith.constant 0 : index
    %swap3A_40 = arith.constant 0 : index
    %swap3A_41 = vector.load %arg8[%swap3A, %swap3A_40] : memref<2000x128xf32, #tpu.memory_space<vmem>>, vector<2000x128xf32>
    tpu.vector_store %arg8[%swap3A, %swap3A_40], %max3A_39 {strides = array<i32>} : memref<2000x128xf32, #tpu.memory_space<vmem>>, vector<2000x128xf32>,
    return
  }
  func.func @transform_0(%arg0: i32) -> (i32, i32) {
    %c0_i32 = arith.constant 0 : i32
    %c0_i32_0 = arith.constant 0 : i32
    return %arg0, %c0_i32 : i32, i32
  }
  func.func @transform_1(%arg0: i32) -> (i32, i32, i32) {
    %c0_i32 = arith.constant 0 : i32
    %c0_i32_0 = arith.constant 0 : i32
    %c0_i32_1 = arith.constant 0 : i32
    return %c0_i32, %arg0, %c0_i32_0 : i32, i32, i32
  }
  func.func @transform_2(%arg0: i32) -> (i32, i32) {
    %c0_i32 = arith.constant 0 : i32
    %c0_i32_0 = arith.constant 0 : i32
    %c0_i32_1 = arith.constant 0 : i32
    return %c0_i32, %c0_i32_0 : i32, i32
  }
  func.func @transform_3(%arg0: i32) -> (i32, i32) {
    %c0_i32 = arith.constant 0 : i32
    %c0_i32_0 = arith.constant 0 : i32
    %c0_i32_1 = arith.constant 0 : i32
    return %c0_i32, %c0_i32_0 : i32, i32
  }
  func.func @transform_4(%arg0: i32) -> (i32, i32) {
    %c0_i32 = arith.constant 0 : i32
    %c0_i32_0 = arith.constant 0 : i32
    %c0_i32_1 = arith.constant 0 : i32
    return %c0_i32, %c0_i32_0 : i32, i32
  }
  func.func @transform_5(%arg0: i32) -> (i32, i32) {
    %c0_i32 = arith.constant 0 : i32
    %c0_i32_0 = arith.constant 0 : i32
    %c0_i32_1 = arith.constant 0 : i32
    return %c0_i32, %c0_i32_0 : i32, i32
  }
  func.func @transform_6(%arg0: i32) -> i32 {
    %c0_i32 = arith.constant 0 : i32
    %c0_i32_0 = arith.constant 0 : i32
    return %c0_i32 : i32
  }
  func.func @transform_7(%arg0: i32) -> (i32, i32) {
    %c0_i32 = arith.constant 0 : i32
    %c0_i32_0 = arith.constant 0 : i32
    return %arg0, %c0_i32 : i32, i32
  }
}

module attributes {stable_mosaic.version = 14 : i64} {
  func.func @_mlp_body(%arg0: i32, %arg1: memref<2000x128xf32, #tpu.memory_space<vmem>>, %arg2: memref<2x2000x128xf32, #tpu.memory_space<vmem>>, %arg3: memref<128x128xf32, #tpu.memory_space<vmem>>, %arg4: memref<1x128xf32, #tpu.memory_space<vmem>>, %arg5: memref<128x128xf32, #tpu.memory_space<vmem>>, %arg6: memref<1x128xf32, #tpu.memory_space<vmem>>, %arg7: memref<1xf32, #tpu.memory_space<smem>>, %arg8: memref<2000x128xf32, #tpu.memory_space<vmem>>) attributes {dimension_semantics = [#tpu.dimension_semantics<arbitrary>], iteration_bounds = array<i64: 5>, scalar_prefetch = 0 : i64, scratch_operands = 0 : i64, tpu.core_type = #tpu.core_type<tc>, window_params = [{transform_indices = @transform_0, window_bounds = array<i64: 2000, 128>}, {transform_indices = @transform_1, window_bounds = array<i64: 2, 2000, 128>}, {pipeline_mode = #tpu.pipeline_mode<synchronous>, transform_indices = @transform_2, window_bounds = array<i64: 128, 128>}, {pipeline_mode = #tpu.pipeline_mode<synchronous>, transform_indices = @transform_3, window_bounds = array<i64: 1, 128>}, {pipeline_mode = #tpu.pipeline_mode<synchronous>, transform_indices = @transform_4, window_bounds = array<i64: 128, 128>}, {pipeline_mode = #tpu.pipeline_mode<synchronous>, transform_indices = @transform_5, window_bounds = array<i64: 1, 128>}, {transform_indices = @transform_6, window_bounds = array<i64: 1>}, {transform_indices = @transform_7, window_bounds = array<i64: 2000, 128>}]} {
    %get3A = arith.constant 0 : index
    %get3A_0 = memref.load %arg7[%get3A] : memref<1xf32, #tpu.memory_space<smem>>
    %get3A_1 = arith.constant 0 : index
    %get3A_2 = arith.constant 0 : index
    %get3A_3 = vector.load %arg1[%get3A_1, %get3A_2] : memref<2000x128xf32, #tpu.memory_space<vmem>>, vector<2000x128xf32>
    %mul3A = vector.broadcast %get3A_0 : f32 to vector<2000x128xf32>
    %mul3A_4 = arith.mulf %mul3A, %get3A_3 : vector<2000x128xf32>
    %get3A_5 = arith.constant 0 : index
    %get3A_6 = arith.constant 0 : index
    %get3A_7 = arith.constant 0 : index
    %get3A_8 = vector.load %arg2[%get3A_5, %get3A_6, %get3A_7] : memref<2x2000x128xf32, #tpu.memory_space<vmem>>, vector<1x2000x128xf32>
    %get3A_9 = vector.shape_cast %get3A_8 : vector<1x2000x128xf32> to vector<2000x128xf32>
    %add3A = arith.addf %mul3A_4, %get3A_9 : vector<2000x128xf32>
    %get3A_10 = arith.constant 1 : index
    %get3A_11 = arith.constant 0 : index
    %get3A_12 = arith.constant 0 : index
    %get3A_13 = vector.load %arg2[%get3A_10, %get3A_11, %get3A_12] : memref<2x2000x128xf32, #tpu.memory_space<vmem>>, vector<1x2000x128xf32>
    %get3A_14 = vector.shape_cast %get3A_13 : vector<1x2000x128xf32> to vector<2000x128xf32>
    %add3A_15 = arith.addf %add3A, %get3A_14 : vector<2000x128xf32>
    %get3A_16 = arith.constant 0 : index
    %get3A_17 = arith.constant 0 : index
    %get3A_18 = vector.load %arg3[%get3A_16, %get3A_17] : memref<128x128xf32, #tpu.memory_space<vmem>>, vector<128x128xf32>
    %dot_general3A = arith.constant dense<0.000000e+00> : vector<2000x128xf32>
    %dot_general3A_19 = tpu.matmul %add3A_15, %get3A_18, %dot_general3A {dimension_numbers = #tpu.dot_dimension_numbers<[1], [0], [0], [1], [0, 0, 1, 1], [], []>, transpose_lhs_hint = false} : vector<2000x128xf32>, vector<128x128xf32>, vector<2000x128xf32> -> vector<2000x128xf32>
    %get3A_20 = arith.constant 0 : index
    %get3A_21 = arith.constant 0 : index
    %get3A_22 = vector.load %arg4[%get3A_20, %get3A_21] : memref<1x128xf32, #tpu.memory_space<vmem>>, vector<1x128xf32>
    %add3A_23 = vector.broadcast %get3A_22 : vector<1x128xf32> to vector<2000x128xf32>
    %add3A_24 = arith.addf %dot_general3A_19, %add3A_23 : vector<2000x128xf32>
    %max3A = arith.constant 0.000000e+00 : f32
    %max3A_25 = vector.broadcast %max3A : f32 to vector<2000x128xf32>
    %max3A_26 = arith.maximumf %add3A_24, %max3A_25 : vector<2000x128xf32>
    %get3A_27 = arith.constant 0 : index
    %get3A_28 = arith.constant 0 : index
    %get3A_29 = vector.load %arg5[%get3A_27, %get3A_28] : memref<128x128xf32, #tpu.memory_space<vmem>>, vector<128x128xf32>
    %dot_general3A_30 = arith.constant dense<0.000000e+00> : vector<2000x128xf32>
    %dot_general3A_31 = tpu.matmul %max3A_26, %get3A_29, %dot_general3A_30 {dimension_numbers = #tpu.dot_dimension_numbers<[1], [0], [0], [1], [0, 0, 1, 1], [], []>, transpose_lhs_hint = false} : vector<2000x128xf32>, vector<128x128xf32>, vector<2000x128xf32> -> vector<2000x128xf32>
    %get3A_32 = arith.constant 0 : index
    %get3A_33 = arith.constant 0 : index
    %get3A_34 = vector.load %arg6[%get3A_32, %get3A_33] : memref<1x128xf32, #tpu.memory_space<vmem>>, vector<1x128xf32>
    %add3A_35 = vector.broadcast %get3A_34 : vector<1x128xf32> to vector<2000x128xf32>
    %add3A_36 = arith.addf %dot_general3A_31, %add3A_35 : vector<2000x128xf32>
    %swap3A = arith.constant 0 : index
    %swap3A_37 = arith.constant 0 : index
    %swap3A_38 = vector.load %arg8[%swap3A, %swap3A_37] : memref<2000x128xf32, #tpu.memory_space<vmem>>, vector<2000x128xf32>
    tpu.vector_store %arg8[%swap3A, %swap3A_37], %add3A_36 {strides = array<i32>} : memref<2000x128xf32, #tpu.memory_space<vmem>>, vector<2000x128xf32>,
    return
  }
  func.func @transform_0(%arg0: i32) -> (i32, i32) {
    %c0_i32 = arith.constant 0 : i32
    %c0_i32_0 = arith.constant 0 : i32
    return %arg0, %c0_i32 : i32, i32
  }
  func.func @transform_1(%arg0: i32) -> (i32, i32, i32) {
    %c0_i32 = arith.constant 0 : i32
    %c0_i32_0 = arith.constant 0 : i32
    %c0_i32_1 = arith.constant 0 : i32
    return %c0_i32, %arg0, %c0_i32_0 : i32, i32, i32
  }
  func.func @transform_2(%arg0: i32) -> (i32, i32) {
    %c0_i32 = arith.constant 0 : i32
    %c0_i32_0 = arith.constant 0 : i32
    %c0_i32_1 = arith.constant 0 : i32
    return %c0_i32, %c0_i32_0 : i32, i32
  }
  func.func @transform_3(%arg0: i32) -> (i32, i32) {
    %c0_i32 = arith.constant 0 : i32
    %c0_i32_0 = arith.constant 0 : i32
    %c0_i32_1 = arith.constant 0 : i32
    return %c0_i32, %c0_i32_0 : i32, i32
  }
  func.func @transform_4(%arg0: i32) -> (i32, i32) {
    %c0_i32 = arith.constant 0 : i32
    %c0_i32_0 = arith.constant 0 : i32
    %c0_i32_1 = arith.constant 0 : i32
    return %c0_i32, %c0_i32_0 : i32, i32
  }
  func.func @transform_5(%arg0: i32) -> (i32, i32) {
    %c0_i32 = arith.constant 0 : i32
    %c0_i32_0 = arith.constant 0 : i32
    %c0_i32_1 = arith.constant 0 : i32
    return %c0_i32, %c0_i32_0 : i32, i32
  }
  func.func @transform_6(%arg0: i32) -> i32 {
    %c0_i32 = arith.constant 0 : i32
    %c0_i32_0 = arith.constant 0 : i32
    return %c0_i32 : i32
  }
  func.func @transform_7(%arg0: i32) -> (i32, i32) {
    %c0_i32 = arith.constant 0 : i32
    %c0_i32_0 = arith.constant 0 : i32
    return %arg0, %c0_i32 : i32, i32
  }
}

</mosaic_0001>

<sc_bundles>
// kernel: kernel.6.cloned.1.call-start
scs
__scs_entry_jumppad:
0x0: {  	(pc) =	sbr.rel $0x88, $3  }
0x1: {  	(tag) =	ssettag $0x0;
	lr =	simm.s32 $0x1  }
0x2: {  	[smem:$0x3F95] =	sst lr;
	_ =	strace $0xD0000000  }
0x3: {  	_ = 	snop  }
0x4: {  	_ = 	snop  }
0x5: {  	_ = 	snop  }
0x6: {  	_ = 	snop  }
0x7: {  	_ = 	snop  }
__scs_overlays_trampoline_lowered:
0x8: {  	[smem:$0x3FA4] =	sst s0  }
0x9: {  	[smem:$0x3FA5] =	sst s1  }
0xa: {  	[smem:$0x3FA6] =	sst s2  }
0xb: {  	[smem:$0x3FA7] =	sst s3  }
0xc: {  	[smem:$0x3FA8] =	sst s4  }
0xd: {  	[smem:$0x3FA9] =	sst s5  }
0xe: {  	[smem:$0x3FAA] =	sst s6  }
0xf: {  	[smem:$0x3FAB] =	sst s7  }
0x10: {  	[smem:$0x3FAC] =	sst s8  }
0x11: {  	[smem:$0x3FAD] =	sst s9;
	s0 =	simm.s32 @!p0 $0x0  }
0x12: {  	s1 =	sld [smem:$0x3F93];
	s0 =	simm.s32 @p0 $0x1  }
0x13: {  	[smem:$0x3FAE] =	sst s0;
	s0 =	simm.s32 @!p1 $0x0  }
0x14: {  	s2 =	sld [smem:$0x3F92];
	s0 =	simm.s32 @p1 $0x1  }
0x15: {  	[smem:$0x3FAF] =	sst s0;
	s0 =	simm.s32 @!p2 $0x0  }
0x16: {  	s3 =	sld [smem:$0x3FDB];
	s0 =	simm.s32 @p2 $0x1  }
0x17: {  	s4 =	simm.s32 $0x1BF5;
	[smem:$0x3FB1] =	sst s0  }
0x18: {  	s0 =	sld [smem:$0x3F94];
	_ =	swait.ge [sflag:s4], $0x0  }
0x19: {  	s7 =	sld [smem:$0x3F95]  }
0x1a: {  	s8 =	sadd.s32 $0xFFFFE003, lr  }
0x1b: {  	s9 =	sadd.s32 $0xFFFFFEF7, lr;
	s5 =	simm.s32 $0xFFFFFFFF;
	p2 =	slt.u32 s8, $0xFFFFF086  }
0x1c: {  	p1 =	slt.u32 s9, $0xF7A;
	s5 =	simm.s32 @!p2 $0x0  }
0x1d: {  	s5 =	simm.s32 @p1 $0x1;
	p0 =	seq.s32 s7, s2  }
0x1e: {  	s7 =	smul.u32 @!p0 $0xF7A, s2;
	p2 =	seq.s32 @!p0 s5, $0x0  }
0x1f: {  	s9 =	smul.u32 $0xF7A, s1;
	s8 =	simm.s32 @!p0 $0x1BF5;
	p2 =	por !p2, p0  }
0x20: {  	[sflag:s8] =	ssyncset.s32 @!p0 $0xFFFFF086;
	s6 =	sadd.s32 @!p0 s3, s7;
	s7 =	simm.s32 @!p0 $0x108  }
0x21: {  	s3 =	sadd.s32 s3, s9;
	s6 =	sadd.s32 @!p0 $0x88, s6;
	s7 =	simm.s32 @p2 $0x1082  }
0x22: {  	[simem:s7], [sflag:s8] =	dma.local @!p0 [hbm:s6], $0xF7A  }
0x23: {  	s9 =	sor.u32 $0xD0000000, s2;
	s6 =	simm.s32 $0x108;
	_ =	swait.ge @!p0 [sflag:s8], $0x0  }
0x24: {  	s3 =	sadd.s32 $0x88, s3;
	s6 =	simm.s32 @!p1 $0x1082;
	[sflag:s4] =	ssyncset.s32 $0xFFFFF086  }
0x25: {  	[simem:s6], [sflag:s4] =	dma.local [hbm:s3], $0xF7A  }
0x26: {  	[smem:$0x3F95] =	sst s1;
	(tag) =	ssettag s2;
	_ =	strace s9  }
0x27: {  	s1 =	sld [smem:$0x3FA5]  }
0x28: {  	s2 =	sld [smem:$0x3FA6]  }
0x29: {  	s4 =	sld [smem:$0x3FA8]  }
0x2a: {  	p0 =	seq.s32 s5, $0x0;
	s5 =	sld [smem:$0x3FA9]  }
0x2b: {  	s6 =	sld [smem:$0x3FAA]  }
0x2c: {  	s7 =	sld [smem:$0x3FAB]  }
0x2d: {  	s3 =	simm.s32 $0x108;
	s8 =	sld [smem:$0x3FAC]  }
0x2e: {  	s3 =	simm.s32 @!p0 $0x1082;
	s9 =	sld [smem:$0x3FAD]  }
0x2f: {  	lr =	sadd.s32 s0, s3;
	s0 =	sld [smem:$0x3FA4]  }
0x30: {  	s3 =	sld [smem:$0x3FA7]  }
0x31: {  	[smem:$0x3FB0] =	sst s10  }
0x32: {  	s10 =	sld [smem:$0x3FAE];
	_ =	sdelay $0x3  }
0x33: {  	p0 =	seq.s32 s10, $0x1;
	s10 =	sld [smem:$0x3FB0];
	_ =	sdelay $0x3  }
0x34: {  	[smem:$0x3FB0] =	sst s10  }
0x35: {  	s10 =	sld [smem:$0x3FAF];
	_ =	sdelay $0x3  }
0x36: {  	p1 =	seq.s32 s10, $0x1;
	s10 =	sld [smem:$0x3FB0];
	_ =	sdelay $0x3  }
0x37: {  	[smem:$0x3FB0] =	sst s10  }
0x38: {  	s10 =	sld [smem:$0x3FB1]  }
0x39: {  	_ = 	snop;
	(pc) =	sbr.ind lr, $3  }
0x3a: {  	_ = 	snop  }
0x3b: {  	_ = 	snop  }
0x3c: {  	p2 =	seq.s32 s10, $0x1;
	s10 =	sld [smem:$0x3FB0]  }
0x3d: {  	_ =	shalt  }
0x3e: {  	_ =	shalt  }
0x3f: {  	_ =	shalt  }
0x40: {  	_ =	shalt  }
0x41: {  	_ =	shalt  }
0x42: {  	_ =	shalt  }
0x43: {  	_ =	shalt  }
0x44: {  	_ =	shalt  }
0x45: {  	_ =	shalt  }
0x46: {  	_ =	shalt  }
0x47: {  	_ =	shalt  }
0x48: {  	_ =	shalt  }
0x49: {  	_ =	shalt  }
0x4a: {  	_ =	shalt  }
0x4b: {  	_ =	shalt  }
0x4c: {  	_ =	shalt  }
0x4d: {  	_ =	shalt  }
0x4e: {  	_ =	shalt  }
0x4f: {  	_ =	shalt  }
0x50: {  	_ =	shalt  }
0x51: {  	_ =	shalt  }
0x52: {  	_ =	shalt  }
0x53: {  	_ =	shalt  }
0x54: {  	_ =	shalt  }
0x55: {  	_ =	shalt  }
0x56: {  	_ =	shalt  }
0x57: {  	_ =	shalt  }
0x58: {  	_ =	shalt  }
0x59: {  	_ =	shalt  }
0x5a: {  	_ =	shalt  }
0x5b: {  	_ =	shalt  }
0x5c: {  	_ =	shalt  }
0x5d: {  	_ =	shalt  }
0x5e: {  	_ =	shalt  }
0x5f: {  	_ =	shalt  }
0x60: {  	_ =	shalt  }
0x61: {  	_ =	shalt  }
0x62: {  	_ =	shalt  }
0x63: {  	_ =	shalt  }
0x64: {  	_ =	shalt  }
0x65: {  	_ =	shalt  }
0x66: {  	_ =	shalt  }
0x67: {  	_ =	shalt  }
0x68: {  	_ =	shalt  }
0x69: {  	_ =	shalt  }
0x6a: {  	_ =	shalt  }
0x6b: {  	_ =	shalt  }
0x6c: {  	_ =	shalt  }
0x6d: {  	_ =	shalt  }
0x6e: {  	_ =	shalt  }
0x6f: {  	_ =	shalt  }
0x70: {  	_ =	shalt  }
0x71: {  	_ =	shalt  }
0x72: {  	_ =	shalt  }
0x73: {  	_ =	shalt  }
0x74: {  	_ =	shalt  }
0x75: {  	_ =	shalt  }
0x76: {  	_ =	shalt  }
0x77: {  	_ =	shalt  }
0x78: {  	_ =	shalt  }
0x79: {  	_ =	shalt  }
0x7a: {  	_ =	shalt  }
0x7b: {  	_ =	shalt  }
0x7c: {  	_ =	shalt  }
0x7d: {  	_ =	shalt  }
0x7e: {  	_ =	shalt  }
0x7f: {  	_ =	shalt  }
0x80: {  	_ =	shalt  }
0x81: {  	_ =	shalt  }
0x82: {  	_ =	shalt  }
0x83: {  	_ =	shalt  }
0x84: {  	_ =	shalt  }
0x85: {  	_ =	shalt  }
0x86: {  	_ =	shalt  }
0x87: {  	_ =	shalt  }
.Lfunc_end0:
.L_simem_size_0:
called_computation_lowered:
.L_overlay_start_0:
0x88: {  	s2 =	sld [smem:$0x3FD9]  }
0x89: {  	s3 =	sld [smem:$0x3FFE];
	_ =	sdelay $0x1  }
0x8a: {  	s1 =	srdreg.scid  }
0x8b: {  	s0 =	sand.u32 $0x1, s1  }
0x8c: {  	s17 =	sshll.u32 s0, $0xA;
	s2 =	sadd.s32 s3, s2  }
0x8d: {  	s2 =	sadd.s32 s2, s17  }
0x8e: {  	[smem:$0x3FBC] =	sst s2  }
0x8f: {  	_ = 	snop  }
0x90: {  	s2 =	sld [smem:$0x3FC9];
	(tm) =	ssettm $0x1  }
0x91: {  	s18 =	sld [smem:$0x3FFB];
	_ =	sdelay $0x3  }
0x92: {  	_ =	strace s18  }
0x93: {  	s3 =	sld [smem:$0x3FFC];
	_ =	sdelay $0x3  }
0x94: {  	_ =	strace s3  }
0x95: {  	s3 =	sld [smem:$0x3FFD];
	_ =	sdelay $0x3  }
0x96: {  	_ =	strace s3  }
0x97: {  	_ =	strace $0x8FFFFFFF  }
0x98: {  	s19 =	sld [smem:$0x3FDB];
	_ =	sdelay $0x1  }
0x99: {  	s4 =	simm.s32 $_scs_section_size  }
0x9a: {  	s5 =	simm.s32 $_size__tile_overlayer_lowered;
	s6 =	simm.s32 $_tile_overlayer_lowered  }
0x9b: {  	s22 =	simm.s32 $0x1BFF;
	s21 =	sshll.u32 s6, $0x1;
	s3 =	sadd.s32 s4, s19  }
0x9c: {  	s7 =	simm.s32 $0x0;
	s20 =	sshll.u32 s5, $0x1;
	s5 =	sadd.s32 s21, s3  }
0x9d: {  	[timem:s7], [sflag:s22] =	dma.local [hbm:s5], s20  }
0x9e: {  	_ =	swait.ge [sflag:s22], s20  }
0x9f: {  	s4 =	ssub.s32 $0x0, s20;
	[sflag:s22] =	ssyncset.done $0x0  }
0xa0: {  	[sflag:s22] =	ssyncadd.s32 s4;
	_ =	sdelay $0x1  }
0xa1: {  	s23 =	simm.s32 $0x1B8B  }
0xa2: {  	_ =	swait.ge [sflag:s23], $0x1  }
0xa3: {  	[sflag:s23] =	ssyncset.done $0x0  }
0xa4: {  	s25 =	simm.s32 $0x1B8E;
	s24 =	sld [smem:$0x3FFE];
	[sflag:s23] =	ssyncadd.s32 $0xFFFFFFFF  }
0xa5: {  	s26 =	simm.s32 $execute0_lowered;
	[smem:$0x3FD2] =	sst s25  }
0xa6: {  	s5 =	sshll.u32 s26, $0x1;
	_ =	strace $0x80000046;
	[dreg:$0x1] =	wrdreg $0xFFFFFFFF  }
0xa7: {  	s28 =	simm.s32 $_size_execute0_lowered;
	s3 =	sadd.s32 s3, s5;
	[dreg:$0x0] =	wrdreg $0x0  }
0xa8: {  	s5 =	sshll.u32 s28, $0x1;
	[dreg:$0x2] =	wrdreg s3  }
0xa9: {  	[dreg:$0x3] =	wrdreg s5  }
0xaa: {  	[dreg:$0x4] =	wrdreg $0xC0  }
0xab: {  	_ =	task [dreg:s7], $0x5FFFF  }
0xac: {  	[dreg:$0x1] =	wrdreg $0xFFFFFFFF  }
0xad: {  	[dreg:$0x0] =	wrdreg $0x60  }
0xae: {  	[dreg:$0x2] =	wrdreg s2  }
0xaf: {  	[dreg:$0x3] =	wrdreg s24  }
0xb0: {  	[dreg:$0x4] =	wrdreg $0xA4000  }
0xb1: {  	[dreg:$0x5] =	wrdreg $0x9  }
0xb2: {  	_ =	task.clear_ibuf [dreg:s7], $0x6FFFF;
	_ =	strace $0x90000046  }
0xb3: {  	s29 =	simm.s32 $0x9;
	_ =	strace $0x80000048  }
0xb4: {  	_ =	swait.ge [sflag:s29], $0x1  }
0xb5: {  	[sflag:s29] =	ssyncadd.s32 $0xFFFFFFFF  }
0xb6: {  	_ =	strace $0x90000048  }
0xb7: {  	_ =	sfence  }
0xb8: {  	s30 =	sld [smem:$0x0];
	_ =	sdelay $0x2  }
0xb9: {  	s31 =	sshll.u32 s1, $0xD;
	s1 =	sshrl.u32 s1, $0x2  }
0xba: {  	s3 =	sand.u32 $0x4000, s31;
	s1 =	sadd.s32 s1, s30  }
0xbb: {  	s0 =	sor.u32 s3, s0;
	s1 =	sshll.u32 s1, $0x11  }
0xbc: {  	s0 =	sor.u32 s1, s0  }
0xbd: {  	s0 =	sadd.s32 $0x8F2B, s0  }
0xbe: {  	[sflag:s0] =	ssyncadd.remote.s32 $0x1  }
0xbf: {  	_ =	sfence.sel $0xFFFF  }
0xc0: {  	[dreg:$0x0] =	wrdreg $0xFFFFFFFF;
	(pc) =	sbr.abs _section_cstart, $3  }
0xc1: {  	[dreg:$0x1] =	wrdreg $0xFFFFFFFF  }
0xc2: {  	_ =	task.clear_ibuf [dreg:s7], $0x2FFFF;
	_ =	strace $0x9FFFFFFF  }
0xc3: {  	(tm) =	ssettm $0x7FFFFFFF  }
tec
execute0_lowered:
.L_overlay_start_1:
0x0: {  	(tag) =	ssettag $0x1  }
0x1: {  	s1 =	rddreg [dreg:$0x0]  }
0x2: {  	s0 =	rddreg [dreg:$0x1]  }
0x3: {  	s2 =	rddreg [dreg:$0x2]  }
0x4: {  	s3 =	simm.s32 $0x0;
	s4 =	srdreg.scid;
	s11 =	stileid.u32  }
0x5: {  	s28 =	simm.s32 $0x9;
	s30 =	simm.s32 $0x200;
	s31 =	simm.s32 $0x300  }
0x6: {  	[smem:$0x7FF] =	sst s3;
	s4 =	sand.u32 $0x1, s4;
	s5 =	smul.u32 $0x4E400, s11  }
0x7: {  	s7 =	sadd.s32 $0x2200, s0;
	s0 =	sadd.s32 $0x22200, s0;
	s12 =	smul.u32 $0x13800, s11  }
0x8: {  	s29 =	sshll.u32 s11, $0x10;
	s17 =	smul.u32 $0x4E000, s11;
	p0 =	sne.s32 s11, $0x0  }
0x9: {  	s11 =	simm.s32 $0x80;
	_ =	strace $0x80000047;
	s6 =	ssub.s32 $0x2, s4  }
0xa: {  	s9 =	sshll.u32 s4, $0xF;
	s4 =	smul.u32 $0x138800, s4;
	s8 =	sshrl.u32 s6, $0x1  }
0xb: {  	s5 =	sshrl.u32 s5, $0x2;
	s19 =	sshrl.u32 s17, $0x2;
	s17 =	simm.s32 $0x8  }
0xc: {  	s6 =	ssub.s32 s6, s8;
	s5 =	sadd.s32 s5, s2;
	s8 =	sor.u32 s9, s29  }
0xd: {  	s9 =	sadd.s32 s12, s4;
	s24 =	sadd.s32 $0x2800, s5;
	[dreg:$0x4] =	wrdreg s5  }
0xe: {  	s4 =	sshrl.u32 s4, $0x3;
	s25 =	sadd.s32 $0x5000, s5;
	[dreg:$0x5] =	wrdreg s24  }
0xf: {  	s26 =	sadd.s32 $0x7800, s5;
	s10 =	sadd.s32 $0xA000, s5;
	[dreg:$0x6] =	wrdreg s25  }
0x10: {  	s13 =	sadd.s32 $0xC800, s5;
	s14 =	sadd.s32 $0xF000, s5;
	[dreg:$0x7] =	wrdreg s26  }
0x11: {  	s15 =	sshrl.u32 s8, $0x3;
	s5 =	sadd.s32 $0x11800, s5;
	[dreg:$0x8] =	wrdreg s10  }
0x12: {  	s9 =	sshrl.u32 s9, $0x3;
	s20 =	sor.u32 $0x700, s8;
	[dreg:$0x9] =	wrdreg s13  }
0x13: {  	s22 =	sor.u32 $0x600, s8;
	s23 =	sor.u32 $0x500, s8;
	[dreg:$0xa] =	wrdreg s14  }
0x14: {  	s8 =	sor.u32 $0x400, s8;
	[dreg:$0xb] =	wrdreg s5;
	s16 =	sadd.s32 s7, s15  }
0x15: {  	s18 =	sadd.s32 s0, s9;
	s9 =	sadd.s32 s19, s2;
	s0 =	sadd.s32 s0, s4  }
0x16: {  	s21 =	sshrl.u32 s20, $0x3;
	s24 =	sshrl.u32 s23, $0x3;
	s25 =	sshrl.u32 s8, $0x3  }
0x17: {  	s26 =	smax.u32 s6, $0x1;
	s4 =	simm.s32 $0x50;
	s6 =	simm.s32 $0x2  }
0x18: {  	s8 =	simm.s32 $0x3;
	s14 =	simm.s32 $0x7C00;
	s15 =	simm.s32 $0x6  }
0x19: {  	s13 =	simm.s32 $0x0;
	s10 =	sadd.s32 $0x20, s16;
	[dreg:$0xc] =	wrdreg s16  }
0x1a: {  	s12 =	sadd.s32 $0x40, s16;
	s5 =	sadd.s32 $0x60, s16;
	[dreg:$0x10] =	wrdreg s18  }
0x1b: {  	s0 =	sadd.s32 $0x27000, s0;
	s19 =	sadd.s32 s21, s7;
	[dreg:$0x12] =	wrdreg s26  }
0x1c: {  	s21 =	sadd.s32 s24, s7;
	s29 =	sshrl.u32 s9, $0x3;
	[dreg:$0xd] =	wrdreg s10  }
0x1d: {  	s26 =	simm.s32 $0x400;
	s9 =	simm.s32 $0x5400;
	[dreg:$0xe] =	wrdreg s12  }
.Ltmp0:
0x1e: {  	s16 =	simm.s32 $0x180;
	[dreg:$0xf] =	wrdreg s5;
	(pc) =	sbr.rel .LBB2_1-.Ltmp0, $4  }
0x1f: {  	s18 =	simm.s32 $0x380;
	[dreg:$0x11] =	wrdreg s0;
	s0 =	sshrl.u32 s22, $0x3  }
0x20: {  	s22 =	sadd.s32 s25, s7;
	s20 =	sadd.s32 s0, s7;
	s0 =	sadd.s32 $0x138000, s2  }
0x21: {  	[dreg:$0x13] =	wrdreg s29;
	s10 =	simm.s32 $0x5;
	s0 =	sshrl.u32 @!p0 s0, $0x3  }
0x22: {  	v0 =	vimm.f32 $0.0e+00;
	s12 =	simm.s32 $0x4;
	s7 =	simm.s32 $0x2C00;
	[dreg:$0x14] =	wrdreg s0  }
.LBB2_6:
0x23: {  	s0 =	stileid.u32;
	[bflag:$0x0] =	sbarrier.arrive $0xFFFF  }
0x24: {  	s0 =	sshll.u32 s0, $0x6;
	s5 =	rddreg [dreg:$0x10]  }
0x25: {  	s23 =	rddreg [dreg:$0x13];
	s0 =	sor.u32 $0x1C09, s0  }
0x26: {  	[hbm:s5], [sflag:s0] =	dma.local [spmem:s23], $0x2700  }
0x27: {  	_ =	swait.ge [sflag:s28], $0x2700  }
0x28: {  	[sflag:s28] =	ssyncset.done $0x0;
	s5 =	rddreg [dreg:$0x11]  }
0x29: {  	s23 =	rddreg [dreg:$0x14];
	[sflag:s28] =	ssyncadd.s32 $0xFFFFD900  }
0x2a: {  	[hbm:s5], [sflag:s0] =	dma.local @!p0 [spmem:s23], $0x100  }
0x2b: {  	s0 =	simm.s32 @!p0 $0x9  }
0x2c: {  	_ =	swait.ge @!p0 [sflag:s0], $0x100  }
0x2d: {  	s13 =	sadd.s32 $0x1, s13;
	s29 =	rddreg [dreg:$0x12]  }
0x2e: {  	p1 =	sne.s32 s13, s29  }
.Ltmp1:
0x2f: {  	_ = 	snop;
	(pc) =	sbr.rel @!p1 .LBB2_7-.Ltmp1, $3  }
0x30: {  	_ =	sdelay $0x1  }
0x31: {  	[sflag:s0] =	ssyncset.done @!p0 $0x0  }
0x32: {  	[sflag:s0] =	ssyncadd.s32 @!p0 $0xFFFFFF00  }
.LBB2_1:
0x33: {  	s23 =	simm.s32 $0x440  }
0x34: {  	[tilespmem:s23+$0xFFFFFFC0] =	vst v0  }
0x35: {  	[tilespmem:s23+$0x30] =	vst v0  }
0x36: {  	[tilespmem:s23+$0x20] =	vst v0  }
0x37: {  	[tilespmem:s23+$0x10] =	vst v0  }
0x38: {  	[tilespmem:s23+$0x0] =	vst v0  }
0x39: {  	[tilespmem:s23+$0xFFFFFFF0] =	vst v0  }
0x3a: {  	s24 =	simm.s32 $0x0;
	[tilespmem:s23+$0xFFFFFFE0] =	vst v0  }
.LBB2_2:
0x3b: {  	s24 =	sadd.s32 $0x8, s24;
	[tilespmem:s23+$0xFFFFFFD0] =	vst v0;
	s23 =	sadd.s32 $0x80, s23  }
0x3c: {  	[tilespmem:s23+$0xFFFFFFC0] =	vst v0;
	p1 =	slt.u32 s24, $0x278  }
0x3d: {  	[tilespmem:s23+$0x30] =	vst v0  }
.Ltmp2:
0x3e: {  	[tilespmem:s23+$0x20] =	vst v0;
	(pc) =	sbr.rel @p1 .LBB2_2-.Ltmp2, $4  }
0x3f: {  	[tilespmem:s23+$0x10] =	vst v0  }
0x40: {  	[tilespmem:s23+$0x0] =	vst v0  }
0x41: {  	[tilespmem:s23+$0xFFFFFFF0] =	vst v0  }
0x42: {  	[tilespmem:s23+$0xFFFFFFE0] =	vst v0  }
0x43: {  	[tilespmem:s23+$0xFFFFFFD0] =	vst v0;
	s0 =	rddreg [dreg:$0x4]  }
0x44: {  	[spmem:s0] =	stream.linear.scatter [tilespmem:s26], [sflag:$0x9], $0x2800, $0x38;
	[tilespmem:$0x1DD00] =	vst v63  }
0x45: {  	_ =	swait.ge [sflag:s28], $0x2800  }
0x46: {  	[sflag:s28] =	ssyncset.done $0x0  }
0x47: {  	s23 =	rddreg [dreg:$0x5];
	[sflag:s28] =	ssyncadd.s32 $0xFFFFD800  }
0x48: {  	[spmem:s23] =	stream.linear.scatter [tilespmem:s26], [sflag:$0x9], $0x2800, $0x38;
	[tilespmem:$0x1DD00] =	vst v63  }
0x49: {  	_ =	swait.ge [sflag:s28], $0x2800  }
0x4a: {  	[sflag:s28] =	ssyncset.done $0x0  }
0x4b: {  	s24 =	rddreg [dreg:$0x6];
	[sflag:s28] =	ssyncadd.s32 $0xFFFFD800  }
0x4c: {  	[spmem:s24] =	stream.linear.scatter [tilespmem:s26], [sflag:$0x9], $0x2800, $0x38;
	[tilespmem:$0x1DD00] =	vst v63  }
0x4d: {  	_ =	swait.ge [sflag:s28], $0x2800  }
0x4e: {  	[sflag:s28] =	ssyncset.done $0x0  }
0x4f: {  	s25 =	rddreg [dreg:$0x7];
	[sflag:s28] =	ssyncadd.s32 $0xFFFFD800  }
0x50: {  	[spmem:s25] =	stream.linear.scatter [tilespmem:s26], [sflag:$0x9], $0x2800, $0x38;
	[tilespmem:$0x1DD00] =	vst v63  }
0x51: {  	_ =	swait.ge [sflag:s28], $0x2800  }
0x52: {  	[sflag:s28] =	ssyncset.done $0x0  }
0x53: {  	s29 =	rddreg [dreg:$0x8];
	[sflag:s28] =	ssyncadd.s32 $0xFFFFD800  }
0x54: {  	[spmem:s29] =	stream.linear.scatter [tilespmem:s26], [sflag:$0x9], $0x2800, $0x38;
	[tilespmem:$0x1DD00] =	vst v63  }
0x55: {  	_ =	swait.ge [sflag:s28], $0x2800  }
0x56: {  	[sflag:s28] =	ssyncset.done $0x0  }
0x57: {  	s5 =	rddreg [dreg:$0x9];
	[sflag:s28] =	ssyncadd.s32 $0xFFFFD800  }
0x58: {  	[spmem:s5] =	stream.linear.scatter [tilespmem:s26], [sflag:$0x9], $0x2800, $0x38;
	[tilespmem:$0x1DD00] =	vst v63  }
0x59: {  	_ =	swait.ge [sflag:s28], $0x2800  }
0x5a: {  	[sflag:s28] =	ssyncset.done $0x0  }
0x5b: {  	s23 =	rddreg [dreg:$0xa];
	[sflag:s28] =	ssyncadd.s32 $0xFFFFD800  }
0x5c: {  	[spmem:s23] =	stream.linear.scatter [tilespmem:s26], [sflag:$0x9], $0x2800, $0x38;
	[tilespmem:$0x1DD00] =	vst v63  }
0x5d: {  	_ =	swait.ge [sflag:s28], $0x2800  }
0x5e: {  	[sflag:s28] =	ssyncset.done $0x0  }
0x5f: {  	s24 =	rddreg [dreg:$0xb];
	[sflag:s28] =	ssyncadd.s32 $0xFFFFD800  }
0x60: {  	[spmem:s24] =	stream.linear.scatter [tilespmem:s26], [sflag:$0x9], $0x2100, $0x38;
	[tilespmem:$0x1DD00] =	vst v63  }
0x61: {  	_ =	swait.ge [sflag:s28], $0x2100  }
0x62: {  	[sflag:s28] =	ssyncset.done $0x0  }
0x63: {  	[sflag:s28] =	ssyncadd.s32 $0xFFFFDF00  }
0x64: {  	[bflag:$0x0] =	sbarrier.arrive $0xFFFF  }
0x65: {  	s23 =	simm.s32 $0x0;
	s25 =	rddreg [dreg:$0xc]  }
0x66: {  	[tilespmem:s23], [sflag:$0x1] =	stream.linear.gather [hbm4b:s25+s23], $0x100, $0x38;
	[tilespmem:$0x1DD00] =	vst v63  }
0x67: {  	s5 =	simm.s32 $0x100;
	s29 =	rddreg [dreg:$0xd]  }
0x68: {  	[tilespmem:s5], [sflag:$0x2] =	stream.linear.gather [hbm4b:s29+s23], $0x100, $0x38;
	[tilespmem:$0x1DD00] =	vst v63  }
0x69: {  	s24 =	rddreg [dreg:$0xe]  }
0x6a: {  	[tilespmem:s30], [sflag:$0x3] =	stream.linear.gather [hbm4b:s24+s23], $0x100, $0x38;
	[tilespmem:$0x1DD00] =	vst v63  }
0x6b: {  	s25 =	rddreg [dreg:$0xf];
	s29 =	simm.s32 $0x1  }
0x6c: {  	[tilespmem:s31], [sflag:$0x4] =	stream.linear.gather [hbm4b:s25+s23], $0x100, $0x38;
	[tilespmem:$0x1DD00] =	vst v63  }
0x6d: {  	_ =	swait.ge [sflag:s29], $0x100  }
0x6e: {  	[sflag:s29] =	ssyncset.done $0x0  }
0x6f: {  	[sflag:s29] =	ssyncadd.s32 $0xFFFFFF00  }
0x70: {  	[tilespmem:s26], [sflag:$0x5] =	stream.indirect.gather [hbm4b:s1+s4], $0x80, s23, s4, $0xb8;
	[tilespmem:$0x1DD00] =	vst v63  }
0x71: {  	_ =	swait.ge [sflag:s6], $0x100  }
0x72: {  	[sflag:s6] =	ssyncset.done $0x0  }
0x73: {  	[sflag:s6] =	ssyncadd.s32 $0xFFFFFF00  }
0x74: {  	[tilespmem:s7], [sflag:$0x6] =	stream.indirect.gather [hbm4b:s1+s4], $0x80, s5, s4, $0xb8;
	[tilespmem:$0x1DD00] =	vst v63  }
0x75: {  	_ =	swait.ge [sflag:s8], $0x100  }
0x76: {  	[sflag:s8] =	ssyncset.done $0x0  }
0x77: {  	[sflag:s8] =	ssyncadd.s32 $0xFFFFFF00  }
0x78: {  	[tilespmem:s9], [sflag:$0x7] =	stream.indirect.gather [hbm4b:s1+s4], $0x80, s30, s4, $0xb8;
	[tilespmem:$0x1DD00] =	vst v63  }
.LBB2_4:
0x79: {  	_ =	swait.ge [sflag:s10], $0x2800  }
0x7a: {  	[sflag:s10] =	ssyncset.done $0x0  }
0x7b: {  	[sflag:s10] =	ssyncadd.s32 $0xFFFFD800  }
0x7c: {  	[spmem:s2] =	stream.indirect.scatter.add.f32 [tilespmem:s26], [sflag:$0x9], $0x80, s11, s4, $0xb8;
	[tilespmem:$0x1DD00] =	vst v63  }
0x7d: {  	_ =	swait.ge [sflag:s28], $0x2800  }
0x7e: {  	p1 =	seq.s32 s23, $0xF80;
	[sflag:s28] =	ssyncset.done $0x0  }
0x7f: {  	s24 =	sadd.s32 @!p1 s23, s22;
	s29 =	simm.s32 @!p1 $0x0;
	[sflag:s28] =	ssyncadd.s32 $0xFFFFD800  }
0x80: {  	[tilespmem:s29], [sflag:$0x1] =	stream.linear.gather @!p1 [hbm4b:s24+s29], $0x100, $0x38;
	[tilespmem:$0x1DD00] =	vst v63  }
0x81: {  	_ =	swait.ge [sflag:s12], $0x100  }
0x82: {  	[sflag:s12] =	ssyncset.done $0x0  }
0x83: {  	[sflag:s12] =	ssyncadd.s32 $0xFFFFFF00  }
0x84: {  	[tilespmem:s14], [sflag:$0x8] =	stream.indirect.gather [hbm4b:s1+s4], $0x80, s31, s4, $0xb8;
	[tilespmem:$0x1DD00] =	vst v63  }
0x85: {  	_ =	swait.ge [sflag:s15], $0x2800  }
0x86: {  	[sflag:s15] =	ssyncset.done $0x0  }
0x87: {  	[sflag:s15] =	ssyncadd.s32 $0xFFFFD800  }
0x88: {  	[spmem:s2] =	stream.indirect.scatter.add.f32 [tilespmem:s7], [sflag:$0x9], $0x80, s16, s4, $0xb8;
	[tilespmem:$0x1DD00] =	vst v63  }
0x89: {  	_ =	swait.ge [sflag:s28], $0x2800  }
0x8a: {  	[sflag:s28] =	ssyncset.done $0x0  }
0x8b: {  	s24 =	simm.s32 @p1 $0x7;
	[sflag:s28] =	ssyncadd.s32 $0xFFFFD800  }
0x8c: {  	_ =	swait.ge @p1 [sflag:s24], $0x2800  }
0x8d: {  	s25 =	simm.s32 @p1 $0x280;
	[sflag:s24] =	ssyncset.done @p1 $0x0  }
0x8e: {  	s5 =	simm.s32 @p1 $0x5400;
	[sflag:s24] =	ssyncadd.s32 @p1 $0xFFFFD800;
	s24 =	simm.s32 @p1 $0x50  }
0x8f: {  	[spmem:s2] =	stream.indirect.scatter.add.f32 @p1 [tilespmem:s5], [sflag:$0x9], $0x80, s25, s24, $0xb8;
	[tilespmem:$0x1DD00] =	vst v63  }
0x90: {  	s5 =	simm.s32 @p1 $0x9  }
0x91: {  	_ =	swait.ge @p1 [sflag:s5], $0x2800  }
0x92: {  	[sflag:s5] =	ssyncset.done @p1 $0x0  }
0x93: {  	s24 =	simm.s32 @!p1 $0x100;
	[sflag:s5] =	ssyncadd.s32 @p1 $0xFFFFD800;
	s5 =	sadd.s32 @!p1 s23, s21  }
0x94: {  	[tilespmem:s24], [sflag:$0x2] =	stream.linear.gather @!p1 [hbm4b:s5+s29], $0x100, $0x38;
	[tilespmem:$0x1DD00] =	vst v63  }
0x95: {  	s5 =	simm.s32 @!p1 $0x1  }
0x96: {  	_ =	swait.ge @!p1 [sflag:s5], $0x100  }
0x97: {  	[sflag:s5] =	ssyncset.done @!p1 $0x0  }
0x98: {  	s25 =	simm.s32 @!p1 $0x400;
	[sflag:s5] =	ssyncadd.s32 @!p1 $0xFFFFFF00;
	s5 =	simm.s32 @!p1 $0x50  }
0x99: {  	[tilespmem:s25], [sflag:$0x5] =	stream.indirect.gather @!p1 [hbm4b:s1+s5], $0x80, s29, s5, $0xb8;
	[tilespmem:$0x1DD00] =	vst v63  }
0x9a: {  	s25 =	simm.s32 @!p1 $0x7  }
0x9b: {  	_ =	swait.ge @!p1 [sflag:s25], $0x2800  }
0x9c: {  	[sflag:s25] =	ssyncset.done @!p1 $0x0  }
0x9d: {  	s0 =	simm.s32 @!p1 $0x5400;
	[sflag:s25] =	ssyncadd.s32 @!p1 $0xFFFFD800;
	s25 =	simm.s32 @!p1 $0x280  }
0x9e: {  	[spmem:s2] =	stream.indirect.scatter.add.f32 @!p1 [tilespmem:s0], [sflag:$0x9], $0x80, s25, s5, $0xb8;
	[tilespmem:$0x1DD00] =	vst v63  }
0x9f: {  	s0 =	simm.s32 @!p1 $0x9  }
0xa0: {  	_ =	swait.ge @!p1 [sflag:s0], $0x2800  }
0xa1: {  	[sflag:s0] =	ssyncset.done @!p1 $0x0  }
0xa2: {  	s25 =	simm.s32 @!p1 $0x200;
	[sflag:s0] =	ssyncadd.s32 @!p1 $0xFFFFD800;
	s0 =	sadd.s32 @!p1 s23, s20  }
0xa3: {  	[tilespmem:s25], [sflag:$0x3] =	stream.linear.gather @!p1 [hbm4b:s0+s29], $0x100, $0x38;
	[tilespmem:$0x1DD00] =	vst v63  }
0xa4: {  	s0 =	simm.s32 @!p1 $0x2  }
0xa5: {  	_ =	swait.ge @!p1 [sflag:s0], $0x100  }
0xa6: {  	[sflag:s0] =	ssyncset.done @!p1 $0x0  }
0xa7: {  	[sflag:s0] =	ssyncadd.s32 @!p1 $0xFFFFFF00;
	s0 =	simm.s32 @!p1 $0x2C00  }
0xa8: {  	[tilespmem:s0], [sflag:$0x6] =	stream.indirect.gather @!p1 [hbm4b:s1+s5], $0x80, s24, s5, $0xb8;
	[tilespmem:$0x1DD00] =	vst v63  }
0xa9: {  	_ =	swait.ge [sflag:s17], $0x2800  }
0xaa: {  	[sflag:s17] =	ssyncset.done $0x0  }
.Ltmp3:
0xab: {  	[sflag:s17] =	ssyncadd.s32 $0xFFFFD800;
	(pc) =	sbr.rel @p1 .LBB2_6-.Ltmp3, $4  }
0xac: {  	[spmem:s2] =	stream.indirect.scatter.add.f32 [tilespmem:s14], [sflag:$0x9], $0x80, s18, s4, $0xb8;
	[tilespmem:$0x1DD00] =	vst v63  }
0xad: {  	_ =	swait.ge [sflag:s28], $0x2800  }
0xae: {  	[sflag:s28] =	ssyncset.done $0x0  }
0xaf: {  	[sflag:s28] =	ssyncadd.s32 $0xFFFFD800  }
0xb0: {  	s0 =	sadd.s32 s23, s19  }
0xb1: {  	[tilespmem:s31], [sflag:$0x4] =	stream.linear.gather [hbm4b:s0+s3], $0x100, $0x38;
	[tilespmem:$0x1DD00] =	vst v63  }
.Ltmp4:
0xb2: {  	_ = 	snop;
	(pc) =	sbr.rel .LBB2_4-.Ltmp4, $4  }
0xb3: {  	_ =	swait.ge [sflag:s8], $0x100  }
0xb4: {  	[sflag:s8] =	ssyncset.done $0x0  }
0xb5: {  	s23 =	sadd.s32 $0x80, s23;
	[sflag:s8] =	ssyncadd.s32 $0xFFFFFF00  }
0xb6: {  	[tilespmem:s9], [sflag:$0x7] =	stream.indirect.gather [hbm4b:s1+s4], $0x80, s30, s4, $0xb8;
	[tilespmem:$0x1DD00] =	vst v63  }
.LBB2_7:
0xb7: {  	_ =	sfence.sel $0x180000  }
0xb8: {  	[bflag:$0x0] =	sbarrier.arrive $0xFFFF  }
0xb9: {  	_ =	strace $0x90000047  }
0xba: {  	[bflag:$0x2] =	sbarrier.arrive $0xFFFF  }
0xbb: {  	s0 =	rddreg [dreg:$0x3]  }
0xbc: {  	s0 =	sadd.s32 @!p0 $0x100000, s0  }
0xbd: {  	[sflag:s0] =	ssyncadd.tile.s32 @!p0 $0x1;
	_ =	shalt  }
.Lfunc_end2:
_tile_overlayer_lowered:
.L_overlay_start_2:
0xbe: {  	(tag) =	ssettag $0x2  }
0xbf: {  	s0 =	rddreg [dreg:$0x0];
	s2 =	stileid.u32  }
0xc0: {  	s1 =	rddreg [dreg:$0x1];
	p0 =	sne.s32 s2, $0x0  }
0xc1: {  	s3 =	rddreg [dreg:$0x2];
	[bflag:$0x3] =	sbarrier.arrive $0xFFFF;
	s2 =	simm.s32 @!p0 $0x1C09  }
0xc2: {  	[timem:s3], [sflag:s2] =	dma.local @!p0 [hbm:s0], s1  }
0xc3: {  	s0 =	simm.s32 @!p0 $0x9  }
0xc4: {  	_ =	swait.ge @!p0 [sflag:s0], s1  }
0xc5: {  	s1 =	ssub.s32 @!p0 $0x0, s1;
	[sflag:s0] =	ssyncset.done @!p0 $0x0  }
0xc6: {  	[sflag:s0] =	ssyncadd.s32 @!p0 s1  }
0xc7: {  	[bflag:$0x3] =	sbarrier.arrive $0xFFFF  }
0xc8: {  	_ =	shalt  }

// kernel: kernel.9.cloned.1.call-start
scs
__scs_entry_jumppad:
0x0: {  	(pc) =	sbr.rel $0x88, $3  }
0x1: {  	(tag) =	ssettag $0x0;
	lr =	simm.s32 $0x1  }
0x2: {  	[smem:$0x3F95] =	sst lr;
	_ =	strace $0xD0000000  }
0x3: {  	_ = 	snop  }
0x4: {  	_ = 	snop  }
0x5: {  	_ = 	snop  }
0x6: {  	_ = 	snop  }
0x7: {  	_ = 	snop  }
__scs_overlays_trampoline_lowered:
0x8: {  	[smem:$0x3FA4] =	sst s0  }
0x9: {  	[smem:$0x3FA5] =	sst s1  }
0xa: {  	[smem:$0x3FA6] =	sst s2  }
0xb: {  	[smem:$0x3FA7] =	sst s3  }
0xc: {  	[smem:$0x3FA8] =	sst s4  }
0xd: {  	[smem:$0x3FA9] =	sst s5  }
0xe: {  	[smem:$0x3FAA] =	sst s6  }
0xf: {  	[smem:$0x3FAB] =	sst s7  }
0x10: {  	[smem:$0x3FAC] =	sst s8  }
0x11: {  	[smem:$0x3FAD] =	sst s9;
	s0 =	simm.s32 @!p0 $0x0  }
0x12: {  	s1 =	sld [smem:$0x3F93];
	s0 =	simm.s32 @p0 $0x1  }
0x13: {  	[smem:$0x3FAE] =	sst s0;
	s0 =	simm.s32 @!p1 $0x0  }
0x14: {  	s2 =	sld [smem:$0x3F92];
	s0 =	simm.s32 @p1 $0x1  }
0x15: {  	[smem:$0x3FAF] =	sst s0;
	s0 =	simm.s32 @!p2 $0x0  }
0x16: {  	s3 =	sld [smem:$0x3FDB];
	s0 =	simm.s32 @p2 $0x1  }
0x17: {  	s4 =	simm.s32 $0x1BF5;
	[smem:$0x3FB1] =	sst s0  }
0x18: {  	s0 =	sld [smem:$0x3F94];
	_ =	swait.ge [sflag:s4], $0x0  }
0x19: {  	s7 =	sld [smem:$0x3F95]  }
0x1a: {  	s8 =	sadd.s32 $0xFFFFE003, lr  }
0x1b: {  	s9 =	sadd.s32 $0xFFFFFEF7, lr;
	s5 =	simm.s32 $0xFFFFFFFF;
	p2 =	slt.u32 s8, $0xFFFFF086  }
0x1c: {  	p1 =	slt.u32 s9, $0xF7A;
	s5 =	simm.s32 @!p2 $0x0  }
0x1d: {  	s5 =	simm.s32 @p1 $0x1;
	p0 =	seq.s32 s7, s2  }
0x1e: {  	s7 =	smul.u32 @!p0 $0xF7A, s2;
	p2 =	seq.s32 @!p0 s5, $0x0  }
0x1f: {  	s9 =	smul.u32 $0xF7A, s1;
	s8 =	simm.s32 @!p0 $0x1BF5;
	p2 =	por !p2, p0  }
0x20: {  	[sflag:s8] =	ssyncset.s32 @!p0 $0xFFFFF086;
	s6 =	sadd.s32 @!p0 s3, s7;
	s7 =	simm.s32 @!p0 $0x108  }
0x21: {  	s3 =	sadd.s32 s3, s9;
	s6 =	sadd.s32 @!p0 $0x88, s6;
	s7 =	simm.s32 @p2 $0x1082  }
0x22: {  	[simem:s7], [sflag:s8] =	dma.local @!p0 [hbm:s6], $0xF7A  }
0x23: {  	s9 =	sor.u32 $0xD0000000, s2;
	s6 =	simm.s32 $0x108;
	_ =	swait.ge @!p0 [sflag:s8], $0x0  }
0x24: {  	s3 =	sadd.s32 $0x88, s3;
	s6 =	simm.s32 @!p1 $0x1082;
	[sflag:s4] =	ssyncset.s32 $0xFFFFF086  }
0x25: {  	[simem:s6], [sflag:s4] =	dma.local [hbm:s3], $0xF7A  }
0x26: {  	[smem:$0x3F95] =	sst s1;
	(tag) =	ssettag s2;
	_ =	strace s9  }
0x27: {  	s1 =	sld [smem:$0x3FA5]  }
0x28: {  	s2 =	sld [smem:$0x3FA6]  }
0x29: {  	s4 =	sld [smem:$0x3FA8]  }
0x2a: {  	p0 =	seq.s32 s5, $0x0;
	s5 =	sld [smem:$0x3FA9]  }
0x2b: {  	s6 =	sld [smem:$0x3FAA]  }
0x2c: {  	s7 =	sld [smem:$0x3FAB]  }
0x2d: {  	s3 =	simm.s32 $0x108;
	s8 =	sld [smem:$0x3FAC]  }
0x2e: {  	s3 =	simm.s32 @!p0 $0x1082;
	s9 =	sld [smem:$0x3FAD]  }
0x2f: {  	lr =	sadd.s32 s0, s3;
	s0 =	sld [smem:$0x3FA4]  }
0x30: {  	s3 =	sld [smem:$0x3FA7]  }
0x31: {  	[smem:$0x3FB0] =	sst s10  }
0x32: {  	s10 =	sld [smem:$0x3FAE];
	_ =	sdelay $0x3  }
0x33: {  	p0 =	seq.s32 s10, $0x1;
	s10 =	sld [smem:$0x3FB0];
	_ =	sdelay $0x3  }
0x34: {  	[smem:$0x3FB0] =	sst s10  }
0x35: {  	s10 =	sld [smem:$0x3FAF];
	_ =	sdelay $0x3  }
0x36: {  	p1 =	seq.s32 s10, $0x1;
	s10 =	sld [smem:$0x3FB0];
	_ =	sdelay $0x3  }
0x37: {  	[smem:$0x3FB0] =	sst s10  }
0x38: {  	s10 =	sld [smem:$0x3FB1]  }
0x39: {  	_ = 	snop;
	(pc) =	sbr.ind lr, $3  }
0x3a: {  	_ = 	snop  }
0x3b: {  	_ = 	snop  }
0x3c: {  	p2 =	seq.s32 s10, $0x1;
	s10 =	sld [smem:$0x3FB0]  }
0x3d: {  	_ =	shalt  }
0x3e: {  	_ =	shalt  }
0x3f: {  	_ =	shalt  }
0x40: {  	_ =	shalt  }
0x41: {  	_ =	shalt  }
0x42: {  	_ =	shalt  }
0x43: {  	_ =	shalt  }
0x44: {  	_ =	shalt  }
0x45: {  	_ =	shalt  }
0x46: {  	_ =	shalt  }
0x47: {  	_ =	shalt  }
0x48: {  	_ =	shalt  }
0x49: {  	_ =	shalt  }
0x4a: {  	_ =	shalt  }
0x4b: {  	_ =	shalt  }
0x4c: {  	_ =	shalt  }
0x4d: {  	_ =	shalt  }
0x4e: {  	_ =	shalt  }
0x4f: {  	_ =	shalt  }
0x50: {  	_ =	shalt  }
0x51: {  	_ =	shalt  }
0x52: {  	_ =	shalt  }
0x53: {  	_ =	shalt  }
0x54: {  	_ =	shalt  }
0x55: {  	_ =	shalt  }
0x56: {  	_ =	shalt  }
0x57: {  	_ =	shalt  }
0x58: {  	_ =	shalt  }
0x59: {  	_ =	shalt  }
0x5a: {  	_ =	shalt  }
0x5b: {  	_ =	shalt  }
0x5c: {  	_ =	shalt  }
0x5d: {  	_ =	shalt  }
0x5e: {  	_ =	shalt  }
0x5f: {  	_ =	shalt  }
0x60: {  	_ =	shalt  }
0x61: {  	_ =	shalt  }
0x62: {  	_ =	shalt  }
0x63: {  	_ =	shalt  }
0x64: {  	_ =	shalt  }
0x65: {  	_ =	shalt  }
0x66: {  	_ =	shalt  }
0x67: {  	_ =	shalt  }
0x68: {  	_ =	shalt  }
0x69: {  	_ =	shalt  }
0x6a: {  	_ =	shalt  }
0x6b: {  	_ =	shalt  }
0x6c: {  	_ =	shalt  }
0x6d: {  	_ =	shalt  }
0x6e: {  	_ =	shalt  }
0x6f: {  	_ =	shalt  }
0x70: {  	_ =	shalt  }
0x71: {  	_ =	shalt  }
0x72: {  	_ =	shalt  }
0x73: {  	_ =	shalt  }
0x74: {  	_ =	shalt  }
0x75: {  	_ =	shalt  }
0x76: {  	_ =	shalt  }
0x77: {  	_ =	shalt  }
0x78: {  	_ =	shalt  }
0x79: {  	_ =	shalt  }
0x7a: {  	_ =	shalt  }
0x7b: {  	_ =	shalt  }
0x7c: {  	_ =	shalt  }
0x7d: {  	_ =	shalt  }
0x7e: {  	_ =	shalt  }
0x7f: {  	_ =	shalt  }
0x80: {  	_ =	shalt  }
0x81: {  	_ =	shalt  }
0x82: {  	_ =	shalt  }
0x83: {  	_ =	shalt  }
0x84: {  	_ =	shalt  }
0x85: {  	_ =	shalt  }
0x86: {  	_ =	shalt  }
0x87: {  	_ =	shalt  }
.Lfunc_end0:
.L_simem_size_0:
called_computation.1_lowered:
.L_overlay_start_0:
0x88: {  	s2 =	sld [smem:$0x3FD9]  }
0x89: {  	s3 =	sld [smem:$0x3FFE];
	_ =	sdelay $0x1  }
0x8a: {  	s1 =	srdreg.scid  }
0x8b: {  	s0 =	sand.u32 $0x1, s1  }
0x8c: {  	s17 =	sshll.u32 s0, $0xA;
	s2 =	sadd.s32 s3, s2  }
0x8d: {  	s2 =	sadd.s32 s2, s17  }
0x8e: {  	[smem:$0x3FBC] =	sst s2  }
0x8f: {  	_ = 	snop  }
0x90: {  	s2 =	sld [smem:$0x3FD0];
	(tm) =	ssettm $0x1  }
0x91: {  	s18 =	sld [smem:$0x3FFB];
	_ =	sdelay $0x3  }
0x92: {  	_ =	strace s18  }
0x93: {  	s3 =	sld [smem:$0x3FFC];
	_ =	sdelay $0x3  }
0x94: {  	_ =	strace s3  }
0x95: {  	s3 =	sld [smem:$0x3FFD];
	_ =	sdelay $0x3  }
0x96: {  	_ =	strace s3  }
0x97: {  	_ =	strace $0x8FFFFFFF  }
0x98: {  	s19 =	sld [smem:$0x3FDB];
	_ =	sdelay $0x1  }
0x99: {  	s4 =	simm.s32 $_scs_section_size  }
0x9a: {  	s5 =	simm.s32 $_size__tile_overlayer_lowered;
	s6 =	simm.s32 $_tile_overlayer_lowered  }
0x9b: {  	s22 =	simm.s32 $0x1BFF;
	s21 =	sshll.u32 s6, $0x1;
	s3 =	sadd.s32 s4, s19  }
0x9c: {  	s7 =	simm.s32 $0x0;
	s20 =	sshll.u32 s5, $0x1;
	s5 =	sadd.s32 s21, s3  }
0x9d: {  	[timem:s7], [sflag:s22] =	dma.local [hbm:s5], s20  }
0x9e: {  	_ =	swait.ge [sflag:s22], s20  }
0x9f: {  	s4 =	ssub.s32 $0x0, s20;
	[sflag:s22] =	ssyncset.done $0x0  }
0xa0: {  	[sflag:s22] =	ssyncadd.s32 s4;
	_ =	sdelay $0x1  }
0xa1: {  	s23 =	simm.s32 $0x1B8B  }
0xa2: {  	_ =	swait.ge [sflag:s23], $0x1  }
0xa3: {  	[sflag:s23] =	ssyncset.done $0x0  }
0xa4: {  	s25 =	simm.s32 $0x1B8E;
	s24 =	sld [smem:$0x3FFE];
	[sflag:s23] =	ssyncadd.s32 $0xFFFFFFFF  }
0xa5: {  	s26 =	simm.s32 $execute0_lowered;
	[smem:$0x3FD2] =	sst s25  }
0xa6: {  	s5 =	sshll.u32 s26, $0x1;
	_ =	strace $0x80000049;
	[dreg:$0x1] =	wrdreg $0xFFFFFFFF  }
0xa7: {  	s28 =	simm.s32 $_size_execute0_lowered;
	s3 =	sadd.s32 s3, s5;
	[dreg:$0x0] =	wrdreg $0x0  }
0xa8: {  	s5 =	sshll.u32 s28, $0x1;
	[dreg:$0x2] =	wrdreg s3  }
0xa9: {  	[dreg:$0x3] =	wrdreg s5  }
0xaa: {  	[dreg:$0x4] =	wrdreg $0xC0  }
0xab: {  	_ =	task [dreg:s7], $0x5FFFF  }
0xac: {  	[dreg:$0x1] =	wrdreg $0xFFFFFFFF  }
0xad: {  	[dreg:$0x0] =	wrdreg $0x60  }
0xae: {  	[dreg:$0x2] =	wrdreg s2  }
0xaf: {  	[dreg:$0x3] =	wrdreg s24  }
0xb0: {  	[dreg:$0x4] =	wrdreg $0xA4000  }
0xb1: {  	[dreg:$0x5] =	wrdreg $0x9  }
0xb2: {  	_ =	task.clear_ibuf [dreg:s7], $0x6FFFF;
	_ =	strace $0x90000049  }
0xb3: {  	s29 =	simm.s32 $0x9;
	_ =	strace $0x8000004B  }
0xb4: {  	_ =	swait.ge [sflag:s29], $0x1  }
0xb5: {  	[sflag:s29] =	ssyncadd.s32 $0xFFFFFFFF  }
0xb6: {  	_ =	strace $0x9000004B  }
0xb7: {  	_ =	sfence  }
0xb8: {  	s30 =	sld [smem:$0x0];
	_ =	sdelay $0x2  }
0xb9: {  	s31 =	sshll.u32 s1, $0xD;
	s1 =	sshrl.u32 s1, $0x2  }
0xba: {  	s3 =	sand.u32 $0x4000, s31;
	s1 =	sadd.s32 s1, s30  }
0xbb: {  	s0 =	sor.u32 s3, s0;
	s1 =	sshll.u32 s1, $0x11  }
0xbc: {  	s0 =	sor.u32 s1, s0  }
0xbd: {  	s0 =	sadd.s32 $0x8F2B, s0  }
0xbe: {  	[sflag:s0] =	ssyncadd.remote.s32 $0x1  }
0xbf: {  	_ =	sfence.sel $0xFFFF  }
0xc0: {  	[dreg:$0x0] =	wrdreg $0xFFFFFFFF;
	(pc) =	sbr.abs _section_cstart, $3  }
0xc1: {  	[dreg:$0x1] =	wrdreg $0xFFFFFFFF  }
0xc2: {  	_ =	task.clear_ibuf [dreg:s7], $0x2FFFF;
	_ =	strace $0x9FFFFFFF  }
0xc3: {  	(tm) =	ssettm $0x7FFFFFFF  }
tec
execute0_lowered:
.L_overlay_start_1:
0x0: {  	(tag) =	ssettag $0x1  }
0x1: {  	s1 =	rddreg [dreg:$0x0]  }
0x2: {  	s0 =	rddreg [dreg:$0x1]  }
0x3: {  	s2 =	rddreg [dreg:$0x2]  }
0x4: {  	s3 =	simm.s32 $0x0;
	s4 =	srdreg.scid;
	s11 =	stileid.u32  }
0x5: {  	s28 =	simm.s32 $0x9;
	s30 =	simm.s32 $0x200;
	s31 =	simm.s32 $0x300  }
0x6: {  	[smem:$0x7FF] =	sst s3;
	s4 =	sand.u32 $0x1, s4;
	s5 =	smul.u32 $0x4E400, s11  }
0x7: {  	s7 =	sadd.s32 $0x2200, s0;
	s0 =	sadd.s32 $0x22200, s0;
	s12 =	smul.u32 $0x13800, s11  }
0x8: {  	s29 =	sshll.u32 s11, $0x10;
	s17 =	smul.u32 $0x4E000, s11;
	p0 =	sne.s32 s11, $0x0  }
0x9: {  	s11 =	simm.s32 $0x80;
	_ =	strace $0x8000004A;
	s6 =	ssub.s32 $0x2, s4  }
0xa: {  	s9 =	sshll.u32 s4, $0xF;
	s4 =	smul.u32 $0x138800, s4;
	s8 =	sshrl.u32 s6, $0x1  }
0xb: {  	s5 =	sshrl.u32 s5, $0x2;
	s19 =	sshrl.u32 s17, $0x2;
	s17 =	simm.s32 $0x8  }
0xc: {  	s6 =	ssub.s32 s6, s8;
	s5 =	sadd.s32 s5, s2;
	s8 =	sor.u32 s9, s29  }
0xd: {  	s9 =	sadd.s32 s12, s4;
	s24 =	sadd.s32 $0x2800, s5;
	[dreg:$0x4] =	wrdreg s5  }
0xe: {  	s4 =	sshrl.u32 s4, $0x3;
	s25 =	sadd.s32 $0x5000, s5;
	[dreg:$0x5] =	wrdreg s24  }
0xf: {  	s26 =	sadd.s32 $0x7800, s5;
	s10 =	sadd.s32 $0xA000, s5;
	[dreg:$0x6] =	wrdreg s25  }
0x10: {  	s13 =	sadd.s32 $0xC800, s5;
	s14 =	sadd.s32 $0xF000, s5;
	[dreg:$0x7] =	wrdreg s26  }
0x11: {  	s15 =	sshrl.u32 s8, $0x3;
	s5 =	sadd.s32 $0x11800, s5;
	[dreg:$0x8] =	wrdreg s10  }
0x12: {  	s9 =	sshrl.u32 s9, $0x3;
	s20 =	sor.u32 $0x700, s8;
	[dreg:$0x9] =	wrdreg s13  }
0x13: {  	s22 =	sor.u32 $0x600, s8;
	s23 =	sor.u32 $0x500, s8;
	[dreg:$0xa] =	wrdreg s14  }
0x14: {  	s8 =	sor.u32 $0x400, s8;
	[dreg:$0xb] =	wrdreg s5;
	s16 =	sadd.s32 s7, s15  }
0x15: {  	s18 =	sadd.s32 s0, s9;
	s9 =	sadd.s32 s19, s2;
	s0 =	sadd.s32 s0, s4  }
0x16: {  	s21 =	sshrl.u32 s20, $0x3;
	s24 =	sshrl.u32 s23, $0x3;
	s25 =	sshrl.u32 s8, $0x3  }
0x17: {  	s26 =	smax.u32 s6, $0x1;
	s4 =	simm.s32 $0x50;
	s6 =	simm.s32 $0x2  }
0x18: {  	s8 =	simm.s32 $0x3;
	s14 =	simm.s32 $0x7C00;
	s15 =	simm.s32 $0x6  }
0x19: {  	s13 =	simm.s32 $0x0;
	s10 =	sadd.s32 $0x20, s16;
	[dreg:$0xc] =	wrdreg s16  }
0x1a: {  	s12 =	sadd.s32 $0x40, s16;
	s5 =	sadd.s32 $0x60, s16;
	[dreg:$0x10] =	wrdreg s18  }
0x1b: {  	s0 =	sadd.s32 $0x27000, s0;
	s19 =	sadd.s32 s21, s7;
	[dreg:$0x12] =	wrdreg s26  }
0x1c: {  	s21 =	sadd.s32 s24, s7;
	s29 =	sshrl.u32 s9, $0x3;
	[dreg:$0xd] =	wrdreg s10  }
0x1d: {  	s26 =	simm.s32 $0x400;
	s9 =	simm.s32 $0x5400;
	[dreg:$0xe] =	wrdreg s12  }
.Ltmp0:
0x1e: {  	s16 =	simm.s32 $0x180;
	[dreg:$0xf] =	wrdreg s5;
	(pc) =	sbr.rel .LBB2_1-.Ltmp0, $4  }
0x1f: {  	s18 =	simm.s32 $0x380;
	[dreg:$0x11] =	wrdreg s0;
	s0 =	sshrl.u32 s22, $0x3  }
0x20: {  	s22 =	sadd.s32 s25, s7;
	s20 =	sadd.s32 s0, s7;
	s0 =	sadd.s32 $0x138000, s2  }
0x21: {  	[dreg:$0x13] =	wrdreg s29;
	s10 =	simm.s32 $0x5;
	s0 =	sshrl.u32 @!p0 s0, $0x3  }
0x22: {  	v0 =	vimm.f32 $0.0e+00;
	s12 =	simm.s32 $0x4;
	s7 =	simm.s32 $0x2C00;
	[dreg:$0x14] =	wrdreg s0  }
.LBB2_6:
0x23: {  	s0 =	stileid.u32;
	[bflag:$0x0] =	sbarrier.arrive $0xFFFF  }
0x24: {  	s0 =	sshll.u32 s0, $0x6;
	s5 =	rddreg [dreg:$0x10]  }
0x25: {  	s23 =	rddreg [dreg:$0x13];
	s0 =	sor.u32 $0x1C09, s0  }
0x26: {  	[hbm:s5], [sflag:s0] =	dma.local [spmem:s23], $0x2700  }
0x27: {  	_ =	swait.ge [sflag:s28], $0x2700  }
0x28: {  	[sflag:s28] =	ssyncset.done $0x0;
	s5 =	rddreg [dreg:$0x11]  }
0x29: {  	s23 =	rddreg [dreg:$0x14];
	[sflag:s28] =	ssyncadd.s32 $0xFFFFD900  }
0x2a: {  	[hbm:s5], [sflag:s0] =	dma.local @!p0 [spmem:s23], $0x100  }
0x2b: {  	s0 =	simm.s32 @!p0 $0x9  }
0x2c: {  	_ =	swait.ge @!p0 [sflag:s0], $0x100  }
0x2d: {  	s13 =	sadd.s32 $0x1, s13;
	s29 =	rddreg [dreg:$0x12]  }
0x2e: {  	p1 =	sne.s32 s13, s29  }
.Ltmp1:
0x2f: {  	_ = 	snop;
	(pc) =	sbr.rel @!p1 .LBB2_7-.Ltmp1, $3  }
0x30: {  	_ =	sdelay $0x1  }
0x31: {  	[sflag:s0] =	ssyncset.done @!p0 $0x0  }
0x32: {  	[sflag:s0] =	ssyncadd.s32 @!p0 $0xFFFFFF00  }
.LBB2_1:
0x33: {  	s23 =	simm.s32 $0x440  }
0x34: {  	[tilespmem:s23+$0xFFFFFFC0] =	vst v0  }
0x35: {  	[tilespmem:s23+$0x30] =	vst v0  }
0x36: {  	[tilespmem:s23+$0x20] =	vst v0  }
0x37: {  	[tilespmem:s23+$0x10] =	vst v0  }
0x38: {  	[tilespmem:s23+$0x0] =	vst v0  }
0x39: {  	[tilespmem:s23+$0xFFFFFFF0] =	vst v0  }
0x3a: {  	s24 =	simm.s32 $0x0;
	[tilespmem:s23+$0xFFFFFFE0] =	vst v0  }
.LBB2_2:
0x3b: {  	s24 =	sadd.s32 $0x8, s24;
	[tilespmem:s23+$0xFFFFFFD0] =	vst v0;
	s23 =	sadd.s32 $0x80, s23  }
0x3c: {  	[tilespmem:s23+$0xFFFFFFC0] =	vst v0;
	p1 =	slt.u32 s24, $0x278  }
0x3d: {  	[tilespmem:s23+$0x30] =	vst v0  }
.Ltmp2:
0x3e: {  	[tilespmem:s23+$0x20] =	vst v0;
	(pc) =	sbr.rel @p1 .LBB2_2-.Ltmp2, $4  }
0x3f: {  	[tilespmem:s23+$0x10] =	vst v0  }
0x40: {  	[tilespmem:s23+$0x0] =	vst v0  }
0x41: {  	[tilespmem:s23+$0xFFFFFFF0] =	vst v0  }
0x42: {  	[tilespmem:s23+$0xFFFFFFE0] =	vst v0  }
0x43: {  	[tilespmem:s23+$0xFFFFFFD0] =	vst v0;
	s0 =	rddreg [dreg:$0x4]  }
0x44: {  	[spmem:s0] =	stream.linear.scatter [tilespmem:s26], [sflag:$0x9], $0x2800, $0x38;
	[tilespmem:$0x1DD00] =	vst v63  }
0x45: {  	_ =	swait.ge [sflag:s28], $0x2800  }
0x46: {  	[sflag:s28] =	ssyncset.done $0x0  }
0x47: {  	s23 =	rddreg [dreg:$0x5];
	[sflag:s28] =	ssyncadd.s32 $0xFFFFD800  }
0x48: {  	[spmem:s23] =	stream.linear.scatter [tilespmem:s26], [sflag:$0x9], $0x2800, $0x38;
	[tilespmem:$0x1DD00] =	vst v63  }
0x49: {  	_ =	swait.ge [sflag:s28], $0x2800  }
0x4a: {  	[sflag:s28] =	ssyncset.done $0x0  }
0x4b: {  	s24 =	rddreg [dreg:$0x6];
	[sflag:s28] =	ssyncadd.s32 $0xFFFFD800  }
0x4c: {  	[spmem:s24] =	stream.linear.scatter [tilespmem:s26], [sflag:$0x9], $0x2800, $0x38;
	[tilespmem:$0x1DD00] =	vst v63  }
0x4d: {  	_ =	swait.ge [sflag:s28], $0x2800  }
0x4e: {  	[sflag:s28] =	ssyncset.done $0x0  }
0x4f: {  	s25 =	rddreg [dreg:$0x7];
	[sflag:s28] =	ssyncadd.s32 $0xFFFFD800  }
0x50: {  	[spmem:s25] =	stream.linear.scatter [tilespmem:s26], [sflag:$0x9], $0x2800, $0x38;
	[tilespmem:$0x1DD00] =	vst v63  }
0x51: {  	_ =	swait.ge [sflag:s28], $0x2800  }
0x52: {  	[sflag:s28] =	ssyncset.done $0x0  }
0x53: {  	s29 =	rddreg [dreg:$0x8];
	[sflag:s28] =	ssyncadd.s32 $0xFFFFD800  }
0x54: {  	[spmem:s29] =	stream.linear.scatter [tilespmem:s26], [sflag:$0x9], $0x2800, $0x38;
	[tilespmem:$0x1DD00] =	vst v63  }
0x55: {  	_ =	swait.ge [sflag:s28], $0x2800  }
0x56: {  	[sflag:s28] =	ssyncset.done $0x0  }
0x57: {  	s5 =	rddreg [dreg:$0x9];
	[sflag:s28] =	ssyncadd.s32 $0xFFFFD800  }
0x58: {  	[spmem:s5] =	stream.linear.scatter [tilespmem:s26], [sflag:$0x9], $0x2800, $0x38;
	[tilespmem:$0x1DD00] =	vst v63  }
0x59: {  	_ =	swait.ge [sflag:s28], $0x2800  }
0x5a: {  	[sflag:s28] =	ssyncset.done $0x0  }
0x5b: {  	s23 =	rddreg [dreg:$0xa];
	[sflag:s28] =	ssyncadd.s32 $0xFFFFD800  }
0x5c: {  	[spmem:s23] =	stream.linear.scatter [tilespmem:s26], [sflag:$0x9], $0x2800, $0x38;
	[tilespmem:$0x1DD00] =	vst v63  }
0x5d: {  	_ =	swait.ge [sflag:s28], $0x2800  }
0x5e: {  	[sflag:s28] =	ssyncset.done $0x0  }
0x5f: {  	s24 =	rddreg [dreg:$0xb];
	[sflag:s28] =	ssyncadd.s32 $0xFFFFD800  }
0x60: {  	[spmem:s24] =	stream.linear.scatter [tilespmem:s26], [sflag:$0x9], $0x2100, $0x38;
	[tilespmem:$0x1DD00] =	vst v63  }
0x61: {  	_ =	swait.ge [sflag:s28], $0x2100  }
0x62: {  	[sflag:s28] =	ssyncset.done $0x0  }
0x63: {  	[sflag:s28] =	ssyncadd.s32 $0xFFFFDF00  }
0x64: {  	[bflag:$0x0] =	sbarrier.arrive $0xFFFF  }
0x65: {  	s23 =	simm.s32 $0x0;
	s25 =	rddreg [dreg:$0xc]  }
0x66: {  	[tilespmem:s23], [sflag:$0x1] =	stream.linear.gather [hbm4b:s25+s23], $0x100, $0x38;
	[tilespmem:$0x1DD00] =	vst v63  }
0x67: {  	s5 =	simm.s32 $0x100;
	s29 =	rddreg [dreg:$0xd]  }
0x68: {  	[tilespmem:s5], [sflag:$0x2] =	stream.linear.gather [hbm4b:s29+s23], $0x100, $0x38;
	[tilespmem:$0x1DD00] =	vst v63  }
0x69: {  	s24 =	rddreg [dreg:$0xe]  }
0x6a: {  	[tilespmem:s30], [sflag:$0x3] =	stream.linear.gather [hbm4b:s24+s23], $0x100, $0x38;
	[tilespmem:$0x1DD00] =	vst v63  }
0x6b: {  	s25 =	rddreg [dreg:$0xf];
	s29 =	simm.s32 $0x1  }
0x6c: {  	[tilespmem:s31], [sflag:$0x4] =	stream.linear.gather [hbm4b:s25+s23], $0x100, $0x38;
	[tilespmem:$0x1DD00] =	vst v63  }
0x6d: {  	_ =	swait.ge [sflag:s29], $0x100  }
0x6e: {  	[sflag:s29] =	ssyncset.done $0x0  }
0x6f: {  	[sflag:s29] =	ssyncadd.s32 $0xFFFFFF00  }
0x70: {  	[tilespmem:s26], [sflag:$0x5] =	stream.indirect.gather [hbm4b:s1+s4], $0x80, s23, s4, $0xb8;
	[tilespmem:$0x1DD00] =	vst v63  }
0x71: {  	_ =	swait.ge [sflag:s6], $0x100  }
0x72: {  	[sflag:s6] =	ssyncset.done $0x0  }
0x73: {  	[sflag:s6] =	ssyncadd.s32 $0xFFFFFF00  }
0x74: {  	[tilespmem:s7], [sflag:$0x6] =	stream.indirect.gather [hbm4b:s1+s4], $0x80, s5, s4, $0xb8;
	[tilespmem:$0x1DD00] =	vst v63  }
0x75: {  	_ =	swait.ge [sflag:s8], $0x100  }
0x76: {  	[sflag:s8] =	ssyncset.done $0x0  }
0x77: {  	[sflag:s8] =	ssyncadd.s32 $0xFFFFFF00  }
0x78: {  	[tilespmem:s9], [sflag:$0x7] =	stream.indirect.gather [hbm4b:s1+s4], $0x80, s30, s4, $0xb8;
	[tilespmem:$0x1DD00] =	vst v63  }
.LBB2_4:
0x79: {  	_ =	swait.ge [sflag:s10], $0x2800  }
0x7a: {  	[sflag:s10] =	ssyncset.done $0x0  }
0x7b: {  	[sflag:s10] =	ssyncadd.s32 $0xFFFFD800  }
0x7c: {  	[spmem:s2] =	stream.indirect.scatter.add.f32 [tilespmem:s26], [sflag:$0x9], $0x80, s11, s4, $0xb8;
	[tilespmem:$0x1DD00] =	vst v63  }
0x7d: {  	_ =	swait.ge [sflag:s28], $0x2800  }
0x7e: {  	p1 =	seq.s32 s23, $0xF80;
	[sflag:s28] =	ssyncset.done $0x0  }
0x7f: {  	s24 =	sadd.s32 @!p1 s23, s22;
	s29 =	simm.s32 @!p1 $0x0;
	[sflag:s28] =	ssyncadd.s32 $0xFFFFD800  }
0x80: {  	[tilespmem:s29], [sflag:$0x1] =	stream.linear.gather @!p1 [hbm4b:s24+s29], $0x100, $0x38;
	[tilespmem:$0x1DD00] =	vst v63  }
0x81: {  	_ =	swait.ge [sflag:s12], $0x100  }
0x82: {  	[sflag:s12] =	ssyncset.done $0x0  }
0x83: {  	[sflag:s12] =	ssyncadd.s32 $0xFFFFFF00  }
0x84: {  	[tilespmem:s14], [sflag:$0x8] =	stream.indirect.gather [hbm4b:s1+s4], $0x80, s31, s4, $0xb8;
	[tilespmem:$0x1DD00] =	vst v63  }
0x85: {  	_ =	swait.ge [sflag:s15], $0x2800  }
0x86: {  	[sflag:s15] =	ssyncset.done $0x0  }
0x87: {  	[sflag:s15] =	ssyncadd.s32 $0xFFFFD800  }
0x88: {  	[spmem:s2] =	stream.indirect.scatter.add.f32 [tilespmem:s7], [sflag:$0x9], $0x80, s16, s4, $0xb8;
	[tilespmem:$0x1DD00] =	vst v63  }
0x89: {  	_ =	swait.ge [sflag:s28], $0x2800  }
0x8a: {  	[sflag:s28] =	ssyncset.done $0x0  }
0x8b: {  	s24 =	simm.s32 @p1 $0x7;
	[sflag:s28] =	ssyncadd.s32 $0xFFFFD800  }
0x8c: {  	_ =	swait.ge @p1 [sflag:s24], $0x2800  }
0x8d: {  	s25 =	simm.s32 @p1 $0x280;
	[sflag:s24] =	ssyncset.done @p1 $0x0  }
0x8e: {  	s5 =	simm.s32 @p1 $0x5400;
	[sflag:s24] =	ssyncadd.s32 @p1 $0xFFFFD800;
	s24 =	simm.s32 @p1 $0x50  }
0x8f: {  	[spmem:s2] =	stream.indirect.scatter.add.f32 @p1 [tilespmem:s5], [sflag:$0x9], $0x80, s25, s24, $0xb8;
	[tilespmem:$0x1DD00] =	vst v63  }
0x90: {  	s5 =	simm.s32 @p1 $0x9  }
0x91: {  	_ =	swait.ge @p1 [sflag:s5], $0x2800  }
0x92: {  	[sflag:s5] =	ssyncset.done @p1 $0x0  }
0x93: {  	s24 =	simm.s32 @!p1 $0x100;
	[sflag:s5] =	ssyncadd.s32 @p1 $0xFFFFD800;
	s5 =	sadd.s32 @!p1 s23, s21  }
0x94: {  	[tilespmem:s24], [sflag:$0x2] =	stream.linear.gather @!p1 [hbm4b:s5+s29], $0x100, $0x38;
	[tilespmem:$0x1DD00] =	vst v63  }
0x95: {  	s5 =	simm.s32 @!p1 $0x1  }
0x96: {  	_ =	swait.ge @!p1 [sflag:s5], $0x100  }
0x97: {  	[sflag:s5] =	ssyncset.done @!p1 $0x0  }
0x98: {  	s25 =	simm.s32 @!p1 $0x400;
	[sflag:s5] =	ssyncadd.s32 @!p1 $0xFFFFFF00;
	s5 =	simm.s32 @!p1 $0x50  }
0x99: {  	[tilespmem:s25], [sflag:$0x5] =	stream.indirect.gather @!p1 [hbm4b:s1+s5], $0x80, s29, s5, $0xb8;
	[tilespmem:$0x1DD00] =	vst v63  }
0x9a: {  	s25 =	simm.s32 @!p1 $0x7  }
0x9b: {  	_ =	swait.ge @!p1 [sflag:s25], $0x2800  }
0x9c: {  	[sflag:s25] =	ssyncset.done @!p1 $0x0  }
0x9d: {  	s0 =	simm.s32 @!p1 $0x5400;
	[sflag:s25] =	ssyncadd.s32 @!p1 $0xFFFFD800;
	s25 =	simm.s32 @!p1 $0x280  }
0x9e: {  	[spmem:s2] =	stream.indirect.scatter.add.f32 @!p1 [tilespmem:s0], [sflag:$0x9], $0x80, s25, s5, $0xb8;
	[tilespmem:$0x1DD00] =	vst v63  }
0x9f: {  	s0 =	simm.s32 @!p1 $0x9  }
0xa0: {  	_ =	swait.ge @!p1 [sflag:s0], $0x2800  }
0xa1: {  	[sflag:s0] =	ssyncset.done @!p1 $0x0  }
0xa2: {  	s25 =	simm.s32 @!p1 $0x200;
	[sflag:s0] =	ssyncadd.s32 @!p1 $0xFFFFD800;
	s0 =	sadd.s32 @!p1 s23, s20  }
0xa3: {  	[tilespmem:s25], [sflag:$0x3] =	stream.linear.gather @!p1 [hbm4b:s0+s29], $0x100, $0x38;
	[tilespmem:$0x1DD00] =	vst v63  }
0xa4: {  	s0 =	simm.s32 @!p1 $0x2  }
0xa5: {  	_ =	swait.ge @!p1 [sflag:s0], $0x100  }
0xa6: {  	[sflag:s0] =	ssyncset.done @!p1 $0x0  }
0xa7: {  	[sflag:s0] =	ssyncadd.s32 @!p1 $0xFFFFFF00;
	s0 =	simm.s32 @!p1 $0x2C00  }
0xa8: {  	[tilespmem:s0], [sflag:$0x6] =	stream.indirect.gather @!p1 [hbm4b:s1+s5], $0x80, s24, s5, $0xb8;
	[tilespmem:$0x1DD00] =	vst v63  }
0xa9: {  	_ =	swait.ge [sflag:s17], $0x2800  }
0xaa: {  	[sflag:s17] =	ssyncset.done $0x0  }
.Ltmp3:
0xab: {  	[sflag:s17] =	ssyncadd.s32 $0xFFFFD800;
	(pc) =	sbr.rel @p1 .LBB2_6-.Ltmp3, $4  }
0xac: {  	[spmem:s2] =	stream.indirect.scatter.add.f32 [tilespmem:s14], [sflag:$0x9], $0x80, s18, s4, $0xb8;
	[tilespmem:$0x1DD00] =	vst v63  }
0xad: {  	_ =	swait.ge [sflag:s28], $0x2800  }
0xae: {  	[sflag:s28] =	ssyncset.done $0x0  }
0xaf: {  	[sflag:s28] =	ssyncadd.s32 $0xFFFFD800  }
0xb0: {  	s0 =	sadd.s32 s23, s19  }
0xb1: {  	[tilespmem:s31], [sflag:$0x4] =	stream.linear.gather [hbm4b:s0+s3], $0x100, $0x38;
	[tilespmem:$0x1DD00] =	vst v63  }
.Ltmp4:
0xb2: {  	_ = 	snop;
	(pc) =	sbr.rel .LBB2_4-.Ltmp4, $4  }
0xb3: {  	_ =	swait.ge [sflag:s8], $0x100  }
0xb4: {  	[sflag:s8] =	ssyncset.done $0x0  }
0xb5: {  	s23 =	sadd.s32 $0x80, s23;
	[sflag:s8] =	ssyncadd.s32 $0xFFFFFF00  }
0xb6: {  	[tilespmem:s9], [sflag:$0x7] =	stream.indirect.gather [hbm4b:s1+s4], $0x80, s30, s4, $0xb8;
	[tilespmem:$0x1DD00] =	vst v63  }
.LBB2_7:
0xb7: {  	_ =	sfence.sel $0x180000  }
0xb8: {  	[bflag:$0x0] =	sbarrier.arrive $0xFFFF  }
0xb9: {  	_ =	strace $0x9000004A  }
0xba: {  	[bflag:$0x2] =	sbarrier.arrive $0xFFFF  }
0xbb: {  	s0 =	rddreg [dreg:$0x3]  }
0xbc: {  	s0 =	sadd.s32 @!p0 $0x100000, s0  }
0xbd: {  	[sflag:s0] =	ssyncadd.tile.s32 @!p0 $0x1;
	_ =	shalt  }
.Lfunc_end2:
_tile_overlayer_lowered:
.L_overlay_start_2:
0xbe: {  	(tag) =	ssettag $0x2  }
0xbf: {  	s0 =	rddreg [dreg:$0x0];
	s2 =	stileid.u32  }
0xc0: {  	s1 =	rddreg [dreg:$0x1];
	p0 =	sne.s32 s2, $0x0  }
0xc1: {  	s3 =	rddreg [dreg:$0x2];
	[bflag:$0x3] =	sbarrier.arrive $0xFFFF;
	s2 =	simm.s32 @!p0 $0x1C09  }
0xc2: {  	[timem:s3], [sflag:s2] =	dma.local @!p0 [hbm:s0], s1  }
0xc3: {  	s0 =	simm.s32 @!p0 $0x9  }
0xc4: {  	_ =	swait.ge @!p0 [sflag:s0], s1  }
0xc5: {  	s1 =	ssub.s32 @!p0 $0x0, s1;
	[sflag:s0] =	ssyncset.done @!p0 $0x0  }
0xc6: {  	[sflag:s0] =	ssyncadd.s32 @!p0 s1  }
0xc7: {  	[bflag:$0x3] =	sbarrier.arrive $0xFFFF  }
0xc8: {  	_ =	shalt  }

</sc_bundles>
